<compile_context>
chip_gen: v7x
topology: tpu7x:2x2x1
jax: 0.10.2.dev20260603
libtpu: 0.0.44.dev20260713+nightly
codegen_flags: <defaults>
</compile_context>

<pallas_src>
import jax
import jax.numpy as jnp
from jax import lax
from jax.experimental import pallas as pl
from jax.experimental.pallas import tpu as pltpu
from jax.experimental.pallas import tpu_sc as plsc

N = 10000
E = 320000
D = 128
NP = 10240

NC = 2
NS = 16
NW = NC * NS
EW = E // NW
EWP = 10240
ROWS = NP // NS

CH = 128
NCHP = EWP // CH
NPH = 2
PCH = NCHP // NPH

SCH = 80
SPCH = 8
SNPH = 16

_mesh = plsc.VectorSubcoreMesh(
    core_axis_name="c", subcore_axis_name="s", num_cores=NC, num_subcores=NS)


def _deg_body(ones_hbm, dst_hbm, zeros_hbm, out_hbm, idx_v, buf0, acc, sem):
    c = lax.axis_index("c")
    s = lax.axis_index("s")
    w = c * NS + s

    @pl.when(c == 0)
    def _():
        pltpu.sync_copy(ones_hbm.at[pl.ds(s * ROWS, ROWS)],
                        acc.at[pl.ds(s * ROWS, ROWS)])

    @pl.when(c != 0)
    def _():
        pltpu.sync_copy(zeros_hbm.at[pl.ds(s * ROWS, ROWS)],
                        acc.at[pl.ds(s * ROWS, ROWS)])

    pltpu.sync_copy(ones_hbm.at[pl.ds(0, CH)], buf0)
    plsc.subcore_barrier()

    def ascatter(j):
        pltpu.async_copy(buf0, acc.at[idx_v.at[j]], sem, add=True)

    def drain_one():
        pltpu.make_async_copy(zeros_hbm.at[pl.ds(0, CH)], buf0, sem).wait()

    def run_phase(p, carry):
        pltpu.sync_copy(dst_hbm.at[w, pl.ds(p * PCH, PCH)], idx_v)
        ascatter(0)
        ascatter(1)
        ascatter(2)
        ascatter(3)

        def body(k, carry2):
            ascatter(k + 4)
            drain_one()
            return carry2

        lax.fori_loop(0, PCH - 4, body, 0)
        for _ in range(4):
            drain_one()
        return carry

    lax.fori_loop(0, NPH, run_phase, 0)

    plsc.subcore_barrier()
    pltpu.sync_copy(acc.at[pl.ds(s * ROWS, ROWS)],
                    out_hbm.at[c, pl.ds(s * ROWS, ROWS)])


def _make_deg_kernel(interpret=False):
    return pl.kernel(
        _deg_body,
        out_type=jax.ShapeDtypeStruct((NC, NP, D), jnp.float32),
        mesh=_mesh,
        scratch_types=[
            pltpu.VMEM((PCH, CH), jnp.int32),
            pltpu.VMEM((CH, D), jnp.float32),
            pltpu.VMEM_SHARED((NP, D), jnp.float32),
            pltpu.SemaphoreType.DMA,
        ],
        interpret=interpret,
    )


_deg_kernel = _make_deg_kernel()


def _seg_body(hp_hbm, idx_hbm, zeros_hbm, out_hbm,
              idx_v, b0, b1, b2, b3, acc, sem_g, sem_s, sem_i):
    c = lax.axis_index("c")
    s = lax.axis_index("s")
    w = c * NS + s
    bufs = (b0, b1, b2, b3)

    @pl.when(c == 0)
    def _():
        pltpu.sync_copy(hp_hbm.at[pl.ds(s * ROWS, ROWS)],
                        acc.at[pl.ds(s * ROWS, ROWS)])

    @pl.when(c != 0)
    def _():
        pltpu.sync_copy(zeros_hbm.at[pl.ds(s * ROWS, ROWS)],
                        acc.at[pl.ds(s * ROWS, ROWS)])

    plsc.subcore_barrier()

    def ifetch(p):
        pltpu.async_copy(idx_hbm.at[w, p], idx_v.at[p % 2], sem_i)

    def drain_i():
        pltpu.make_async_copy(idx_hbm.at[w, 0], idx_v.at[0], sem_i).wait()

    def gather(idx, buf):
        pltpu.async_copy(hp_hbm.at[idx], buf, sem_g)

    def drain_g(buf):
        pltpu.make_async_copy(hp_hbm.at[pl.ds(0, SCH)], buf, sem_g).wait()

    def scatter(idx, buf):
        pltpu.async_copy(buf, acc.at[idx], sem_s, add=True)

    def drain_s(buf):
        pltpu.make_async_copy(zeros_hbm.at[pl.ds(0, SCH)], buf, sem_s).wait()

    ifetch(0)
    drain_i()
    gather(idx_v.at[0, 0, 0], bufs[0])
    gather(idx_v.at[0, 0, 1], bufs[1])

    def run_phase(p, carry):
        pb = p % 2
        pb1 = (p + 1) % 2
        for j in range(SPCH):
            drain_g(bufs[j % 4])
            if j < 2:
                @pl.when(p > 0)
                def _():
                    drain_s(bufs[(j + 2) % 4])
            else:
                drain_s(bufs[(j + 2) % 4])
            if j == 2:
                ifetch(p + 1)
            if j == 5:
                drain_i()
            if j <= 5:
                gather(idx_v.at[pb, 0, j + 2], bufs[(j + 2) % 4])
            else:
                gather(idx_v.at[pb1, 0, j - 6], bufs[(j + 2) % 4])
            scatter(idx_v.at[pb, 1, j], bufs[j % 4])
        return carry

    lax.fori_loop(0, SNPH, run_phase, 0)

    drain_g(bufs[0])
    drain_g(bufs[1])
    drain_s(bufs[0])
    drain_s(bufs[1])

    plsc.subcore_barrier()
    pltpu.sync_copy(acc.at[pl.ds(s * ROWS, ROWS)],
                    out_hbm.at[c, pl.ds(s * ROWS, ROWS)])


def _make_seg_kernel(interpret=False):
    return pl.kernel(
        _seg_body,
        out_type=jax.ShapeDtypeStruct((NC, NP, D), jnp.float32),
        mesh=_mesh,
        scratch_types=[
            pltpu.VMEM((2, 2, SPCH, SCH), jnp.int32),
            pltpu.VMEM((SCH, D), jnp.float32),
            pltpu.VMEM((SCH, D), jnp.float32),
            pltpu.VMEM((SCH, D), jnp.float32),
            pltpu.VMEM((SCH, D), jnp.float32),
            pltpu.VMEM_SHARED((NP, D), jnp.float32),
            pltpu.SemaphoreType.DMA,
            pltpu.SemaphoreType.DMA,
            pltpu.SemaphoreType.DMA,
        ],
        interpret=interpret,
    )


_seg_kernel = _make_seg_kernel()


def _tc1_body(degp_ref, x_ref, w_ref, h_ref, dinv_ref):
    d = degp_ref[0] + degp_ref[1]
    dinvb = lax.rsqrt(d)
    dinv_ref[...] = dinvb
    h = jnp.dot(x_ref[...], w_ref[...], preferred_element_type=jnp.float32)
    h_ref[:N, :] = h * dinvb[:N, :]


def _bn(z, gamma, beta):
    m = jnp.mean(z, axis=0, keepdims=True)
    v = jnp.mean((z - m) * (z - m), axis=0, keepdims=True)
    return (z - m) * lax.rsqrt(v + 1e-5) * gamma + beta


def _tc2_body(sp_ref, dinv_ref, b_ref, g_ref, be_ref, w2_ref, out_ref):
    dinvb = dinv_ref[:N, :]
    z = dinvb * (sp_ref[0, :N, :] + sp_ref[1, :N, :]) + b_ref[...]
    y = jnp.maximum(_bn(z, g_ref[...], be_ref[...]), 0.0)
    h = jnp.dot(y, w2_ref[...], preferred_element_type=jnp.float32)
    out_ref[:N, :] = h * dinvb


def _tc3_body(sp_ref, dinv_ref, b_ref, g_ref, be_ref, out_ref):
    z = dinv_ref[:N, :] * (sp_ref[0, :N, :] + sp_ref[1, :N, :]) + b_ref[...]
    out_ref[...] = _bn(z, g_ref[...], be_ref[...])


_sdsND = jax.ShapeDtypeStruct((N, D), jnp.float32)
_sdsPD = jax.ShapeDtypeStruct((NP, D), jnp.float32)

_tc1 = pl.pallas_call(_tc1_body, out_shape=(_sdsPD, _sdsPD))
_tc2 = pl.pallas_call(_tc2_body, out_shape=_sdsPD)
_tc3 = pl.pallas_call(_tc3_body, out_shape=_sdsND)


def kernel(e_prev, edge_index, W1, b1, gamma1, beta1, W2, b2, gamma2, beta2):
    npad = EWP - EW
    seqp = jnp.arange(NW * npad, dtype=jnp.int32)
    pad_src = (seqp % N).reshape(NW, npad)
    pad_dst = N + (seqp % (NP - N)).reshape(NW, npad)
    src = edge_index[0].reshape(NW, EW)
    dst = edge_index[1].reshape(NW, EW)
    src = jnp.concatenate([src, pad_src], axis=1)
    dst = jnp.concatenate([dst, pad_dst], axis=1)
    dst128 = dst.reshape(NW, NCHP, CH)
    idxall = jnp.stack([src.reshape(NW, SNPH, SPCH, SCH),
                        dst.reshape(NW, SNPH, SPCH, SCH)], axis=2)
    dummy = (jnp.arange(NW * 2 * SPCH * SCH, dtype=jnp.int32)
             % N).reshape(NW, 1, 2, SPCH, SCH)
    idxall = jnp.concatenate([idxall, dummy], axis=1)
    zerosD = jnp.zeros((NP, D), jnp.float32)
    onesD = jnp.ones((NP, D), jnp.float32)
    b1r = b1.reshape(1, D)
    g1r = gamma1.reshape(1, D)
    be1r = beta1.reshape(1, D)
    b2r = b2.reshape(1, D)
    g2r = gamma2.reshape(1, D)
    be2r = beta2.reshape(1, D)

    degp = _deg_kernel(onesD, dst128, zerosD)
    h1p, dinvb = _tc1(degp, e_prev, W1)
    s1 = _seg_kernel(h1p, idxall, zerosD)
    h2p = _tc2(s1, dinvb, b1r, g1r, be1r, W2)
    s2 = _seg_kernel(h2p, idxall, zerosD)
    return _tc3(s2, dinvb, b2r, g2r, be2r)

# --- scband reference (transcript-rebuilt; emitter-appended) ---
"""Pipeline reference for scband-gnnencoder-1073741824178 (READ-ONLY COPY).

The authoritative reference and input builder live on the scoring server;
editing this copy changes nothing except your own understanding.
"""

import jax, jax.numpy as jnp
import numpy as np

N_NODES = 10000
N_EDGES = 320000
D = 128


def setup_inputs(seed: int = 0) -> dict:
    key = jax.random.key(seed)
    k = jax.random.split(key, 12)
    x = jax.random.normal(k[0], (N_NODES, D), dtype=jnp.float32)
    edge_index = jax.random.randint(k[1], (2, N_EDGES), 0, N_NODES, dtype=jnp.int32)
    s = 1.0 / np.sqrt(D)
    W1 = jax.random.normal(k[2], (D, D), dtype=jnp.float32) * s
    b1 = jnp.zeros((D,), dtype=jnp.float32)
    W2 = jax.random.normal(k[3], (D, D), dtype=jnp.float32) * s
    b2 = jnp.zeros((D,), dtype=jnp.float32)
    gamma1 = jnp.ones((D,), dtype=jnp.float32)
    beta1 = jnp.zeros((D,), dtype=jnp.float32)
    gamma2 = jnp.ones((D,), dtype=jnp.float32)
    beta2 = jnp.zeros((D,), dtype=jnp.float32)
    return {"e_prev": x, "edge_index": edge_index, "W1": W1, "b1": b1,
            "gamma1": gamma1, "beta1": beta1, "W2": W2, "b2": b2,
            "gamma2": gamma2, "beta2": beta2}


def _gcn_conv(x, edge_index, W, b):
    # PyG GCNConv: linear transform, then symmetric-normalized aggregation
    # with added self-loops, then bias.
    n = x.shape[0]
    h = x @ W
    src = edge_index[0]
    dst = edge_index[1]
    loop = jnp.arange(n, dtype=src.dtype)
    src = jnp.concatenate([src, loop])
    dst = jnp.concatenate([dst, loop])
    deg = jnp.zeros((n,), dtype=x.dtype).at[dst].add(1.0)
    dinv = jnp.where(deg > 0, 1.0 / jnp.sqrt(deg), 0.0)
    norm = dinv[src] * dinv[dst]
    msg = h[src] * norm[:, None]
    out = jax.ops.segment_sum(msg, dst, num_segments=n)
    return out + b


def _batch_norm(x, gamma, beta, eps=1e-5):
    mean = jnp.mean(x, axis=0)
    var = jnp.var(x, axis=0)
    return (x - mean) / jnp.sqrt(var + eps) * gamma + beta


def reference(e_prev, edge_index, W1, b1, gamma1, beta1, W2, b2, gamma2, beta2):
    # input_dim == hidden_dim so no input_projection in the torch module
    x = _gcn_conv(e_prev, edge_index, W1, b1)
    x = _batch_norm(x, gamma1, beta1)
    x = jax.nn.relu(x)
    # dropout (p=0.2) is identity in eval mode
    x = _gcn_conv(x, edge_index, W2, b2)
    x = _batch_norm(x, gamma2, beta2)
    return x

if __name__ == "__main__":
    import jax
    _d = setup_inputs()
    print(jax.jit(kernel)(*tuple(_d.values())))

</pallas_src>

<mosaic_0001>
#map = affine_map<(d0, d1) -> (0, 0)>
#map1 = affine_map<(d0, d1) -> (0, 0, 0)>
module attributes {stable_mosaic.version = 14 : i64} {
  func.func @_deg_body(%arg0: i32, %arg1: i32, %arg2: memref<10240x128xf32, #tpu.memory_space<hbm>>, %arg3: memref<32x80x128xi32, #tpu.memory_space<hbm>>, %arg4: memref<10240x128xf32, #tpu.memory_space<hbm>>, %arg5: memref<2x10240x128xf32, #tpu.memory_space<hbm>>, %arg6: memref<40x128xi32, #tpu.memory_space<vmem>>, %arg7: memref<128x128xf32, #tpu.memory_space<vmem>>, %arg8: memref<10240x128xf32, #tpu.memory_space<vmem_shared>>, %arg9: memref<!tpu.dma_semaphore, #tpu.memory_space<semaphore_mem>>) attributes {dimension_semantics = [#tpu.dimension_semantics<core_parallel>, #tpu.dimension_semantics<subcore_parallel>], iteration_bounds = array<i64: 2, 16>, scalar_prefetch = 0 : i64, scratch_operands = 4 : i64, tpu.core_type = #tpu.core_type<sc_vector_subcore>, window_params = [{transform_indices = #map}, {transform_indices = #map1}, {transform_indices = #map}, {transform_indices = #map1}]} {
    %mul3A = arith.constant 16 : i32
    %mul3A_0 = arith.muli %arg0, %mul3A : i32
    %add3A = arith.addi %mul3A_0, %arg1 : i32
    %eq3A = arith.constant 0 : i32
    %eq3A_1 = arith.cmpi eq, %arg0, %eq3A : i32
    %convert_element_type3A = arith.extui %eq3A_1 : i1 to i32
    %cond3A = arith.constant 0 : i32
    %cond3A_2 = arith.cmpi ne, %convert_element_type3A, %cond3A : i32
    scf.if %cond3A_2 {
      %mul3A_17 = arith.constant 640 : i32
      %mul3A_18 = arith.muli %arg1, %mul3A_17 : i32
      %mul3A_19 = arith.constant 640 : i32
      %mul3A_20 = arith.muli %arg1, %mul3A_19 : i32
      "tpu.region"() ({
        %run_scoped3A = tpu.sem_alloc : memref<!tpu.dma_semaphore, #tpu.memory_space<semaphore_mem>>
        %dma_start3A = arith.constant 0 : i32
        %dma_start3A_21 = tpu.memref_slice %arg8[%mul3A_20, %dma_start3A] : memref<10240x128xf32, #tpu.memory_space<vmem_shared>> -> memref<640x128xf32, #tpu.memory_space<vmem_shared>>
        %dma_start3A_22 = arith.constant 0 : i32
        %dma_start3A_23 = tpu.memref_slice %arg2[%mul3A_18, %dma_start3A_22] : memref<10240x128xf32, #tpu.memory_space<hbm>> -> memref<640x128xf32, #tpu.memory_space<hbm>>
        tpu.enqueue_dma source(%dma_start3A_23 : memref<640x128xf32, #tpu.memory_space<hbm>>) target(%dma_start3A_21 : memref<640x128xf32, #tpu.memory_space<vmem_shared>>) target_semaphore(%run_scoped3A : memref<!tpu.dma_semaphore, #tpu.memory_space<semaphore_mem>>)
        %dma_wait3A = arith.constant 0 : i32
        %dma_wait3A_24 = tpu.memref_slice %arg8[%mul3A_20, %dma_wait3A] : memref<10240x128xf32, #tpu.memory_space<vmem_shared>> -> memref<640x128xf32, #tpu.memory_space<vmem_shared>>
        %dma_wait3A_25 = arith.constant 0 : i32
        %dma_wait3A_26 = tpu.memref_slice %arg2[%mul3A_18, %dma_wait3A_25] : memref<10240x128xf32, #tpu.memory_space<hbm>> -> memref<640x128xf32, #tpu.memory_space<hbm>>
        tpu.wait_dma2 semaphore(%run_scoped3A : memref<!tpu.dma_semaphore, #tpu.memory_space<semaphore_mem>>) src(%dma_wait3A_26 : memref<640x128xf32, #tpu.memory_space<hbm>>) dst(%dma_wait3A_24 : memref<640x128xf32, #tpu.memory_space<vmem_shared>>)
        tpu.yield
      }) : () -> ()
    } else {
    }
    %ne3A = arith.constant 0 : i32
    %ne3A_3 = arith.cmpi ne, %arg0, %ne3A : i32
    %convert_element_type3A_4 = arith.extui %ne3A_3 : i1 to i32
    %cond3A_5 = arith.constant 0 : i32
    %cond3A_6 = arith.cmpi ne, %convert_element_type3A_4, %cond3A_5 : i32
    scf.if %cond3A_6 {
      %mul3A_17 = arith.constant 640 : i32
      %mul3A_18 = arith.muli %arg1, %mul3A_17 : i32
      %mul3A_19 = arith.constant 640 : i32
      %mul3A_20 = arith.muli %arg1, %mul3A_19 : i32
      "tpu.region"() ({
        %run_scoped3A = tpu.sem_alloc : memref<!tpu.dma_semaphore, #tpu.memory_space<semaphore_mem>>
        %dma_start3A = arith.constant 0 : i32
        %dma_start3A_21 = tpu.memref_slice %arg8[%mul3A_20, %dma_start3A] : memref<10240x128xf32, #tpu.memory_space<vmem_shared>> -> memref<640x128xf32, #tpu.memory_space<vmem_shared>>
        %dma_start3A_22 = arith.constant 0 : i32
        %dma_start3A_23 = tpu.memref_slice %arg4[%mul3A_18, %dma_start3A_22] : memref<10240x128xf32, #tpu.memory_space<hbm>> -> memref<640x128xf32, #tpu.memory_space<hbm>>
        tpu.enqueue_dma source(%dma_start3A_23 : memref<640x128xf32, #tpu.memory_space<hbm>>) target(%dma_start3A_21 : memref<640x128xf32, #tpu.memory_space<vmem_shared>>) target_semaphore(%run_scoped3A : memref<!tpu.dma_semaphore, #tpu.memory_space<semaphore_mem>>)
        %dma_wait3A = arith.constant 0 : i32
        %dma_wait3A_24 = tpu.memref_slice %arg8[%mul3A_20, %dma_wait3A] : memref<10240x128xf32, #tpu.memory_space<vmem_shared>> -> memref<640x128xf32, #tpu.memory_space<vmem_shared>>
        %dma_wait3A_25 = arith.constant 0 : i32
        %dma_wait3A_26 = tpu.memref_slice %arg4[%mul3A_18, %dma_wait3A_25] : memref<10240x128xf32, #tpu.memory_space<hbm>> -> memref<640x128xf32, #tpu.memory_space<hbm>>
        tpu.wait_dma2 semaphore(%run_scoped3A : memref<!tpu.dma_semaphore, #tpu.memory_space<semaphore_mem>>) src(%dma_wait3A_26 : memref<640x128xf32, #tpu.memory_space<hbm>>) dst(%dma_wait3A_24 : memref<640x128xf32, #tpu.memory_space<vmem_shared>>)
        tpu.yield
      }) : () -> ()
    } else {
    }
    "tpu.region"() ({
      %run_scoped3A = tpu.sem_alloc : memref<!tpu.dma_semaphore, #tpu.memory_space<semaphore_mem>>
      %dma_start3A = arith.constant 0 : i32
      %dma_start3A_17 = arith.constant 0 : i32
      %dma_start3A_18 = tpu.memref_slice %arg2[%dma_start3A, %dma_start3A_17] : memref<10240x128xf32, #tpu.memory_space<hbm>> -> memref<128x128xf32, #tpu.memory_space<hbm>>
      %dma_start3A_19 = arith.constant 0 : i32
      %dma_start3A_20 = arith.constant 0 : i32
      %dma_start3A_21 = tpu.memref_slice %arg2[%dma_start3A_19, %dma_start3A_20] : memref<10240x128xf32, #tpu.memory_space<hbm>> -> memref<128x128xf32, #tpu.memory_space<hbm>>
      tpu.enqueue_dma source(%dma_start3A_21 : memref<128x128xf32, #tpu.memory_space<hbm>>) target(%arg7 : memref<128x128xf32, #tpu.memory_space<vmem>>) target_semaphore(%run_scoped3A : memref<!tpu.dma_semaphore, #tpu.memory_space<semaphore_mem>>)
      %dma_wait3A = arith.constant 0 : i32
      %dma_wait3A_22 = arith.constant 0 : i32
      %dma_wait3A_23 = tpu.memref_slice %arg2[%dma_wait3A, %dma_wait3A_22] : memref<10240x128xf32, #tpu.memory_space<hbm>> -> memref<128x128xf32, #tpu.memory_space<hbm>>
      %dma_wait3A_24 = arith.constant 0 : i32
      %dma_wait3A_25 = arith.constant 0 : i32
      %dma_wait3A_26 = tpu.memref_slice %arg2[%dma_wait3A_24, %dma_wait3A_25] : memref<10240x128xf32, #tpu.memory_space<hbm>> -> memref<128x128xf32, #tpu.memory_space<hbm>>
      tpu.wait_dma2 semaphore(%run_scoped3A : memref<!tpu.dma_semaphore, #tpu.memory_space<semaphore_mem>>) src(%dma_wait3A_26 : memref<128x128xf32, #tpu.memory_space<hbm>>) dst(%arg7 : memref<128x128xf32, #tpu.memory_space<vmem>>)
      tpu.yield
    }) : () -> ()
    %barrier3A = arith.constant 0 : index
    tpu.barrier barrier_id(%barrier3A)
    %scan3A = arith.constant 0 : i32
    %scan3A_7 = arith.constant 0 : i32
    %scan3A_8 = arith.constant 2 : i32
    %scan3A_9 = arith.addi %scan3A_7, %scan3A_8 : i32
    %scan3A_10 = arith.constant 1 : i32
    scf.for %scan3A_17 = %scan3A_7 to %scan3A_9 step %scan3A_10  : i32 {
      %mul3A_18 = arith.constant 40 : i32
      %mul3A_19 = arith.muli %scan3A_17, %mul3A_18 : i32
      "tpu.region"() ({
        %run_scoped3A = tpu.sem_alloc : memref<!tpu.dma_semaphore, #tpu.memory_space<semaphore_mem>>
        %dma_start3A_76 = arith.constant 0 : i32
        %dma_start3A_77 = tpu.memref_slice %arg3[%add3A, %mul3A_19, %dma_start3A_76] : memref<32x80x128xi32, #tpu.memory_space<hbm>> -> memref<1x40x128xi32, #tpu.memory_space<hbm>>
        %dma_start3A_78 = tpu.memref_squeeze %dma_start3A_77 : memref<1x40x128xi32, #tpu.memory_space<hbm>> -> memref<40x128xi32, #tpu.memory_space<hbm>>
        %dma_start3A_79 = arith.constant 0 : i32
        %dma_start3A_80 = tpu.memref_slice %arg3[%add3A, %mul3A_19, %dma_start3A_79] : memref<32x80x128xi32, #tpu.memory_space<hbm>> -> memref<1x40x128xi32, #tpu.memory_space<hbm>>
        %dma_start3A_81 = tpu.memref_squeeze %dma_start3A_80 : memref<1x40x128xi32, #tpu.memory_space<hbm>> -> memref<40x128xi32, #tpu.memory_space<hbm>>
        tpu.enqueue_dma source(%dma_start3A_81 : memref<40x128xi32, #tpu.memory_space<hbm>>) target(%arg6 : memref<40x128xi32, #tpu.memory_space<vmem>>) target_semaphore(%run_scoped3A : memref<!tpu.dma_semaphore, #tpu.memory_space<semaphore_mem>>)
        %dma_wait3A_82 = arith.constant 0 : i32
        %dma_wait3A_83 = tpu.memref_slice %arg3[%add3A, %mul3A_19, %dma_wait3A_82] : memref<32x80x128xi32, #tpu.memory_space<hbm>> -> memref<1x40x128xi32, #tpu.memory_space<hbm>>
        %dma_wait3A_84 = tpu.memref_squeeze %dma_wait3A_83 : memref<1x40x128xi32, #tpu.memory_space<hbm>> -> memref<40x128xi32, #tpu.memory_space<hbm>>
        %dma_wait3A_85 = arith.constant 0 : i32
        %dma_wait3A_86 = tpu.memref_slice %arg3[%add3A, %mul3A_19, %dma_wait3A_85] : memref<32x80x128xi32, #tpu.memory_space<hbm>> -> memref<1x40x128xi32, #tpu.memory_space<hbm>>
        %dma_wait3A_87 = tpu.memref_squeeze %dma_wait3A_86 : memref<1x40x128xi32, #tpu.memory_space<hbm>> -> memref<40x128xi32, #tpu.memory_space<hbm>>
        tpu.wait_dma2 semaphore(%run_scoped3A : memref<!tpu.dma_semaphore, #tpu.memory_space<semaphore_mem>>) src(%dma_wait3A_87 : memref<40x128xi32, #tpu.memory_space<hbm>>) dst(%arg6 : memref<40x128xi32, #tpu.memory_space<vmem>>)
        tpu.yield
      }) : () -> ()
      %dma_start3A = arith.constant 0 : i32
      %dma_start3A_20 = arith.constant 0 : i32
      %dma_start3A_21 = tpu.memref_slice %arg6[%dma_start3A, %dma_start3A_20] : memref<40x128xi32, #tpu.memory_space<vmem>> -> memref<1x128xi32, #tpu.memory_space<vmem>>
      %dma_start3A_22 = tpu.memref_squeeze %dma_start3A_21 : memref<1x128xi32, #tpu.memory_space<vmem>> -> memref<128xi32, #tpu.memory_space<vmem>>
      %dma_start3A_23 = arith.constant 0 : i32
      %dma_start3A_24 = arith.constant 0 : i32
      %dma_start3A_25 = tpu.memref_slice %arg8[%dma_start3A_23, %dma_start3A_24] : memref<10240x128xf32, #tpu.memory_space<vmem_shared>> -> memref<10240x128xf32, #tpu.memory_space<vmem_shared>>
      tpu.enqueue_indirect_dma source(%arg7 : memref<128x128xf32, #tpu.memory_space<vmem>>) target(%dma_start3A_25 : memref<10240x128xf32, #tpu.memory_space<vmem_shared>>) offsets(%dma_start3A_22 : memref<128xi32, #tpu.memory_space<vmem>>) semaphore(%arg9 : memref<!tpu.dma_semaphore, #tpu.memory_space<semaphore_mem>>) {add = true}
      %dma_start3A_26 = arith.constant 1 : i32
      %dma_start3A_27 = arith.constant 0 : i32
      %dma_start3A_28 = tpu.memref_slice %arg6[%dma_start3A_26, %dma_start3A_27] : memref<40x128xi32, #tpu.memory_space<vmem>> -> memref<1x128xi32, #tpu.memory_space<vmem>>
      %dma_start3A_29 = tpu.memref_squeeze %dma_start3A_28 : memref<1x128xi32, #tpu.memory_space<vmem>> -> memref<128xi32, #tpu.memory_space<vmem>>
      %dma_start3A_30 = arith.constant 0 : i32
      %dma_start3A_31 = arith.constant 0 : i32
      %dma_start3A_32 = tpu.memref_slice %arg8[%dma_start3A_30, %dma_start3A_31] : memref<10240x128xf32, #tpu.memory_space<vmem_shared>> -> memref<10240x128xf32, #tpu.memory_space<vmem_shared>>
      tpu.enqueue_indirect_dma source(%arg7 : memref<128x128xf32, #tpu.memory_space<vmem>>) target(%dma_start3A_32 : memref<10240x128xf32, #tpu.memory_space<vmem_shared>>) offsets(%dma_start3A_29 : memref<128xi32, #tpu.memory_space<vmem>>) semaphore(%arg9 : memref<!tpu.dma_semaphore, #tpu.memory_space<semaphore_mem>>) {add = true}
      %dma_start3A_33 = arith.constant 2 : i32
      %dma_start3A_34 = arith.constant 0 : i32
      %dma_start3A_35 = tpu.memref_slice %arg6[%dma_start3A_33, %dma_start3A_34] : memref<40x128xi32, #tpu.memory_space<vmem>> -> memref<1x128xi32, #tpu.memory_space<vmem>>
      %dma_start3A_36 = tpu.memref_squeeze %dma_start3A_35 : memref<1x128xi32, #tpu.memory_space<vmem>> -> memref<128xi32, #tpu.memory_space<vmem>>
      %dma_start3A_37 = arith.constant 0 : i32
      %dma_start3A_38 = arith.constant 0 : i32
      %dma_start3A_39 = tpu.memref_slice %arg8[%dma_start3A_37, %dma_start3A_38] : memref<10240x128xf32, #tpu.memory_space<vmem_shared>> -> memref<10240x128xf32, #tpu.memory_space<vmem_shared>>
      tpu.enqueue_indirect_dma source(%arg7 : memref<128x128xf32, #tpu.memory_space<vmem>>) target(%dma_start3A_39 : memref<10240x128xf32, #tpu.memory_space<vmem_shared>>) offsets(%dma_start3A_36 : memref<128xi32, #tpu.memory_space<vmem>>) semaphore(%arg9 : memref<!tpu.dma_semaphore, #tpu.memory_space<semaphore_mem>>) {add = true}
      %dma_start3A_40 = arith.constant 3 : i32
      %dma_start3A_41 = arith.constant 0 : i32
      %dma_start3A_42 = tpu.memref_slice %arg6[%dma_start3A_40, %dma_start3A_41] : memref<40x128xi32, #tpu.memory_space<vmem>> -> memref<1x128xi32, #tpu.memory_space<vmem>>
      %dma_start3A_43 = tpu.memref_squeeze %dma_start3A_42 : memref<1x128xi32, #tpu.memory_space<vmem>> -> memref<128xi32, #tpu.memory_space<vmem>>
      %dma_start3A_44 = arith.constant 0 : i32
      %dma_start3A_45 = arith.constant 0 : i32
      %dma_start3A_46 = tpu.memref_slice %arg8[%dma_start3A_44, %dma_start3A_45] : memref<10240x128xf32, #tpu.memory_space<vmem_shared>> -> memref<10240x128xf32, #tpu.memory_space<vmem_shared>>
      tpu.enqueue_indirect_dma source(%arg7 : memref<128x128xf32, #tpu.memory_space<vmem>>) target(%dma_start3A_46 : memref<10240x128xf32, #tpu.memory_space<vmem_shared>>) offsets(%dma_start3A_43 : memref<128xi32, #tpu.memory_space<vmem>>) semaphore(%arg9 : memref<!tpu.dma_semaphore, #tpu.memory_space<semaphore_mem>>) {add = true}
      %scan3A_47 = arith.constant 0 : i32
      %scan3A_48 = arith.constant 0 : i32
      %scan3A_49 = arith.constant 36 : i32
      %scan3A_50 = arith.addi %scan3A_48, %scan3A_49 : i32
      %scan3A_51 = arith.constant 1 : i32
      scf.for %scan3A_76 = %scan3A_48 to %scan3A_50 step %scan3A_51  : i32 {
        %add3A_77 = arith.constant 4 : i32
        %add3A_78 = arith.addi %scan3A_76, %add3A_77 : i32
        %dma_start3A_79 = arith.constant 0 : i32
        %dma_start3A_80 = tpu.memref_slice %arg6[%add3A_78, %dma_start3A_79] : memref<40x128xi32, #tpu.memory_space<vmem>> -> memref<1x128xi32, #tpu.memory_space<vmem>>
        %dma_start3A_81 = tpu.memref_squeeze %dma_start3A_80 : memref<1x128xi32, #tpu.memory_space<vmem>> -> memref<128xi32, #tpu.memory_space<vmem>>
        %dma_start3A_82 = arith.constant 0 : i32
        %dma_start3A_83 = arith.constant 0 : i32
        %dma_start3A_84 = tpu.memref_slice %arg8[%dma_start3A_82, %dma_start3A_83] : memref<10240x128xf32, #tpu.memory_space<vmem_shared>> -> memref<10240x128xf32, #tpu.memory_space<vmem_shared>>
        tpu.enqueue_indirect_dma source(%arg7 : memref<128x128xf32, #tpu.memory_space<vmem>>) target(%dma_start3A_84 : memref<10240x128xf32, #tpu.memory_space<vmem_shared>>) offsets(%dma_start3A_81 : memref<128xi32, #tpu.memory_space<vmem>>) semaphore(%arg9 : memref<!tpu.dma_semaphore, #tpu.memory_space<semaphore_mem>>) {add = true}
        %dma_wait3A_85 = arith.constant 0 : i32
        %dma_wait3A_86 = arith.constant 0 : i32
        %dma_wait3A_87 = tpu.memref_slice %arg4[%dma_wait3A_85, %dma_wait3A_86] : memref<10240x128xf32, #tpu.memory_space<hbm>> -> memref<128x128xf32, #tpu.memory_space<hbm>>
        %dma_wait3A_88 = arith.constant 0 : i32
        %dma_wait3A_89 = arith.constant 0 : i32
        %dma_wait3A_90 = tpu.memref_slice %arg4[%dma_wait3A_88, %dma_wait3A_89] : memref<10240x128xf32, #tpu.memory_space<hbm>> -> memref<128x128xf32, #tpu.memory_space<hbm>>
        tpu.wait_dma2 semaphore(%arg9 : memref<!tpu.dma_semaphore, #tpu.memory_space<semaphore_mem>>) src(%dma_wait3A_90 : memref<128x128xf32, #tpu.memory_space<hbm>>) dst(%arg7 : memref<128x128xf32, #tpu.memory_space<vmem>>)
      }
      %scan3A_52 = arith.constant 36 : i32
      %dma_wait3A = arith.constant 0 : i32
      %dma_wait3A_53 = arith.constant 0 : i32
      %dma_wait3A_54 = tpu.memref_slice %arg4[%dma_wait3A, %dma_wait3A_53] : memref<10240x128xf32, #tpu.memory_space<hbm>> -> memref<128x128xf32, #tpu.memory_space<hbm>>
      %dma_wait3A_55 = arith.constant 0 : i32
      %dma_wait3A_56 = arith.constant 0 : i32
      %dma_wait3A_57 = tpu.memref_slice %arg4[%dma_wait3A_55, %dma_wait3A_56] : memref<10240x128xf32, #tpu.memory_space<hbm>> -> memref<128x128xf32, #tpu.memory_space<hbm>>
      tpu.wait_dma2 semaphore(%arg9 : memref<!tpu.dma_semaphore, #tpu.memory_space<semaphore_mem>>) src(%dma_wait3A_57 : memref<128x128xf32, #tpu.memory_space<hbm>>) dst(%arg7 : memref<128x128xf32, #tpu.memory_space<vmem>>)
      %dma_wait3A_58 = arith.constant 0 : i32
      %dma_wait3A_59 = arith.constant 0 : i32
      %dma_wait3A_60 = tpu.memref_slice %arg4[%dma_wait3A_58, %dma_wait3A_59] : memref<10240x128xf32, #tpu.memory_space<hbm>> -> memref<128x128xf32, #tpu.memory_space<hbm>>
      %dma_wait3A_61 = arith.constant 0 : i32
      %dma_wait3A_62 = arith.constant 0 : i32
      %dma_wait3A_63 = tpu.memref_slice %arg4[%dma_wait3A_61, %dma_wait3A_62] : memref<10240x128xf32, #tpu.memory_space<hbm>> -> memref<128x128xf32, #tpu.memory_space<hbm>>
      tpu.wait_dma2 semaphore(%arg9 : memref<!tpu.dma_semaphore, #tpu.memory_space<semaphore_mem>>) src(%dma_wait3A_63 : memref<128x128xf32, #tpu.memory_space<hbm>>) dst(%arg7 : memref<128x128xf32, #tpu.memory_space<vmem>>)
      %dma_wait3A_64 = arith.constant 0 : i32
      %dma_wait3A_65 = arith.constant 0 : i32
      %dma_wait3A_66 = tpu.memref_slice %arg4[%dma_wait3A_64, %dma_wait3A_65] : memref<10240x128xf32, #tpu.memory_space<hbm>> -> memref<128x128xf32, #tpu.memory_space<hbm>>
      %dma_wait3A_67 = arith.constant 0 : i32
      %dma_wait3A_68 = arith.constant 0 : i32
      %dma_wait3A_69 = tpu.memref_slice %arg4[%dma_wait3A_67, %dma_wait3A_68] : memref<10240x128xf32, #tpu.memory_space<hbm>> -> memref<128x128xf32, #tpu.memory_space<hbm>>
      tpu.wait_dma2 semaphore(%arg9 : memref<!tpu.dma_semaphore, #tpu.memory_space<semaphore_mem>>) src(%dma_wait3A_69 : memref<128x128xf32, #tpu.memory_space<hbm>>) dst(%arg7 : memref<128x128xf32, #tpu.memory_space<vmem>>)
      %dma_wait3A_70 = arith.constant 0 : i32
      %dma_wait3A_71 = arith.constant 0 : i32
      %dma_wait3A_72 = tpu.memref_slice %arg4[%dma_wait3A_70, %dma_wait3A_71] : memref<10240x128xf32, #tpu.memory_space<hbm>> -> memref<128x128xf32, #tpu.memory_space<hbm>>
      %dma_wait3A_73 = arith.constant 0 : i32
      %dma_wait3A_74 = arith.constant 0 : i32
      %dma_wait3A_75 = tpu.memref_slice %arg4[%dma_wait3A_73, %dma_wait3A_74] : memref<10240x128xf32, #tpu.memory_space<hbm>> -> memref<128x128xf32, #tpu.memory_space<hbm>>
      tpu.wait_dma2 semaphore(%arg9 : memref<!tpu.dma_semaphore, #tpu.memory_space<semaphore_mem>>) src(%dma_wait3A_75 : memref<128x128xf32, #tpu.memory_space<hbm>>) dst(%arg7 : memref<128x128xf32, #tpu.memory_space<vmem>>)
    }
    %scan3A_11 = arith.constant 2 : i32
    %barrier3A_12 = arith.constant 0 : index
    tpu.barrier barrier_id(%barrier3A_12)
    %mul3A_13 = arith.constant 640 : i32
    %mul3A_14 = arith.muli %arg1, %mul3A_13 : i32
    %mul3A_15 = arith.constant 640 : i32
    %mul3A_16 = arith.muli %arg1, %mul3A_15 : i32
    "tpu.region"() ({
      %run_scoped3A = tpu.sem_alloc : memref<!tpu.dma_semaphore, #tpu.memory_space<semaphore_mem>>
      %dma_start3A = arith.constant 0 : i32
      %dma_start3A_17 = tpu.memref_slice %arg5[%arg0, %mul3A_16, %dma_start3A] : memref<2x10240x128xf32, #tpu.memory_space<hbm>> -> memref<1x640x128xf32, #tpu.memory_space<hbm>>
      %dma_start3A_18 = tpu.memref_squeeze %dma_start3A_17 : memref<1x640x128xf32, #tpu.memory_space<hbm>> -> memref<640x128xf32, #tpu.memory_space<hbm>>
      %dma_start3A_19 = arith.constant 0 : i32
      %dma_start3A_20 = tpu.memref_slice %arg8[%mul3A_14, %dma_start3A_19] : memref<10240x128xf32, #tpu.memory_space<vmem_shared>> -> memref<640x128xf32, #tpu.memory_space<vmem_shared>>
      tpu.enqueue_dma source(%dma_start3A_20 : memref<640x128xf32, #tpu.memory_space<vmem_shared>>) target(%dma_start3A_18 : memref<640x128xf32, #tpu.memory_space<hbm>>) target_semaphore(%run_scoped3A : memref<!tpu.dma_semaphore, #tpu.memory_space<semaphore_mem>>)
      %dma_wait3A = arith.constant 0 : i32
      %dma_wait3A_21 = tpu.memref_slice %arg5[%arg0, %mul3A_16, %dma_wait3A] : memref<2x10240x128xf32, #tpu.memory_space<hbm>> -> memref<1x640x128xf32, #tpu.memory_space<hbm>>
      %dma_wait3A_22 = tpu.memref_squeeze %dma_wait3A_21 : memref<1x640x128xf32, #tpu.memory_space<hbm>> -> memref<640x128xf32, #tpu.memory_space<hbm>>
      %dma_wait3A_23 = arith.constant 0 : i32
      %dma_wait3A_24 = tpu.memref_slice %arg8[%mul3A_14, %dma_wait3A_23] : memref<10240x128xf32, #tpu.memory_space<vmem_shared>> -> memref<640x128xf32, #tpu.memory_space<vmem_shared>>
      tpu.wait_dma2 semaphore(%run_scoped3A : memref<!tpu.dma_semaphore, #tpu.memory_space<semaphore_mem>>) src(%dma_wait3A_24 : memref<640x128xf32, #tpu.memory_space<vmem_shared>>) dst(%dma_wait3A_22 : memref<640x128xf32, #tpu.memory_space<hbm>>)
      tpu.yield
    }) : () -> ()
    return
  }
}

#map = affine_map<(d0, d1) -> (0, 0)>
#map1 = affine_map<(d0, d1) -> (0, 0, 0, 0, 0)>
#map2 = affine_map<(d0, d1) -> (0, 0, 0)>
module attributes {stable_mosaic.version = 14 : i64} {
  func.func @_seg_body(%arg0: i32, %arg1: i32, %arg2: memref<10240x128xf32, #tpu.memory_space<hbm>>, %arg3: memref<32x17x2x8x80xi32, #tpu.memory_space<hbm>>, %arg4: memref<10240x128xf32, #tpu.memory_space<hbm>>, %arg5: memref<2x10240x128xf32, #tpu.memory_space<hbm>>, %arg6: memref<2x2x8x80xi32, #tpu.memory_space<vmem>>, %arg7: memref<80x128xf32, #tpu.memory_space<vmem>>, %arg8: memref<80x128xf32, #tpu.memory_space<vmem>>, %arg9: memref<80x128xf32, #tpu.memory_space<vmem>>, %arg10: memref<80x128xf32, #tpu.memory_space<vmem>>, %arg11: memref<10240x128xf32, #tpu.memory_space<vmem_shared>>, %arg12: memref<!tpu.dma_semaphore, #tpu.memory_space<semaphore_mem>>, %arg13: memref<!tpu.dma_semaphore, #tpu.memory_space<semaphore_mem>>, %arg14: memref<!tpu.dma_semaphore, #tpu.memory_space<semaphore_mem>>) attributes {dimension_semantics = [#tpu.dimension_semantics<core_parallel>, #tpu.dimension_semantics<subcore_parallel>], iteration_bounds = array<i64: 2, 16>, scalar_prefetch = 0 : i64, scratch_operands = 9 : i64, tpu.core_type = #tpu.core_type<sc_vector_subcore>, window_params = [{transform_indices = #map}, {transform_indices = #map1}, {transform_indices = #map}, {transform_indices = #map2}]} {
    %mul3A = arith.constant 16 : i32
    %mul3A_0 = arith.muli %arg0, %mul3A : i32
    %add3A = arith.addi %mul3A_0, %arg1 : i32
    %eq3A = arith.constant 0 : i32
    %eq3A_1 = arith.cmpi eq, %arg0, %eq3A : i32
    %convert_element_type3A = arith.extui %eq3A_1 : i1 to i32
    %cond3A = arith.constant 0 : i32
    %cond3A_2 = arith.cmpi ne, %convert_element_type3A, %cond3A : i32
    scf.if %cond3A_2 {
      %mul3A_101 = arith.constant 640 : i32
      %mul3A_102 = arith.muli %arg1, %mul3A_101 : i32
      %mul3A_103 = arith.constant 640 : i32
      %mul3A_104 = arith.muli %arg1, %mul3A_103 : i32
      "tpu.region"() ({
        %run_scoped3A = tpu.sem_alloc : memref<!tpu.dma_semaphore, #tpu.memory_space<semaphore_mem>>
        %dma_start3A_105 = arith.constant 0 : i32
        %dma_start3A_106 = tpu.memref_slice %arg11[%mul3A_104, %dma_start3A_105] : memref<10240x128xf32, #tpu.memory_space<vmem_shared>> -> memref<640x128xf32, #tpu.memory_space<vmem_shared>>
        %dma_start3A_107 = arith.constant 0 : i32
        %dma_start3A_108 = tpu.memref_slice %arg2[%mul3A_102, %dma_start3A_107] : memref<10240x128xf32, #tpu.memory_space<hbm>> -> memref<640x128xf32, #tpu.memory_space<hbm>>
        tpu.enqueue_dma source(%dma_start3A_108 : memref<640x128xf32, #tpu.memory_space<hbm>>) target(%dma_start3A_106 : memref<640x128xf32, #tpu.memory_space<vmem_shared>>) target_semaphore(%run_scoped3A : memref<!tpu.dma_semaphore, #tpu.memory_space<semaphore_mem>>)
        %dma_wait3A_109 = arith.constant 0 : i32
        %dma_wait3A_110 = tpu.memref_slice %arg11[%mul3A_104, %dma_wait3A_109] : memref<10240x128xf32, #tpu.memory_space<vmem_shared>> -> memref<640x128xf32, #tpu.memory_space<vmem_shared>>
        %dma_wait3A_111 = arith.constant 0 : i32
        %dma_wait3A_112 = tpu.memref_slice %arg2[%mul3A_102, %dma_wait3A_111] : memref<10240x128xf32, #tpu.memory_space<hbm>> -> memref<640x128xf32, #tpu.memory_space<hbm>>
        tpu.wait_dma2 semaphore(%run_scoped3A : memref<!tpu.dma_semaphore, #tpu.memory_space<semaphore_mem>>) src(%dma_wait3A_112 : memref<640x128xf32, #tpu.memory_space<hbm>>) dst(%dma_wait3A_110 : memref<640x128xf32, #tpu.memory_space<vmem_shared>>)
        tpu.yield
      }) : () -> ()
    } else {
    }
    %ne3A = arith.constant 0 : i32
    %ne3A_3 = arith.cmpi ne, %arg0, %ne3A : i32
    %convert_element_type3A_4 = arith.extui %ne3A_3 : i1 to i32
    %cond3A_5 = arith.constant 0 : i32
    %cond3A_6 = arith.cmpi ne, %convert_element_type3A_4, %cond3A_5 : i32
    scf.if %cond3A_6 {
      %mul3A_101 = arith.constant 640 : i32
      %mul3A_102 = arith.muli %arg1, %mul3A_101 : i32
      %mul3A_103 = arith.constant 640 : i32
      %mul3A_104 = arith.muli %arg1, %mul3A_103 : i32
      "tpu.region"() ({
        %run_scoped3A = tpu.sem_alloc : memref<!tpu.dma_semaphore, #tpu.memory_space<semaphore_mem>>
        %dma_start3A_105 = arith.constant 0 : i32
        %dma_start3A_106 = tpu.memref_slice %arg11[%mul3A_104, %dma_start3A_105] : memref<10240x128xf32, #tpu.memory_space<vmem_shared>> -> memref<640x128xf32, #tpu.memory_space<vmem_shared>>
        %dma_start3A_107 = arith.constant 0 : i32
        %dma_start3A_108 = tpu.memref_slice %arg4[%mul3A_102, %dma_start3A_107] : memref<10240x128xf32, #tpu.memory_space<hbm>> -> memref<640x128xf32, #tpu.memory_space<hbm>>
        tpu.enqueue_dma source(%dma_start3A_108 : memref<640x128xf32, #tpu.memory_space<hbm>>) target(%dma_start3A_106 : memref<640x128xf32, #tpu.memory_space<vmem_shared>>) target_semaphore(%run_scoped3A : memref<!tpu.dma_semaphore, #tpu.memory_space<semaphore_mem>>)
        %dma_wait3A_109 = arith.constant 0 : i32
        %dma_wait3A_110 = tpu.memref_slice %arg11[%mul3A_104, %dma_wait3A_109] : memref<10240x128xf32, #tpu.memory_space<vmem_shared>> -> memref<640x128xf32, #tpu.memory_space<vmem_shared>>
        %dma_wait3A_111 = arith.constant 0 : i32
        %dma_wait3A_112 = tpu.memref_slice %arg4[%mul3A_102, %dma_wait3A_111] : memref<10240x128xf32, #tpu.memory_space<hbm>> -> memref<640x128xf32, #tpu.memory_space<hbm>>
        tpu.wait_dma2 semaphore(%run_scoped3A : memref<!tpu.dma_semaphore, #tpu.memory_space<semaphore_mem>>) src(%dma_wait3A_112 : memref<640x128xf32, #tpu.memory_space<hbm>>) dst(%dma_wait3A_110 : memref<640x128xf32, #tpu.memory_space<vmem_shared>>)
        tpu.yield
      }) : () -> ()
    } else {
    }
    %barrier3A = arith.constant 0 : index
    tpu.barrier barrier_id(%barrier3A)
    %dma_start3A = arith.constant 0 : i32
    %dma_start3A_7 = arith.constant 0 : i32
    %dma_start3A_8 = arith.constant 0 : i32
    %dma_start3A_9 = arith.constant 0 : i32
    %dma_start3A_10 = arith.constant 0 : i32
    %dma_start3A_11 = tpu.memref_slice %arg6[%dma_start3A_7, %dma_start3A_8, %dma_start3A_9, %dma_start3A_10] : memref<2x2x8x80xi32, #tpu.memory_space<vmem>> -> memref<1x2x8x80xi32, #tpu.memory_space<vmem>>
    %dma_start3A_12 = tpu.memref_squeeze %dma_start3A_11 : memref<1x2x8x80xi32, #tpu.memory_space<vmem>> -> memref<2x8x80xi32, #tpu.memory_space<vmem>>
    %dma_start3A_13 = arith.constant 0 : i32
    %dma_start3A_14 = arith.constant 0 : i32
    %dma_start3A_15 = arith.constant 0 : i32
    %dma_start3A_16 = tpu.memref_slice %arg3[%add3A, %dma_start3A, %dma_start3A_13, %dma_start3A_14, %dma_start3A_15] : memref<32x17x2x8x80xi32, #tpu.memory_space<hbm>> -> memref<1x1x2x8x80xi32, #tpu.memory_space<hbm>>
    %dma_start3A_17 = tpu.memref_squeeze %dma_start3A_16 : memref<1x1x2x8x80xi32, #tpu.memory_space<hbm>> -> memref<2x8x80xi32, #tpu.memory_space<hbm>>
    %dma_start3A_18 = arith.constant 0 : i32
    %dma_start3A_19 = arith.constant 0 : i32
    %dma_start3A_20 = arith.constant 0 : i32
    %dma_start3A_21 = tpu.memref_slice %arg6[%dma_start3A_7, %dma_start3A_18, %dma_start3A_19, %dma_start3A_20] : memref<2x2x8x80xi32, #tpu.memory_space<vmem>> -> memref<1x2x8x80xi32, #tpu.memory_space<vmem>>
    %dma_start3A_22 = tpu.memref_squeeze %dma_start3A_21 : memref<1x2x8x80xi32, #tpu.memory_space<vmem>> -> memref<2x8x80xi32, #tpu.memory_space<vmem>>
    %dma_start3A_23 = arith.constant 0 : i32
    %dma_start3A_24 = arith.constant 0 : i32
    %dma_start3A_25 = arith.constant 0 : i32
    %dma_start3A_26 = tpu.memref_slice %arg3[%add3A, %dma_start3A, %dma_start3A_23, %dma_start3A_24, %dma_start3A_25] : memref<32x17x2x8x80xi32, #tpu.memory_space<hbm>> -> memref<1x1x2x8x80xi32, #tpu.memory_space<hbm>>
    %dma_start3A_27 = tpu.memref_squeeze %dma_start3A_26 : memref<1x1x2x8x80xi32, #tpu.memory_space<hbm>> -> memref<2x8x80xi32, #tpu.memory_space<hbm>>
    tpu.enqueue_dma source(%dma_start3A_27 : memref<2x8x80xi32, #tpu.memory_space<hbm>>) target(%dma_start3A_22 : memref<2x8x80xi32, #tpu.memory_space<vmem>>) target_semaphore(%arg14 : memref<!tpu.dma_semaphore, #tpu.memory_space<semaphore_mem>>)
    %dma_wait3A = arith.constant 0 : i32
    %dma_wait3A_28 = arith.constant 0 : i32
    %dma_wait3A_29 = arith.constant 0 : i32
    %dma_wait3A_30 = arith.constant 0 : i32
    %dma_wait3A_31 = arith.constant 0 : i32
    %dma_wait3A_32 = tpu.memref_slice %arg6[%dma_wait3A_28, %dma_wait3A_29, %dma_wait3A_30, %dma_wait3A_31] : memref<2x2x8x80xi32, #tpu.memory_space<vmem>> -> memref<1x2x8x80xi32, #tpu.memory_space<vmem>>
    %dma_wait3A_33 = tpu.memref_squeeze %dma_wait3A_32 : memref<1x2x8x80xi32, #tpu.memory_space<vmem>> -> memref<2x8x80xi32, #tpu.memory_space<vmem>>
    %dma_wait3A_34 = arith.constant 0 : i32
    %dma_wait3A_35 = arith.constant 0 : i32
    %dma_wait3A_36 = arith.constant 0 : i32
    %dma_wait3A_37 = tpu.memref_slice %arg3[%add3A, %dma_wait3A, %dma_wait3A_34, %dma_wait3A_35, %dma_wait3A_36] : memref<32x17x2x8x80xi32, #tpu.memory_space<hbm>> -> memref<1x1x2x8x80xi32, #tpu.memory_space<hbm>>
    %dma_wait3A_38 = tpu.memref_squeeze %dma_wait3A_37 : memref<1x1x2x8x80xi32, #tpu.memory_space<hbm>> -> memref<2x8x80xi32, #tpu.memory_space<hbm>>
    %dma_wait3A_39 = arith.constant 0 : i32
    %dma_wait3A_40 = arith.constant 0 : i32
    %dma_wait3A_41 = arith.constant 0 : i32
    %dma_wait3A_42 = tpu.memref_slice %arg6[%dma_wait3A_28, %dma_wait3A_39, %dma_wait3A_40, %dma_wait3A_41] : memref<2x2x8x80xi32, #tpu.memory_space<vmem>> -> memref<1x2x8x80xi32, #tpu.memory_space<vmem>>
    %dma_wait3A_43 = tpu.memref_squeeze %dma_wait3A_42 : memref<1x2x8x80xi32, #tpu.memory_space<vmem>> -> memref<2x8x80xi32, #tpu.memory_space<vmem>>
    %dma_wait3A_44 = arith.constant 0 : i32
    %dma_wait3A_45 = arith.constant 0 : i32
    %dma_wait3A_46 = arith.constant 0 : i32
    %dma_wait3A_47 = tpu.memref_slice %arg3[%add3A, %dma_wait3A, %dma_wait3A_44, %dma_wait3A_45, %dma_wait3A_46] : memref<32x17x2x8x80xi32, #tpu.memory_space<hbm>> -> memref<1x1x2x8x80xi32, #tpu.memory_space<hbm>>
    %dma_wait3A_48 = tpu.memref_squeeze %dma_wait3A_47 : memref<1x1x2x8x80xi32, #tpu.memory_space<hbm>> -> memref<2x8x80xi32, #tpu.memory_space<hbm>>
    tpu.wait_dma2 semaphore(%arg14 : memref<!tpu.dma_semaphore, #tpu.memory_space<semaphore_mem>>) src(%dma_wait3A_48 : memref<2x8x80xi32, #tpu.memory_space<hbm>>) dst(%dma_wait3A_43 : memref<2x8x80xi32, #tpu.memory_space<vmem>>)
    %dma_start3A_49 = arith.constant 0 : i32
    %dma_start3A_50 = arith.constant 0 : i32
    %dma_start3A_51 = arith.constant 0 : i32
    %dma_start3A_52 = arith.constant 0 : i32
    %dma_start3A_53 = tpu.memref_slice %arg6[%dma_start3A_49, %dma_start3A_50, %dma_start3A_51, %dma_start3A_52] : memref<2x2x8x80xi32, #tpu.memory_space<vmem>> -> memref<1x1x1x80xi32, #tpu.memory_space<vmem>>
    %dma_start3A_54 = tpu.memref_squeeze %dma_start3A_53 : memref<1x1x1x80xi32, #tpu.memory_space<vmem>> -> memref<80xi32, #tpu.memory_space<vmem>>
    %dma_start3A_55 = arith.constant 0 : i32
    %dma_start3A_56 = arith.constant 0 : i32
    %dma_start3A_57 = tpu.memref_slice %arg2[%dma_start3A_55, %dma_start3A_56] : memref<10240x128xf32, #tpu.memory_space<hbm>> -> memref<10240x128xf32, #tpu.memory_space<hbm>>
    tpu.enqueue_indirect_dma source(%dma_start3A_57 : memref<10240x128xf32, #tpu.memory_space<hbm>>) target(%arg7 : memref<80x128xf32, #tpu.memory_space<vmem>>) offsets(%dma_start3A_54 : memref<80xi32, #tpu.memory_space<vmem>>) semaphore(%arg12 : memref<!tpu.dma_semaphore, #tpu.memory_space<semaphore_mem>>)
    %dma_start3A_58 = arith.constant 0 : i32
    %dma_start3A_59 = arith.constant 0 : i32
    %dma_start3A_60 = arith.constant 1 : i32
    %dma_start3A_61 = arith.constant 0 : i32
    %dma_start3A_62 = tpu.memref_slice %arg6[%dma_start3A_58, %dma_start3A_59, %dma_start3A_60, %dma_start3A_61] : memref<2x2x8x80xi32, #tpu.memory_space<vmem>> -> memref<1x1x1x80xi32, #tpu.memory_space<vmem>>
    %dma_start3A_63 = tpu.memref_squeeze %dma_start3A_62 : memref<1x1x1x80xi32, #tpu.memory_space<vmem>> -> memref<80xi32, #tpu.memory_space<vmem>>
    %dma_start3A_64 = arith.constant 0 : i32
    %dma_start3A_65 = arith.constant 0 : i32
    %dma_start3A_66 = tpu.memref_slice %arg2[%dma_start3A_64, %dma_start3A_65] : memref<10240x128xf32, #tpu.memory_space<hbm>> -> memref<10240x128xf32, #tpu.memory_space<hbm>>
    tpu.enqueue_indirect_dma source(%dma_start3A_66 : memref<10240x128xf32, #tpu.memory_space<hbm>>) target(%arg8 : memref<80x128xf32, #tpu.memory_space<vmem>>) offsets(%dma_start3A_63 : memref<80xi32, #tpu.memory_space<vmem>>) semaphore(%arg12 : memref<!tpu.dma_semaphore, #tpu.memory_space<semaphore_mem>>)
    %scan3A = arith.constant 0 : i32
    %scan3A_67 = arith.constant 0 : i32
    %scan3A_68 = arith.constant 16 : i32
    %scan3A_69 = arith.addi %scan3A_67, %scan3A_68 : i32
    %scan3A_70 = arith.constant 1 : i32
    scf.for %scan3A_101 = %scan3A_67 to %scan3A_69 step %scan3A_70  : i32 {
      %jit3A = arith.constant 2 : i32
      %eq3A_102 = arith.constant 0 : i32
      %eq3A_103 = arith.cmpi eq, %jit3A, %eq3A_102 : i32
      %jit3A_104 = arith.constant 1 : i32
      %select_n3A = arith.select %eq3A_103, %jit3A_104, %jit3A : i32
      %rem3A = arith.remsi %scan3A_101, %select_n3A : i32
      %ne3A_105 = arith.constant 0 : i32
      %ne3A_106 = arith.cmpi ne, %rem3A, %ne3A_105 : i32
      %lt3A = arith.constant 0 : i32
      %lt3A_107 = arith.cmpi slt, %rem3A, %lt3A : i32
      %lt3A_108 = arith.constant 0 : i32
      %lt3A_109 = arith.cmpi slt, %select_n3A, %lt3A_108 : i32
      %ne3A_110 = arith.xori %lt3A_107, %lt3A_109 : i1
      %and3A = arith.andi %ne3A_110, %ne3A_106 : i1
      %add3A_111 = arith.addi %rem3A, %select_n3A : i32
      %select_n3A_112 = arith.select %and3A, %add3A_111, %rem3A : i32
      %add3A_113 = arith.constant 1 : i32
      %add3A_114 = arith.addi %scan3A_101, %add3A_113 : i32
      %jit3A_115 = arith.constant 2 : i32
      %eq3A_116 = arith.constant 0 : i32
      %eq3A_117 = arith.cmpi eq, %jit3A_115, %eq3A_116 : i32
      %jit3A_118 = arith.constant 1 : i32
      %select_n3A_119 = arith.select %eq3A_117, %jit3A_118, %jit3A_115 : i32
      %rem3A_120 = arith.remsi %add3A_114, %select_n3A_119 : i32
      %ne3A_121 = arith.constant 0 : i32
      %ne3A_122 = arith.cmpi ne, %rem3A_120, %ne3A_121 : i32
      %lt3A_123 = arith.constant 0 : i32
      %lt3A_124 = arith.cmpi slt, %rem3A_120, %lt3A_123 : i32
      %lt3A_125 = arith.constant 0 : i32
      %lt3A_126 = arith.cmpi slt, %select_n3A_119, %lt3A_125 : i32
      %ne3A_127 = arith.xori %lt3A_124, %lt3A_126 : i1
      %and3A_128 = arith.andi %ne3A_127, %ne3A_122 : i1
      %add3A_129 = arith.addi %rem3A_120, %select_n3A_119 : i32
      %select_n3A_130 = arith.select %and3A_128, %add3A_129, %rem3A_120 : i32
      %dma_wait3A_131 = arith.constant 0 : i32
      %dma_wait3A_132 = arith.constant 0 : i32
      %dma_wait3A_133 = tpu.memref_slice %arg2[%dma_wait3A_131, %dma_wait3A_132] : memref<10240x128xf32, #tpu.memory_space<hbm>> -> memref<80x128xf32, #tpu.memory_space<hbm>>
      %dma_wait3A_134 = arith.constant 0 : i32
      %dma_wait3A_135 = arith.constant 0 : i32
      %dma_wait3A_136 = tpu.memref_slice %arg2[%dma_wait3A_134, %dma_wait3A_135] : memref<10240x128xf32, #tpu.memory_space<hbm>> -> memref<80x128xf32, #tpu.memory_space<hbm>>
      tpu.wait_dma2 semaphore(%arg12 : memref<!tpu.dma_semaphore, #tpu.memory_space<semaphore_mem>>) src(%dma_wait3A_136 : memref<80x128xf32, #tpu.memory_space<hbm>>) dst(%arg7 : memref<80x128xf32, #tpu.memory_space<vmem>>)
      %gt3A = arith.constant 0 : i32
      %gt3A_137 = arith.cmpi sgt, %scan3A_101, %gt3A : i32
      %convert_element_type3A_138 = arith.extui %gt3A_137 : i1 to i32
      %cond3A_139 = arith.constant 0 : i32
      %cond3A_140 = arith.cmpi ne, %convert_element_type3A_138, %cond3A_139 : i32
      scf.if %cond3A_140 {
        %dma_wait3A_412 = arith.constant 0 : i32
        %dma_wait3A_413 = arith.constant 0 : i32
        %dma_wait3A_414 = tpu.memref_slice %arg4[%dma_wait3A_412, %dma_wait3A_413] : memref<10240x128xf32, #tpu.memory_space<hbm>> -> memref<80x128xf32, #tpu.memory_space<hbm>>
        %dma_wait3A_415 = arith.constant 0 : i32
        %dma_wait3A_416 = arith.constant 0 : i32
        %dma_wait3A_417 = tpu.memref_slice %arg4[%dma_wait3A_415, %dma_wait3A_416] : memref<10240x128xf32, #tpu.memory_space<hbm>> -> memref<80x128xf32, #tpu.memory_space<hbm>>
        tpu.wait_dma2 semaphore(%arg13 : memref<!tpu.dma_semaphore, #tpu.memory_space<semaphore_mem>>) src(%dma_wait3A_417 : memref<80x128xf32, #tpu.memory_space<hbm>>) dst(%arg9 : memref<80x128xf32, #tpu.memory_space<vmem>>)
      } else {
      }
      %dma_start3A_141 = arith.constant 0 : i32
      %dma_start3A_142 = arith.constant 2 : i32
      %dma_start3A_143 = arith.constant 0 : i32
      %dma_start3A_144 = tpu.memref_slice %arg6[%select_n3A_112, %dma_start3A_141, %dma_start3A_142, %dma_start3A_143] : memref<2x2x8x80xi32, #tpu.memory_space<vmem>> -> memref<1x1x1x80xi32, #tpu.memory_space<vmem>>
      %dma_start3A_145 = tpu.memref_squeeze %dma_start3A_144 : memref<1x1x1x80xi32, #tpu.memory_space<vmem>> -> memref<80xi32, #tpu.memory_space<vmem>>
      %dma_start3A_146 = arith.constant 0 : i32
      %dma_start3A_147 = arith.constant 0 : i32
      %dma_start3A_148 = tpu.memref_slice %arg2[%dma_start3A_146, %dma_start3A_147] : memref<10240x128xf32, #tpu.memory_space<hbm>> -> memref<10240x128xf32, #tpu.memory_space<hbm>>
      tpu.enqueue_indirect_dma source(%dma_start3A_148 : memref<10240x128xf32, #tpu.memory_space<hbm>>) target(%arg9 : memref<80x128xf32, #tpu.memory_space<vmem>>) offsets(%dma_start3A_145 : memref<80xi32, #tpu.memory_space<vmem>>) semaphore(%arg12 : memref<!tpu.dma_semaphore, #tpu.memory_space<semaphore_mem>>)
      %dma_start3A_149 = arith.constant 1 : i32
      %dma_start3A_150 = arith.constant 0 : i32
      %dma_start3A_151 = arith.constant 0 : i32
      %dma_start3A_152 = tpu.memref_slice %arg6[%select_n3A_112, %dma_start3A_149, %dma_start3A_150, %dma_start3A_151] : memref<2x2x8x80xi32, #tpu.memory_space<vmem>> -> memref<1x1x1x80xi32, #tpu.memory_space<vmem>>
      %dma_start3A_153 = tpu.memref_squeeze %dma_start3A_152 : memref<1x1x1x80xi32, #tpu.memory_space<vmem>> -> memref<80xi32, #tpu.memory_space<vmem>>
      %dma_start3A_154 = arith.constant 0 : i32
      %dma_start3A_155 = arith.constant 0 : i32
      %dma_start3A_156 = tpu.memref_slice %arg11[%dma_start3A_154, %dma_start3A_155] : memref<10240x128xf32, #tpu.memory_space<vmem_shared>> -> memref<10240x128xf32, #tpu.memory_space<vmem_shared>>
      tpu.enqueue_indirect_dma source(%arg7 : memref<80x128xf32, #tpu.memory_space<vmem>>) target(%dma_start3A_156 : memref<10240x128xf32, #tpu.memory_space<vmem_shared>>) offsets(%dma_start3A_153 : memref<80xi32, #tpu.memory_space<vmem>>) semaphore(%arg13 : memref<!tpu.dma_semaphore, #tpu.memory_space<semaphore_mem>>) {add = true}
      %dma_wait3A_157 = arith.constant 0 : i32
      %dma_wait3A_158 = arith.constant 0 : i32
      %dma_wait3A_159 = tpu.memref_slice %arg2[%dma_wait3A_157, %dma_wait3A_158] : memref<10240x128xf32, #tpu.memory_space<hbm>> -> memref<80x128xf32, #tpu.memory_space<hbm>>
      %dma_wait3A_160 = arith.constant 0 : i32
      %dma_wait3A_161 = arith.constant 0 : i32
      %dma_wait3A_162 = tpu.memref_slice %arg2[%dma_wait3A_160, %dma_wait3A_161] : memref<10240x128xf32, #tpu.memory_space<hbm>> -> memref<80x128xf32, #tpu.memory_space<hbm>>
      tpu.wait_dma2 semaphore(%arg12 : memref<!tpu.dma_semaphore, #tpu.memory_space<semaphore_mem>>) src(%dma_wait3A_162 : memref<80x128xf32, #tpu.memory_space<hbm>>) dst(%arg8 : memref<80x128xf32, #tpu.memory_space<vmem>>)
      %gt3A_163 = arith.constant 0 : i32
      %gt3A_164 = arith.cmpi sgt, %scan3A_101, %gt3A_163 : i32
      %convert_element_type3A_165 = arith.extui %gt3A_164 : i1 to i32
      %cond3A_166 = arith.constant 0 : i32
      %cond3A_167 = arith.cmpi ne, %convert_element_type3A_165, %cond3A_166 : i32
      scf.if %cond3A_167 {
        %dma_wait3A_412 = arith.constant 0 : i32
        %dma_wait3A_413 = arith.constant 0 : i32
        %dma_wait3A_414 = tpu.memref_slice %arg4[%dma_wait3A_412, %dma_wait3A_413] : memref<10240x128xf32, #tpu.memory_space<hbm>> -> memref<80x128xf32, #tpu.memory_space<hbm>>
        %dma_wait3A_415 = arith.constant 0 : i32
        %dma_wait3A_416 = arith.constant 0 : i32
        %dma_wait3A_417 = tpu.memref_slice %arg4[%dma_wait3A_415, %dma_wait3A_416] : memref<10240x128xf32, #tpu.memory_space<hbm>> -> memref<80x128xf32, #tpu.memory_space<hbm>>
        tpu.wait_dma2 semaphore(%arg13 : memref<!tpu.dma_semaphore, #tpu.memory_space<semaphore_mem>>) src(%dma_wait3A_417 : memref<80x128xf32, #tpu.memory_space<hbm>>) dst(%arg10 : memref<80x128xf32, #tpu.memory_space<vmem>>)
      } else {
      }
      %dma_start3A_168 = arith.constant 0 : i32
      %dma_start3A_169 = arith.constant 3 : i32
      %dma_start3A_170 = arith.constant 0 : i32
      %dma_start3A_171 = tpu.memref_slice %arg6[%select_n3A_112, %dma_start3A_168, %dma_start3A_169, %dma_start3A_170] : memref<2x2x8x80xi32, #tpu.memory_space<vmem>> -> memref<1x1x1x80xi32, #tpu.memory_space<vmem>>
      %dma_start3A_172 = tpu.memref_squeeze %dma_start3A_171 : memref<1x1x1x80xi32, #tpu.memory_space<vmem>> -> memref<80xi32, #tpu.memory_space<vmem>>
      %dma_start3A_173 = arith.constant 0 : i32
      %dma_start3A_174 = arith.constant 0 : i32
      %dma_start3A_175 = tpu.memref_slice %arg2[%dma_start3A_173, %dma_start3A_174] : memref<10240x128xf32, #tpu.memory_space<hbm>> -> memref<10240x128xf32, #tpu.memory_space<hbm>>
      tpu.enqueue_indirect_dma source(%dma_start3A_175 : memref<10240x128xf32, #tpu.memory_space<hbm>>) target(%arg10 : memref<80x128xf32, #tpu.memory_space<vmem>>) offsets(%dma_start3A_172 : memref<80xi32, #tpu.memory_space<vmem>>) semaphore(%arg12 : memref<!tpu.dma_semaphore, #tpu.memory_space<semaphore_mem>>)
      %dma_start3A_176 = arith.constant 1 : i32
      %dma_start3A_177 = arith.constant 1 : i32
      %dma_start3A_178 = arith.constant 0 : i32
      %dma_start3A_179 = tpu.memref_slice %arg6[%select_n3A_112, %dma_start3A_176, %dma_start3A_177, %dma_start3A_178] : memref<2x2x8x80xi32, #tpu.memory_space<vmem>> -> memref<1x1x1x80xi32, #tpu.memory_space<vmem>>
      %dma_start3A_180 = tpu.memref_squeeze %dma_start3A_179 : memref<1x1x1x80xi32, #tpu.memory_space<vmem>> -> memref<80xi32, #tpu.memory_space<vmem>>
      %dma_start3A_181 = arith.constant 0 : i32
      %dma_start3A_182 = arith.constant 0 : i32
      %dma_start3A_183 = tpu.memref_slice %arg11[%dma_start3A_181, %dma_start3A_182] : memref<10240x128xf32, #tpu.memory_space<vmem_shared>> -> memref<10240x128xf32, #tpu.memory_space<vmem_shared>>
      tpu.enqueue_indirect_dma source(%arg8 : memref<80x128xf32, #tpu.memory_space<vmem>>) target(%dma_start3A_183 : memref<10240x128xf32, #tpu.memory_space<vmem_shared>>) offsets(%dma_start3A_180 : memref<80xi32, #tpu.memory_space<vmem>>) semaphore(%arg13 : memref<!tpu.dma_semaphore, #tpu.memory_space<semaphore_mem>>) {add = true}
      %dma_wait3A_184 = arith.constant 0 : i32
      %dma_wait3A_185 = arith.constant 0 : i32
      %dma_wait3A_186 = tpu.memref_slice %arg2[%dma_wait3A_184, %dma_wait3A_185] : memref<10240x128xf32, #tpu.memory_space<hbm>> -> memref<80x128xf32, #tpu.memory_space<hbm>>
      %dma_wait3A_187 = arith.constant 0 : i32
      %dma_wait3A_188 = arith.constant 0 : i32
      %dma_wait3A_189 = tpu.memref_slice %arg2[%dma_wait3A_187, %dma_wait3A_188] : memref<10240x128xf32, #tpu.memory_space<hbm>> -> memref<80x128xf32, #tpu.memory_space<hbm>>
      tpu.wait_dma2 semaphore(%arg12 : memref<!tpu.dma_semaphore, #tpu.memory_space<semaphore_mem>>) src(%dma_wait3A_189 : memref<80x128xf32, #tpu.memory_space<hbm>>) dst(%arg9 : memref<80x128xf32, #tpu.memory_space<vmem>>)
      %dma_wait3A_190 = arith.constant 0 : i32
      %dma_wait3A_191 = arith.constant 0 : i32
      %dma_wait3A_192 = tpu.memref_slice %arg4[%dma_wait3A_190, %dma_wait3A_191] : memref<10240x128xf32, #tpu.memory_space<hbm>> -> memref<80x128xf32, #tpu.memory_space<hbm>>
      %dma_wait3A_193 = arith.constant 0 : i32
      %dma_wait3A_194 = arith.constant 0 : i32
      %dma_wait3A_195 = tpu.memref_slice %arg4[%dma_wait3A_193, %dma_wait3A_194] : memref<10240x128xf32, #tpu.memory_space<hbm>> -> memref<80x128xf32, #tpu.memory_space<hbm>>
      tpu.wait_dma2 semaphore(%arg13 : memref<!tpu.dma_semaphore, #tpu.memory_space<semaphore_mem>>) src(%dma_wait3A_195 : memref<80x128xf32, #tpu.memory_space<hbm>>) dst(%arg7 : memref<80x128xf32, #tpu.memory_space<vmem>>)
      %add3A_196 = arith.constant 1 : i32
      %add3A_197 = arith.addi %scan3A_101, %add3A_196 : i32
      %jit3A_198 = arith.constant 2 : i32
      %eq3A_199 = arith.constant 0 : i32
      %eq3A_200 = arith.cmpi eq, %jit3A_198, %eq3A_199 : i32
      %jit3A_201 = arith.constant 1 : i32
      %select_n3A_202 = arith.select %eq3A_200, %jit3A_201, %jit3A_198 : i32
      %rem3A_203 = arith.remsi %add3A_197, %select_n3A_202 : i32
      %ne3A_204 = arith.constant 0 : i32
      %ne3A_205 = arith.cmpi ne, %rem3A_203, %ne3A_204 : i32
      %lt3A_206 = arith.constant 0 : i32
      %lt3A_207 = arith.cmpi slt, %rem3A_203, %lt3A_206 : i32
      %lt3A_208 = arith.constant 0 : i32
      %lt3A_209 = arith.cmpi slt, %select_n3A_202, %lt3A_208 : i32
      %ne3A_210 = arith.xori %lt3A_207, %lt3A_209 : i1
      %and3A_211 = arith.andi %ne3A_210, %ne3A_205 : i1
      %add3A_212 = arith.addi %rem3A_203, %select_n3A_202 : i32
      %select_n3A_213 = arith.select %and3A_211, %add3A_212, %rem3A_203 : i32
      %dma_start3A_214 = arith.constant 0 : i32
      %dma_start3A_215 = arith.constant 0 : i32
      %dma_start3A_216 = arith.constant 0 : i32
      %dma_start3A_217 = tpu.memref_slice %arg6[%select_n3A_213, %dma_start3A_214, %dma_start3A_215, %dma_start3A_216] : memref<2x2x8x80xi32, #tpu.memory_space<vmem>> -> memref<1x2x8x80xi32, #tpu.memory_space<vmem>>
      %dma_start3A_218 = tpu.memref_squeeze %dma_start3A_217 : memref<1x2x8x80xi32, #tpu.memory_space<vmem>> -> memref<2x8x80xi32, #tpu.memory_space<vmem>>
      %dma_start3A_219 = arith.constant 0 : i32
      %dma_start3A_220 = arith.constant 0 : i32
      %dma_start3A_221 = arith.constant 0 : i32
      %dma_start3A_222 = tpu.memref_slice %arg3[%add3A, %add3A_197, %dma_start3A_219, %dma_start3A_220, %dma_start3A_221] : memref<32x17x2x8x80xi32, #tpu.memory_space<hbm>> -> memref<1x1x2x8x80xi32, #tpu.memory_space<hbm>>
      %dma_start3A_223 = tpu.memref_squeeze %dma_start3A_222 : memref<1x1x2x8x80xi32, #tpu.memory_space<hbm>> -> memref<2x8x80xi32, #tpu.memory_space<hbm>>
      %dma_start3A_224 = arith.constant 0 : i32
      %dma_start3A_225 = arith.constant 0 : i32
      %dma_start3A_226 = arith.constant 0 : i32
      %dma_start3A_227 = tpu.memref_slice %arg6[%select_n3A_213, %dma_start3A_224, %dma_start3A_225, %dma_start3A_226] : memref<2x2x8x80xi32, #tpu.memory_space<vmem>> -> memref<1x2x8x80xi32, #tpu.memory_space<vmem>>
      %dma_start3A_228 = tpu.memref_squeeze %dma_start3A_227 : memref<1x2x8x80xi32, #tpu.memory_space<vmem>> -> memref<2x8x80xi32, #tpu.memory_space<vmem>>
      %dma_start3A_229 = arith.constant 0 : i32
      %dma_start3A_230 = arith.constant 0 : i32
      %dma_start3A_231 = arith.constant 0 : i32
      %dma_start3A_232 = tpu.memref_slice %arg3[%add3A, %add3A_197, %dma_start3A_229, %dma_start3A_230, %dma_start3A_231] : memref<32x17x2x8x80xi32, #tpu.memory_space<hbm>> -> memref<1x1x2x8x80xi32, #tpu.memory_space<hbm>>
      %dma_start3A_233 = tpu.memref_squeeze %dma_start3A_232 : memref<1x1x2x8x80xi32, #tpu.memory_space<hbm>> -> memref<2x8x80xi32, #tpu.memory_space<hbm>>
      tpu.enqueue_dma source(%dma_start3A_233 : memref<2x8x80xi32, #tpu.memory_space<hbm>>) target(%dma_start3A_228 : memref<2x8x80xi32, #tpu.memory_space<vmem>>) target_semaphore(%arg14 : memref<!tpu.dma_semaphore, #tpu.memory_space<semaphore_mem>>)
      %dma_start3A_234 = arith.constant 0 : i32
      %dma_start3A_235 = arith.constant 4 : i32
      %dma_start3A_236 = arith.constant 0 : i32
      %dma_start3A_237 = tpu.memref_slice %arg6[%select_n3A_112, %dma_start3A_234, %dma_start3A_235, %dma_start3A_236] : memref<2x2x8x80xi32, #tpu.memory_space<vmem>> -> memref<1x1x1x80xi32, #tpu.memory_space<vmem>>
      %dma_start3A_238 = tpu.memref_squeeze %dma_start3A_237 : memref<1x1x1x80xi32, #tpu.memory_space<vmem>> -> memref<80xi32, #tpu.memory_space<vmem>>
      %dma_start3A_239 = arith.constant 0 : i32
      %dma_start3A_240 = arith.constant 0 : i32
      %dma_start3A_241 = tpu.memref_slice %arg2[%dma_start3A_239, %dma_start3A_240] : memref<10240x128xf32, #tpu.memory_space<hbm>> -> memref<10240x128xf32, #tpu.memory_space<hbm>>
      tpu.enqueue_indirect_dma source(%dma_start3A_241 : memref<10240x128xf32, #tpu.memory_space<hbm>>) target(%arg7 : memref<80x128xf32, #tpu.memory_space<vmem>>) offsets(%dma_start3A_238 : memref<80xi32, #tpu.memory_space<vmem>>) semaphore(%arg12 : memref<!tpu.dma_semaphore, #tpu.memory_space<semaphore_mem>>)
      %dma_start3A_242 = arith.constant 1 : i32
      %dma_start3A_243 = arith.constant 2 : i32
      %dma_start3A_244 = arith.constant 0 : i32
      %dma_start3A_245 = tpu.memref_slice %arg6[%select_n3A_112, %dma_start3A_242, %dma_start3A_243, %dma_start3A_244] : memref<2x2x8x80xi32, #tpu.memory_space<vmem>> -> memref<1x1x1x80xi32, #tpu.memory_space<vmem>>
      %dma_start3A_246 = tpu.memref_squeeze %dma_start3A_245 : memref<1x1x1x80xi32, #tpu.memory_space<vmem>> -> memref<80xi32, #tpu.memory_space<vmem>>
      %dma_start3A_247 = arith.constant 0 : i32
      %dma_start3A_248 = arith.constant 0 : i32
      %dma_start3A_249 = tpu.memref_slice %arg11[%dma_start3A_247, %dma_start3A_248] : memref<10240x128xf32, #tpu.memory_space<vmem_shared>> -> memref<10240x128xf32, #tpu.memory_space<vmem_shared>>
      tpu.enqueue_indirect_dma source(%arg9 : memref<80x128xf32, #tpu.memory_space<vmem>>) target(%dma_start3A_249 : memref<10240x128xf32, #tpu.memory_space<vmem_shared>>) offsets(%dma_start3A_246 : memref<80xi32, #tpu.memory_space<vmem>>) semaphore(%arg13 : memref<!tpu.dma_semaphore, #tpu.memory_space<semaphore_mem>>) {add = true}
      %dma_wait3A_250 = arith.constant 0 : i32
      %dma_wait3A_251 = arith.constant 0 : i32
      %dma_wait3A_252 = tpu.memref_slice %arg2[%dma_wait3A_250, %dma_wait3A_251] : memref<10240x128xf32, #tpu.memory_space<hbm>> -> memref<80x128xf32, #tpu.memory_space<hbm>>
      %dma_wait3A_253 = arith.constant 0 : i32
      %dma_wait3A_254 = arith.constant 0 : i32
      %dma_wait3A_255 = tpu.memref_slice %arg2[%dma_wait3A_253, %dma_wait3A_254] : memref<10240x128xf32, #tpu.memory_space<hbm>> -> memref<80x128xf32, #tpu.memory_space<hbm>>
      tpu.wait_dma2 semaphore(%arg12 : memref<!tpu.dma_semaphore, #tpu.memory_space<semaphore_mem>>) src(%dma_wait3A_255 : memref<80x128xf32, #tpu.memory_space<hbm>>) dst(%arg10 : memref<80x128xf32, #tpu.memory_space<vmem>>)
      %dma_wait3A_256 = arith.constant 0 : i32
      %dma_wait3A_257 = arith.constant 0 : i32
      %dma_wait3A_258 = tpu.memref_slice %arg4[%dma_wait3A_256, %dma_wait3A_257] : memref<10240x128xf32, #tpu.memory_space<hbm>> -> memref<80x128xf32, #tpu.memory_space<hbm>>
      %dma_wait3A_259 = arith.constant 0 : i32
      %dma_wait3A_260 = arith.constant 0 : i32
      %dma_wait3A_261 = tpu.memref_slice %arg4[%dma_wait3A_259, %dma_wait3A_260] : memref<10240x128xf32, #tpu.memory_space<hbm>> -> memref<80x128xf32, #tpu.memory_space<hbm>>
      tpu.wait_dma2 semaphore(%arg13 : memref<!tpu.dma_semaphore, #tpu.memory_space<semaphore_mem>>) src(%dma_wait3A_261 : memref<80x128xf32, #tpu.memory_space<hbm>>) dst(%arg8 : memref<80x128xf32, #tpu.memory_space<vmem>>)
      %dma_start3A_262 = arith.constant 0 : i32
      %dma_start3A_263 = arith.constant 5 : i32
      %dma_start3A_264 = arith.constant 0 : i32
      %dma_start3A_265 = tpu.memref_slice %arg6[%select_n3A_112, %dma_start3A_262, %dma_start3A_263, %dma_start3A_264] : memref<2x2x8x80xi32, #tpu.memory_space<vmem>> -> memref<1x1x1x80xi32, #tpu.memory_space<vmem>>
      %dma_start3A_266 = tpu.memref_squeeze %dma_start3A_265 : memref<1x1x1x80xi32, #tpu.memory_space<vmem>> -> memref<80xi32, #tpu.memory_space<vmem>>
      %dma_start3A_267 = arith.constant 0 : i32
      %dma_start3A_268 = arith.constant 0 : i32
      %dma_start3A_269 = tpu.memref_slice %arg2[%dma_start3A_267, %dma_start3A_268] : memref<10240x128xf32, #tpu.memory_space<hbm>> -> memref<10240x128xf32, #tpu.memory_space<hbm>>
      tpu.enqueue_indirect_dma source(%dma_start3A_269 : memref<10240x128xf32, #tpu.memory_space<hbm>>) target(%arg8 : memref<80x128xf32, #tpu.memory_space<vmem>>) offsets(%dma_start3A_266 : memref<80xi32, #tpu.memory_space<vmem>>) semaphore(%arg12 : memref<!tpu.dma_semaphore, #tpu.memory_space<semaphore_mem>>)
      %dma_start3A_270 = arith.constant 1 : i32
      %dma_start3A_271 = arith.constant 3 : i32
      %dma_start3A_272 = arith.constant 0 : i32
      %dma_start3A_273 = tpu.memref_slice %arg6[%select_n3A_112, %dma_start3A_270, %dma_start3A_271, %dma_start3A_272] : memref<2x2x8x80xi32, #tpu.memory_space<vmem>> -> memref<1x1x1x80xi32, #tpu.memory_space<vmem>>
      %dma_start3A_274 = tpu.memref_squeeze %dma_start3A_273 : memref<1x1x1x80xi32, #tpu.memory_space<vmem>> -> memref<80xi32, #tpu.memory_space<vmem>>
      %dma_start3A_275 = arith.constant 0 : i32
      %dma_start3A_276 = arith.constant 0 : i32
      %dma_start3A_277 = tpu.memref_slice %arg11[%dma_start3A_275, %dma_start3A_276] : memref<10240x128xf32, #tpu.memory_space<vmem_shared>> -> memref<10240x128xf32, #tpu.memory_space<vmem_shared>>
      tpu.enqueue_indirect_dma source(%arg10 : memref<80x128xf32, #tpu.memory_space<vmem>>) target(%dma_start3A_277 : memref<10240x128xf32, #tpu.memory_space<vmem_shared>>) offsets(%dma_start3A_274 : memref<80xi32, #tpu.memory_space<vmem>>) semaphore(%arg13 : memref<!tpu.dma_semaphore, #tpu.memory_space<semaphore_mem>>) {add = true}
      %dma_wait3A_278 = arith.constant 0 : i32
      %dma_wait3A_279 = arith.constant 0 : i32
      %dma_wait3A_280 = tpu.memref_slice %arg2[%dma_wait3A_278, %dma_wait3A_279] : memref<10240x128xf32, #tpu.memory_space<hbm>> -> memref<80x128xf32, #tpu.memory_space<hbm>>
      %dma_wait3A_281 = arith.constant 0 : i32
      %dma_wait3A_282 = arith.constant 0 : i32
      %dma_wait3A_283 = tpu.memref_slice %arg2[%dma_wait3A_281, %dma_wait3A_282] : memref<10240x128xf32, #tpu.memory_space<hbm>> -> memref<80x128xf32, #tpu.memory_space<hbm>>
      tpu.wait_dma2 semaphore(%arg12 : memref<!tpu.dma_semaphore, #tpu.memory_space<semaphore_mem>>) src(%dma_wait3A_283 : memref<80x128xf32, #tpu.memory_space<hbm>>) dst(%arg7 : memref<80x128xf32, #tpu.memory_space<vmem>>)
      %dma_wait3A_284 = arith.constant 0 : i32
      %dma_wait3A_285 = arith.constant 0 : i32
      %dma_wait3A_286 = tpu.memref_slice %arg4[%dma_wait3A_284, %dma_wait3A_285] : memref<10240x128xf32, #tpu.memory_space<hbm>> -> memref<80x128xf32, #tpu.memory_space<hbm>>
      %dma_wait3A_287 = arith.constant 0 : i32
      %dma_wait3A_288 = arith.constant 0 : i32
      %dma_wait3A_289 = tpu.memref_slice %arg4[%dma_wait3A_287, %dma_wait3A_288] : memref<10240x128xf32, #tpu.memory_space<hbm>> -> memref<80x128xf32, #tpu.memory_space<hbm>>
      tpu.wait_dma2 semaphore(%arg13 : memref<!tpu.dma_semaphore, #tpu.memory_space<semaphore_mem>>) src(%dma_wait3A_289 : memref<80x128xf32, #tpu.memory_space<hbm>>) dst(%arg9 : memref<80x128xf32, #tpu.memory_space<vmem>>)
      %dma_start3A_290 = arith.constant 0 : i32
      %dma_start3A_291 = arith.constant 6 : i32
      %dma_start3A_292 = arith.constant 0 : i32
      %dma_start3A_293 = tpu.memref_slice %arg6[%select_n3A_112, %dma_start3A_290, %dma_start3A_291, %dma_start3A_292] : memref<2x2x8x80xi32, #tpu.memory_space<vmem>> -> memref<1x1x1x80xi32, #tpu.memory_space<vmem>>
      %dma_start3A_294 = tpu.memref_squeeze %dma_start3A_293 : memref<1x1x1x80xi32, #tpu.memory_space<vmem>> -> memref<80xi32, #tpu.memory_space<vmem>>
      %dma_start3A_295 = arith.constant 0 : i32
      %dma_start3A_296 = arith.constant 0 : i32
      %dma_start3A_297 = tpu.memref_slice %arg2[%dma_start3A_295, %dma_start3A_296] : memref<10240x128xf32, #tpu.memory_space<hbm>> -> memref<10240x128xf32, #tpu.memory_space<hbm>>
      tpu.enqueue_indirect_dma source(%dma_start3A_297 : memref<10240x128xf32, #tpu.memory_space<hbm>>) target(%arg9 : memref<80x128xf32, #tpu.memory_space<vmem>>) offsets(%dma_start3A_294 : memref<80xi32, #tpu.memory_space<vmem>>) semaphore(%arg12 : memref<!tpu.dma_semaphore, #tpu.memory_space<semaphore_mem>>)
      %dma_start3A_298 = arith.constant 1 : i32
      %dma_start3A_299 = arith.constant 4 : i32
      %dma_start3A_300 = arith.constant 0 : i32
      %dma_start3A_301 = tpu.memref_slice %arg6[%select_n3A_112, %dma_start3A_298, %dma_start3A_299, %dma_start3A_300] : memref<2x2x8x80xi32, #tpu.memory_space<vmem>> -> memref<1x1x1x80xi32, #tpu.memory_space<vmem>>
      %dma_start3A_302 = tpu.memref_squeeze %dma_start3A_301 : memref<1x1x1x80xi32, #tpu.memory_space<vmem>> -> memref<80xi32, #tpu.memory_space<vmem>>
      %dma_start3A_303 = arith.constant 0 : i32
      %dma_start3A_304 = arith.constant 0 : i32
      %dma_start3A_305 = tpu.memref_slice %arg11[%dma_start3A_303, %dma_start3A_304] : memref<10240x128xf32, #tpu.memory_space<vmem_shared>> -> memref<10240x128xf32, #tpu.memory_space<vmem_shared>>
      tpu.enqueue_indirect_dma source(%arg7 : memref<80x128xf32, #tpu.memory_space<vmem>>) target(%dma_start3A_305 : memref<10240x128xf32, #tpu.memory_space<vmem_shared>>) offsets(%dma_start3A_302 : memref<80xi32, #tpu.memory_space<vmem>>) semaphore(%arg13 : memref<!tpu.dma_semaphore, #tpu.memory_space<semaphore_mem>>) {add = true}
      %dma_wait3A_306 = arith.constant 0 : i32
      %dma_wait3A_307 = arith.constant 0 : i32
      %dma_wait3A_308 = tpu.memref_slice %arg2[%dma_wait3A_306, %dma_wait3A_307] : memref<10240x128xf32, #tpu.memory_space<hbm>> -> memref<80x128xf32, #tpu.memory_space<hbm>>
      %dma_wait3A_309 = arith.constant 0 : i32
      %dma_wait3A_310 = arith.constant 0 : i32
      %dma_wait3A_311 = tpu.memref_slice %arg2[%dma_wait3A_309, %dma_wait3A_310] : memref<10240x128xf32, #tpu.memory_space<hbm>> -> memref<80x128xf32, #tpu.memory_space<hbm>>
      tpu.wait_dma2 semaphore(%arg12 : memref<!tpu.dma_semaphore, #tpu.memory_space<semaphore_mem>>) src(%dma_wait3A_311 : memref<80x128xf32, #tpu.memory_space<hbm>>) dst(%arg8 : memref<80x128xf32, #tpu.memory_space<vmem>>)
      %dma_wait3A_312 = arith.constant 0 : i32
      %dma_wait3A_313 = arith.constant 0 : i32
      %dma_wait3A_314 = tpu.memref_slice %arg4[%dma_wait3A_312, %dma_wait3A_313] : memref<10240x128xf32, #tpu.memory_space<hbm>> -> memref<80x128xf32, #tpu.memory_space<hbm>>
      %dma_wait3A_315 = arith.constant 0 : i32
      %dma_wait3A_316 = arith.constant 0 : i32
      %dma_wait3A_317 = tpu.memref_slice %arg4[%dma_wait3A_315, %dma_wait3A_316] : memref<10240x128xf32, #tpu.memory_space<hbm>> -> memref<80x128xf32, #tpu.memory_space<hbm>>
      tpu.wait_dma2 semaphore(%arg13 : memref<!tpu.dma_semaphore, #tpu.memory_space<semaphore_mem>>) src(%dma_wait3A_317 : memref<80x128xf32, #tpu.memory_space<hbm>>) dst(%arg10 : memref<80x128xf32, #tpu.memory_space<vmem>>)
      %dma_wait3A_318 = arith.constant 0 : i32
      %dma_wait3A_319 = arith.constant 0 : i32
      %dma_wait3A_320 = arith.constant 0 : i32
      %dma_wait3A_321 = arith.constant 0 : i32
      %dma_wait3A_322 = arith.constant 0 : i32
      %dma_wait3A_323 = tpu.memref_slice %arg6[%dma_wait3A_319, %dma_wait3A_320, %dma_wait3A_321, %dma_wait3A_322] : memref<2x2x8x80xi32, #tpu.memory_space<vmem>> -> memref<1x2x8x80xi32, #tpu.memory_space<vmem>>
      %dma_wait3A_324 = tpu.memref_squeeze %dma_wait3A_323 : memref<1x2x8x80xi32, #tpu.memory_space<vmem>> -> memref<2x8x80xi32, #tpu.memory_space<vmem>>
      %dma_wait3A_325 = arith.constant 0 : i32
      %dma_wait3A_326 = arith.constant 0 : i32
      %dma_wait3A_327 = arith.constant 0 : i32
      %dma_wait3A_328 = tpu.memref_slice %arg3[%add3A, %dma_wait3A_318, %dma_wait3A_325, %dma_wait3A_326, %dma_wait3A_327] : memref<32x17x2x8x80xi32, #tpu.memory_space<hbm>> -> memref<1x1x2x8x80xi32, #tpu.memory_space<hbm>>
      %dma_wait3A_329 = tpu.memref_squeeze %dma_wait3A_328 : memref<1x1x2x8x80xi32, #tpu.memory_space<hbm>> -> memref<2x8x80xi32, #tpu.memory_space<hbm>>
      %dma_wait3A_330 = arith.constant 0 : i32
      %dma_wait3A_331 = arith.constant 0 : i32
      %dma_wait3A_332 = arith.constant 0 : i32
      %dma_wait3A_333 = tpu.memref_slice %arg6[%dma_wait3A_319, %dma_wait3A_330, %dma_wait3A_331, %dma_wait3A_332] : memref<2x2x8x80xi32, #tpu.memory_space<vmem>> -> memref<1x2x8x80xi32, #tpu.memory_space<vmem>>
      %dma_wait3A_334 = tpu.memref_squeeze %dma_wait3A_333 : memref<1x2x8x80xi32, #tpu.memory_space<vmem>> -> memref<2x8x80xi32, #tpu.memory_space<vmem>>
      %dma_wait3A_335 = arith.constant 0 : i32
      %dma_wait3A_336 = arith.constant 0 : i32
      %dma_wait3A_337 = arith.constant 0 : i32
      %dma_wait3A_338 = tpu.memref_slice %arg3[%add3A, %dma_wait3A_318, %dma_wait3A_335, %dma_wait3A_336, %dma_wait3A_337] : memref<32x17x2x8x80xi32, #tpu.memory_space<hbm>> -> memref<1x1x2x8x80xi32, #tpu.memory_space<hbm>>
      %dma_wait3A_339 = tpu.memref_squeeze %dma_wait3A_338 : memref<1x1x2x8x80xi32, #tpu.memory_space<hbm>> -> memref<2x8x80xi32, #tpu.memory_space<hbm>>
      tpu.wait_dma2 semaphore(%arg14 : memref<!tpu.dma_semaphore, #tpu.memory_space<semaphore_mem>>) src(%dma_wait3A_339 : memref<2x8x80xi32, #tpu.memory_space<hbm>>) dst(%dma_wait3A_334 : memref<2x8x80xi32, #tpu.memory_space<vmem>>)
      %dma_start3A_340 = arith.constant 0 : i32
      %dma_start3A_341 = arith.constant 7 : i32
      %dma_start3A_342 = arith.constant 0 : i32
      %dma_start3A_343 = tpu.memref_slice %arg6[%select_n3A_112, %dma_start3A_340, %dma_start3A_341, %dma_start3A_342] : memref<2x2x8x80xi32, #tpu.memory_space<vmem>> -> memref<1x1x1x80xi32, #tpu.memory_space<vmem>>
      %dma_start3A_344 = tpu.memref_squeeze %dma_start3A_343 : memref<1x1x1x80xi32, #tpu.memory_space<vmem>> -> memref<80xi32, #tpu.memory_space<vmem>>
      %dma_start3A_345 = arith.constant 0 : i32
      %dma_start3A_346 = arith.constant 0 : i32
      %dma_start3A_347 = tpu.memref_slice %arg2[%dma_start3A_345, %dma_start3A_346] : memref<10240x128xf32, #tpu.memory_space<hbm>> -> memref<10240x128xf32, #tpu.memory_space<hbm>>
      tpu.enqueue_indirect_dma source(%dma_start3A_347 : memref<10240x128xf32, #tpu.memory_space<hbm>>) target(%arg10 : memref<80x128xf32, #tpu.memory_space<vmem>>) offsets(%dma_start3A_344 : memref<80xi32, #tpu.memory_space<vmem>>) semaphore(%arg12 : memref<!tpu.dma_semaphore, #tpu.memory_space<semaphore_mem>>)
      %dma_start3A_348 = arith.constant 1 : i32
      %dma_start3A_349 = arith.constant 5 : i32
      %dma_start3A_350 = arith.constant 0 : i32
      %dma_start3A_351 = tpu.memref_slice %arg6[%select_n3A_112, %dma_start3A_348, %dma_start3A_349, %dma_start3A_350] : memref<2x2x8x80xi32, #tpu.memory_space<vmem>> -> memref<1x1x1x80xi32, #tpu.memory_space<vmem>>
      %dma_start3A_352 = tpu.memref_squeeze %dma_start3A_351 : memref<1x1x1x80xi32, #tpu.memory_space<vmem>> -> memref<80xi32, #tpu.memory_space<vmem>>
      %dma_start3A_353 = arith.constant 0 : i32
      %dma_start3A_354 = arith.constant 0 : i32
      %dma_start3A_355 = tpu.memref_slice %arg11[%dma_start3A_353, %dma_start3A_354] : memref<10240x128xf32, #tpu.memory_space<vmem_shared>> -> memref<10240x128xf32, #tpu.memory_space<vmem_shared>>
      tpu.enqueue_indirect_dma source(%arg8 : memref<80x128xf32, #tpu.memory_space<vmem>>) target(%dma_start3A_355 : memref<10240x128xf32, #tpu.memory_space<vmem_shared>>) offsets(%dma_start3A_352 : memref<80xi32, #tpu.memory_space<vmem>>) semaphore(%arg13 : memref<!tpu.dma_semaphore, #tpu.memory_space<semaphore_mem>>) {add = true}
      %dma_wait3A_356 = arith.constant 0 : i32
      %dma_wait3A_357 = arith.constant 0 : i32
      %dma_wait3A_358 = tpu.memref_slice %arg2[%dma_wait3A_356, %dma_wait3A_357] : memref<10240x128xf32, #tpu.memory_space<hbm>> -> memref<80x128xf32, #tpu.memory_space<hbm>>
      %dma_wait3A_359 = arith.constant 0 : i32
      %dma_wait3A_360 = arith.constant 0 : i32
      %dma_wait3A_361 = tpu.memref_slice %arg2[%dma_wait3A_359, %dma_wait3A_360] : memref<10240x128xf32, #tpu.memory_space<hbm>> -> memref<80x128xf32, #tpu.memory_space<hbm>>
      tpu.wait_dma2 semaphore(%arg12 : memref<!tpu.dma_semaphore, #tpu.memory_space<semaphore_mem>>) src(%dma_wait3A_361 : memref<80x128xf32, #tpu.memory_space<hbm>>) dst(%arg9 : memref<80x128xf32, #tpu.memory_space<vmem>>)
      %dma_wait3A_362 = arith.constant 0 : i32
      %dma_wait3A_363 = arith.constant 0 : i32
      %dma_wait3A_364 = tpu.memref_slice %arg4[%dma_wait3A_362, %dma_wait3A_363] : memref<10240x128xf32, #tpu.memory_space<hbm>> -> memref<80x128xf32, #tpu.memory_space<hbm>>
      %dma_wait3A_365 = arith.constant 0 : i32
      %dma_wait3A_366 = arith.constant 0 : i32
      %dma_wait3A_367 = tpu.memref_slice %arg4[%dma_wait3A_365, %dma_wait3A_366] : memref<10240x128xf32, #tpu.memory_space<hbm>> -> memref<80x128xf32, #tpu.memory_space<hbm>>
      tpu.wait_dma2 semaphore(%arg13 : memref<!tpu.dma_semaphore, #tpu.memory_space<semaphore_mem>>) src(%dma_wait3A_367 : memref<80x128xf32, #tpu.memory_space<hbm>>) dst(%arg7 : memref<80x128xf32, #tpu.memory_space<vmem>>)
      %dma_start3A_368 = arith.constant 0 : i32
      %dma_start3A_369 = arith.constant 0 : i32
      %dma_start3A_370 = arith.constant 0 : i32
      %dma_start3A_371 = tpu.memref_slice %arg6[%select_n3A_130, %dma_start3A_368, %dma_start3A_369, %dma_start3A_370] : memref<2x2x8x80xi32, #tpu.memory_space<vmem>> -> memref<1x1x1x80xi32, #tpu.memory_space<vmem>>
      %dma_start3A_372 = tpu.memref_squeeze %dma_start3A_371 : memref<1x1x1x80xi32, #tpu.memory_space<vmem>> -> memref<80xi32, #tpu.memory_space<vmem>>
      %dma_start3A_373 = arith.constant 0 : i32
      %dma_start3A_374 = arith.constant 0 : i32
      %dma_start3A_375 = tpu.memref_slice %arg2[%dma_start3A_373, %dma_start3A_374] : memref<10240x128xf32, #tpu.memory_space<hbm>> -> memref<10240x128xf32, #tpu.memory_space<hbm>>
      tpu.enqueue_indirect_dma source(%dma_start3A_375 : memref<10240x128xf32, #tpu.memory_space<hbm>>) target(%arg7 : memref<80x128xf32, #tpu.memory_space<vmem>>) offsets(%dma_start3A_372 : memref<80xi32, #tpu.memory_space<vmem>>) semaphore(%arg12 : memref<!tpu.dma_semaphore, #tpu.memory_space<semaphore_mem>>)
      %dma_start3A_376 = arith.constant 1 : i32
      %dma_start3A_377 = arith.constant 6 : i32
      %dma_start3A_378 = arith.constant 0 : i32
      %dma_start3A_379 = tpu.memref_slice %arg6[%select_n3A_112, %dma_start3A_376, %dma_start3A_377, %dma_start3A_378] : memref<2x2x8x80xi32, #tpu.memory_space<vmem>> -> memref<1x1x1x80xi32, #tpu.memory_space<vmem>>
      %dma_start3A_380 = tpu.memref_squeeze %dma_start3A_379 : memref<1x1x1x80xi32, #tpu.memory_space<vmem>> -> memref<80xi32, #tpu.memory_space<vmem>>
      %dma_start3A_381 = arith.constant 0 : i32
      %dma_start3A_382 = arith.constant 0 : i32
      %dma_start3A_383 = tpu.memref_slice %arg11[%dma_start3A_381, %dma_start3A_382] : memref<10240x128xf32, #tpu.memory_space<vmem_shared>> -> memref<10240x128xf32, #tpu.memory_space<vmem_shared>>
      tpu.enqueue_indirect_dma source(%arg9 : memref<80x128xf32, #tpu.memory_space<vmem>>) target(%dma_start3A_383 : memref<10240x128xf32, #tpu.memory_space<vmem_shared>>) offsets(%dma_start3A_380 : memref<80xi32, #tpu.memory_space<vmem>>) semaphore(%arg13 : memref<!tpu.dma_semaphore, #tpu.memory_space<semaphore_mem>>) {add = true}
      %dma_wait3A_384 = arith.constant 0 : i32
      %dma_wait3A_385 = arith.constant 0 : i32
      %dma_wait3A_386 = tpu.memref_slice %arg2[%dma_wait3A_384, %dma_wait3A_385] : memref<10240x128xf32, #tpu.memory_space<hbm>> -> memref<80x128xf32, #tpu.memory_space<hbm>>
      %dma_wait3A_387 = arith.constant 0 : i32
      %dma_wait3A_388 = arith.constant 0 : i32
      %dma_wait3A_389 = tpu.memref_slice %arg2[%dma_wait3A_387, %dma_wait3A_388] : memref<10240x128xf32, #tpu.memory_space<hbm>> -> memref<80x128xf32, #tpu.memory_space<hbm>>
      tpu.wait_dma2 semaphore(%arg12 : memref<!tpu.dma_semaphore, #tpu.memory_space<semaphore_mem>>) src(%dma_wait3A_389 : memref<80x128xf32, #tpu.memory_space<hbm>>) dst(%arg10 : memref<80x128xf32, #tpu.memory_space<vmem>>)
      %dma_wait3A_390 = arith.constant 0 : i32
      %dma_wait3A_391 = arith.constant 0 : i32
      %dma_wait3A_392 = tpu.memref_slice %arg4[%dma_wait3A_390, %dma_wait3A_391] : memref<10240x128xf32, #tpu.memory_space<hbm>> -> memref<80x128xf32, #tpu.memory_space<hbm>>
      %dma_wait3A_393 = arith.constant 0 : i32
      %dma_wait3A_394 = arith.constant 0 : i32
      %dma_wait3A_395 = tpu.memref_slice %arg4[%dma_wait3A_393, %dma_wait3A_394] : memref<10240x128xf32, #tpu.memory_space<hbm>> -> memref<80x128xf32, #tpu.memory_space<hbm>>
      tpu.wait_dma2 semaphore(%arg13 : memref<!tpu.dma_semaphore, #tpu.memory_space<semaphore_mem>>) src(%dma_wait3A_395 : memref<80x128xf32, #tpu.memory_space<hbm>>) dst(%arg8 : memref<80x128xf32, #tpu.memory_space<vmem>>)
      %dma_start3A_396 = arith.constant 0 : i32
      %dma_start3A_397 = arith.constant 1 : i32
      %dma_start3A_398 = arith.constant 0 : i32
      %dma_start3A_399 = tpu.memref_slice %arg6[%select_n3A_130, %dma_start3A_396, %dma_start3A_397, %dma_start3A_398] : memref<2x2x8x80xi32, #tpu.memory_space<vmem>> -> memref<1x1x1x80xi32, #tpu.memory_space<vmem>>
      %dma_start3A_400 = tpu.memref_squeeze %dma_start3A_399 : memref<1x1x1x80xi32, #tpu.memory_space<vmem>> -> memref<80xi32, #tpu.memory_space<vmem>>
      %dma_start3A_401 = arith.constant 0 : i32
      %dma_start3A_402 = arith.constant 0 : i32
      %dma_start3A_403 = tpu.memref_slice %arg2[%dma_start3A_401, %dma_start3A_402] : memref<10240x128xf32, #tpu.memory_space<hbm>> -> memref<10240x128xf32, #tpu.memory_space<hbm>>
      tpu.enqueue_indirect_dma source(%dma_start3A_403 : memref<10240x128xf32, #tpu.memory_space<hbm>>) target(%arg8 : memref<80x128xf32, #tpu.memory_space<vmem>>) offsets(%dma_start3A_400 : memref<80xi32, #tpu.memory_space<vmem>>) semaphore(%arg12 : memref<!tpu.dma_semaphore, #tpu.memory_space<semaphore_mem>>)
      %dma_start3A_404 = arith.constant 1 : i32
      %dma_start3A_405 = arith.constant 7 : i32
      %dma_start3A_406 = arith.constant 0 : i32
      %dma_start3A_407 = tpu.memref_slice %arg6[%select_n3A_112, %dma_start3A_404, %dma_start3A_405, %dma_start3A_406] : memref<2x2x8x80xi32, #tpu.memory_space<vmem>> -> memref<1x1x1x80xi32, #tpu.memory_space<vmem>>
      %dma_start3A_408 = tpu.memref_squeeze %dma_start3A_407 : memref<1x1x1x80xi32, #tpu.memory_space<vmem>> -> memref<80xi32, #tpu.memory_space<vmem>>
      %dma_start3A_409 = arith.constant 0 : i32
      %dma_start3A_410 = arith.constant 0 : i32
      %dma_start3A_411 = tpu.memref_slice %arg11[%dma_start3A_409, %dma_start3A_410] : memref<10240x128xf32, #tpu.memory_space<vmem_shared>> -> memref<10240x128xf32, #tpu.memory_space<vmem_shared>>
      tpu.enqueue_indirect_dma source(%arg10 : memref<80x128xf32, #tpu.memory_space<vmem>>) target(%dma_start3A_411 : memref<10240x128xf32, #tpu.memory_space<vmem_shared>>) offsets(%dma_start3A_408 : memref<80xi32, #tpu.memory_space<vmem>>) semaphore(%arg13 : memref<!tpu.dma_semaphore, #tpu.memory_space<semaphore_mem>>) {add = true}
    }
    %scan3A_71 = arith.constant 16 : i32
    %dma_wait3A_72 = arith.constant 0 : i32
    %dma_wait3A_73 = arith.constant 0 : i32
    %dma_wait3A_74 = tpu.memref_slice %arg2[%dma_wait3A_72, %dma_wait3A_73] : memref<10240x128xf32, #tpu.memory_space<hbm>> -> memref<80x128xf32, #tpu.memory_space<hbm>>
    %dma_wait3A_75 = arith.constant 0 : i32
    %dma_wait3A_76 = arith.constant 0 : i32
    %dma_wait3A_77 = tpu.memref_slice %arg2[%dma_wait3A_75, %dma_wait3A_76] : memref<10240x128xf32, #tpu.memory_space<hbm>> -> memref<80x128xf32, #tpu.memory_space<hbm>>
    tpu.wait_dma2 semaphore(%arg12 : memref<!tpu.dma_semaphore, #tpu.memory_space<semaphore_mem>>) src(%dma_wait3A_77 : memref<80x128xf32, #tpu.memory_space<hbm>>) dst(%arg7 : memref<80x128xf32, #tpu.memory_space<vmem>>)
    %dma_wait3A_78 = arith.constant 0 : i32
    %dma_wait3A_79 = arith.constant 0 : i32
    %dma_wait3A_80 = tpu.memref_slice %arg2[%dma_wait3A_78, %dma_wait3A_79] : memref<10240x128xf32, #tpu.memory_space<hbm>> -> memref<80x128xf32, #tpu.memory_space<hbm>>
    %dma_wait3A_81 = arith.constant 0 : i32
    %dma_wait3A_82 = arith.constant 0 : i32
    %dma_wait3A_83 = tpu.memref_slice %arg2[%dma_wait3A_81, %dma_wait3A_82] : memref<10240x128xf32, #tpu.memory_space<hbm>> -> memref<80x128xf32, #tpu.memory_space<hbm>>
    tpu.wait_dma2 semaphore(%arg12 : memref<!tpu.dma_semaphore, #tpu.memory_space<semaphore_mem>>) src(%dma_wait3A_83 : memref<80x128xf32, #tpu.memory_space<hbm>>) dst(%arg8 : memref<80x128xf32, #tpu.memory_space<vmem>>)
    %dma_wait3A_84 = arith.constant 0 : i32
    %dma_wait3A_85 = arith.constant 0 : i32
    %dma_wait3A_86 = tpu.memref_slice %arg4[%dma_wait3A_84, %dma_wait3A_85] : memref<10240x128xf32, #tpu.memory_space<hbm>> -> memref<80x128xf32, #tpu.memory_space<hbm>>
    %dma_wait3A_87 = arith.constant 0 : i32
    %dma_wait3A_88 = arith.constant 0 : i32
    %dma_wait3A_89 = tpu.memref_slice %arg4[%dma_wait3A_87, %dma_wait3A_88] : memref<10240x128xf32, #tpu.memory_space<hbm>> -> memref<80x128xf32, #tpu.memory_space<hbm>>
    tpu.wait_dma2 semaphore(%arg13 : memref<!tpu.dma_semaphore, #tpu.memory_space<semaphore_mem>>) src(%dma_wait3A_89 : memref<80x128xf32, #tpu.memory_space<hbm>>) dst(%arg7 : memref<80x128xf32, #tpu.memory_space<vmem>>)
    %dma_wait3A_90 = arith.constant 0 : i32
    %dma_wait3A_91 = arith.constant 0 : i32
    %dma_wait3A_92 = tpu.memref_slice %arg4[%dma_wait3A_90, %dma_wait3A_91] : memref<10240x128xf32, #tpu.memory_space<hbm>> -> memref<80x128xf32, #tpu.memory_space<hbm>>
    %dma_wait3A_93 = arith.constant 0 : i32
    %dma_wait3A_94 = arith.constant 0 : i32
    %dma_wait3A_95 = tpu.memref_slice %arg4[%dma_wait3A_93, %dma_wait3A_94] : memref<10240x128xf32, #tpu.memory_space<hbm>> -> memref<80x128xf32, #tpu.memory_space<hbm>>
    tpu.wait_dma2 semaphore(%arg13 : memref<!tpu.dma_semaphore, #tpu.memory_space<semaphore_mem>>) src(%dma_wait3A_95 : memref<80x128xf32, #tpu.memory_space<hbm>>) dst(%arg8 : memref<80x128xf32, #tpu.memory_space<vmem>>)
    %barrier3A_96 = arith.constant 0 : index
    tpu.barrier barrier_id(%barrier3A_96)
    %mul3A_97 = arith.constant 640 : i32
    %mul3A_98 = arith.muli %arg1, %mul3A_97 : i32
    %mul3A_99 = arith.constant 640 : i32
    %mul3A_100 = arith.muli %arg1, %mul3A_99 : i32
    "tpu.region"() ({
      %run_scoped3A = tpu.sem_alloc : memref<!tpu.dma_semaphore, #tpu.memory_space<semaphore_mem>>
      %dma_start3A_101 = arith.constant 0 : i32
      %dma_start3A_102 = tpu.memref_slice %arg5[%arg0, %mul3A_100, %dma_start3A_101] : memref<2x10240x128xf32, #tpu.memory_space<hbm>> -> memref<1x640x128xf32, #tpu.memory_space<hbm>>
      %dma_start3A_103 = tpu.memref_squeeze %dma_start3A_102 : memref<1x640x128xf32, #tpu.memory_space<hbm>> -> memref<640x128xf32, #tpu.memory_space<hbm>>
      %dma_start3A_104 = arith.constant 0 : i32
      %dma_start3A_105 = tpu.memref_slice %arg11[%mul3A_98, %dma_start3A_104] : memref<10240x128xf32, #tpu.memory_space<vmem_shared>> -> memref<640x128xf32, #tpu.memory_space<vmem_shared>>
      tpu.enqueue_dma source(%dma_start3A_105 : memref<640x128xf32, #tpu.memory_space<vmem_shared>>) target(%dma_start3A_103 : memref<640x128xf32, #tpu.memory_space<hbm>>) target_semaphore(%run_scoped3A : memref<!tpu.dma_semaphore, #tpu.memory_space<semaphore_mem>>)
      %dma_wait3A_106 = arith.constant 0 : i32
      %dma_wait3A_107 = tpu.memref_slice %arg5[%arg0, %mul3A_100, %dma_wait3A_106] : memref<2x10240x128xf32, #tpu.memory_space<hbm>> -> memref<1x640x128xf32, #tpu.memory_space<hbm>>
      %dma_wait3A_108 = tpu.memref_squeeze %dma_wait3A_107 : memref<1x640x128xf32, #tpu.memory_space<hbm>> -> memref<640x128xf32, #tpu.memory_space<hbm>>
      %dma_wait3A_109 = arith.constant 0 : i32
      %dma_wait3A_110 = tpu.memref_slice %arg11[%mul3A_98, %dma_wait3A_109] : memref<10240x128xf32, #tpu.memory_space<vmem_shared>> -> memref<640x128xf32, #tpu.memory_space<vmem_shared>>
      tpu.wait_dma2 semaphore(%run_scoped3A : memref<!tpu.dma_semaphore, #tpu.memory_space<semaphore_mem>>) src(%dma_wait3A_110 : memref<640x128xf32, #tpu.memory_space<vmem_shared>>) dst(%dma_wait3A_108 : memref<640x128xf32, #tpu.memory_space<hbm>>)
      tpu.yield
    }) : () -> ()
    return
  }
}

#map = affine_map<(d0, d1) -> (0, 0)>
#map1 = affine_map<(d0, d1) -> (0, 0, 0, 0, 0)>
#map2 = affine_map<(d0, d1) -> (0, 0, 0)>
module attributes {stable_mosaic.version = 14 : i64} {
  func.func @_seg_body(%arg0: i32, %arg1: i32, %arg2: memref<10240x128xf32, #tpu.memory_space<hbm>>, %arg3: memref<32x17x2x8x80xi32, #tpu.memory_space<hbm>>, %arg4: memref<10240x128xf32, #tpu.memory_space<hbm>>, %arg5: memref<2x10240x128xf32, #tpu.memory_space<hbm>>, %arg6: memref<2x2x8x80xi32, #tpu.memory_space<vmem>>, %arg7: memref<80x128xf32, #tpu.memory_space<vmem>>, %arg8: memref<80x128xf32, #tpu.memory_space<vmem>>, %arg9: memref<80x128xf32, #tpu.memory_space<vmem>>, %arg10: memref<80x128xf32, #tpu.memory_space<vmem>>, %arg11: memref<10240x128xf32, #tpu.memory_space<vmem_shared>>, %arg12: memref<!tpu.dma_semaphore, #tpu.memory_space<semaphore_mem>>, %arg13: memref<!tpu.dma_semaphore, #tpu.memory_space<semaphore_mem>>, %arg14: memref<!tpu.dma_semaphore, #tpu.memory_space<semaphore_mem>>) attributes {dimension_semantics = [#tpu.dimension_semantics<core_parallel>, #tpu.dimension_semantics<subcore_parallel>], iteration_bounds = array<i64: 2, 16>, scalar_prefetch = 0 : i64, scratch_operands = 9 : i64, tpu.core_type = #tpu.core_type<sc_vector_subcore>, window_params = [{transform_indices = #map}, {transform_indices = #map1}, {transform_indices = #map}, {transform_indices = #map2}]} {
    %mul3A = arith.constant 16 : i32
    %mul3A_0 = arith.muli %arg0, %mul3A : i32
    %add3A = arith.addi %mul3A_0, %arg1 : i32
    %eq3A = arith.constant 0 : i32
    %eq3A_1 = arith.cmpi eq, %arg0, %eq3A : i32
    %convert_element_type3A = arith.extui %eq3A_1 : i1 to i32
    %cond3A = arith.constant 0 : i32
    %cond3A_2 = arith.cmpi ne, %convert_element_type3A, %cond3A : i32
    scf.if %cond3A_2 {
      %mul3A_101 = arith.constant 640 : i32
      %mul3A_102 = arith.muli %arg1, %mul3A_101 : i32
      %mul3A_103 = arith.constant 640 : i32
      %mul3A_104 = arith.muli %arg1, %mul3A_103 : i32
      "tpu.region"() ({
        %run_scoped3A = tpu.sem_alloc : memref<!tpu.dma_semaphore, #tpu.memory_space<semaphore_mem>>
        %dma_start3A_105 = arith.constant 0 : i32
        %dma_start3A_106 = tpu.memref_slice %arg11[%mul3A_104, %dma_start3A_105] : memref<10240x128xf32, #tpu.memory_space<vmem_shared>> -> memref<640x128xf32, #tpu.memory_space<vmem_shared>>
        %dma_start3A_107 = arith.constant 0 : i32
        %dma_start3A_108 = tpu.memref_slice %arg2[%mul3A_102, %dma_start3A_107] : memref<10240x128xf32, #tpu.memory_space<hbm>> -> memref<640x128xf32, #tpu.memory_space<hbm>>
        tpu.enqueue_dma source(%dma_start3A_108 : memref<640x128xf32, #tpu.memory_space<hbm>>) target(%dma_start3A_106 : memref<640x128xf32, #tpu.memory_space<vmem_shared>>) target_semaphore(%run_scoped3A : memref<!tpu.dma_semaphore, #tpu.memory_space<semaphore_mem>>)
        %dma_wait3A_109 = arith.constant 0 : i32
        %dma_wait3A_110 = tpu.memref_slice %arg11[%mul3A_104, %dma_wait3A_109] : memref<10240x128xf32, #tpu.memory_space<vmem_shared>> -> memref<640x128xf32, #tpu.memory_space<vmem_shared>>
        %dma_wait3A_111 = arith.constant 0 : i32
        %dma_wait3A_112 = tpu.memref_slice %arg2[%mul3A_102, %dma_wait3A_111] : memref<10240x128xf32, #tpu.memory_space<hbm>> -> memref<640x128xf32, #tpu.memory_space<hbm>>
        tpu.wait_dma2 semaphore(%run_scoped3A : memref<!tpu.dma_semaphore, #tpu.memory_space<semaphore_mem>>) src(%dma_wait3A_112 : memref<640x128xf32, #tpu.memory_space<hbm>>) dst(%dma_wait3A_110 : memref<640x128xf32, #tpu.memory_space<vmem_shared>>)
        tpu.yield
      }) : () -> ()
    } else {
    }
    %ne3A = arith.constant 0 : i32
    %ne3A_3 = arith.cmpi ne, %arg0, %ne3A : i32
    %convert_element_type3A_4 = arith.extui %ne3A_3 : i1 to i32
    %cond3A_5 = arith.constant 0 : i32
    %cond3A_6 = arith.cmpi ne, %convert_element_type3A_4, %cond3A_5 : i32
    scf.if %cond3A_6 {
      %mul3A_101 = arith.constant 640 : i32
      %mul3A_102 = arith.muli %arg1, %mul3A_101 : i32
      %mul3A_103 = arith.constant 640 : i32
      %mul3A_104 = arith.muli %arg1, %mul3A_103 : i32
      "tpu.region"() ({
        %run_scoped3A = tpu.sem_alloc : memref<!tpu.dma_semaphore, #tpu.memory_space<semaphore_mem>>
        %dma_start3A_105 = arith.constant 0 : i32
        %dma_start3A_106 = tpu.memref_slice %arg11[%mul3A_104, %dma_start3A_105] : memref<10240x128xf32, #tpu.memory_space<vmem_shared>> -> memref<640x128xf32, #tpu.memory_space<vmem_shared>>
        %dma_start3A_107 = arith.constant 0 : i32
        %dma_start3A_108 = tpu.memref_slice %arg4[%mul3A_102, %dma_start3A_107] : memref<10240x128xf32, #tpu.memory_space<hbm>> -> memref<640x128xf32, #tpu.memory_space<hbm>>
        tpu.enqueue_dma source(%dma_start3A_108 : memref<640x128xf32, #tpu.memory_space<hbm>>) target(%dma_start3A_106 : memref<640x128xf32, #tpu.memory_space<vmem_shared>>) target_semaphore(%run_scoped3A : memref<!tpu.dma_semaphore, #tpu.memory_space<semaphore_mem>>)
        %dma_wait3A_109 = arith.constant 0 : i32
        %dma_wait3A_110 = tpu.memref_slice %arg11[%mul3A_104, %dma_wait3A_109] : memref<10240x128xf32, #tpu.memory_space<vmem_shared>> -> memref<640x128xf32, #tpu.memory_space<vmem_shared>>
        %dma_wait3A_111 = arith.constant 0 : i32
        %dma_wait3A_112 = tpu.memref_slice %arg4[%mul3A_102, %dma_wait3A_111] : memref<10240x128xf32, #tpu.memory_space<hbm>> -> memref<640x128xf32, #tpu.memory_space<hbm>>
        tpu.wait_dma2 semaphore(%run_scoped3A : memref<!tpu.dma_semaphore, #tpu.memory_space<semaphore_mem>>) src(%dma_wait3A_112 : memref<640x128xf32, #tpu.memory_space<hbm>>) dst(%dma_wait3A_110 : memref<640x128xf32, #tpu.memory_space<vmem_shared>>)
        tpu.yield
      }) : () -> ()
    } else {
    }
    %barrier3A = arith.constant 0 : index
    tpu.barrier barrier_id(%barrier3A)
    %dma_start3A = arith.constant 0 : i32
    %dma_start3A_7 = arith.constant 0 : i32
    %dma_start3A_8 = arith.constant 0 : i32
    %dma_start3A_9 = arith.constant 0 : i32
    %dma_start3A_10 = arith.constant 0 : i32
    %dma_start3A_11 = tpu.memref_slice %arg6[%dma_start3A_7, %dma_start3A_8, %dma_start3A_9, %dma_start3A_10] : memref<2x2x8x80xi32, #tpu.memory_space<vmem>> -> memref<1x2x8x80xi32, #tpu.memory_space<vmem>>
    %dma_start3A_12 = tpu.memref_squeeze %dma_start3A_11 : memref<1x2x8x80xi32, #tpu.memory_space<vmem>> -> memref<2x8x80xi32, #tpu.memory_space<vmem>>
    %dma_start3A_13 = arith.constant 0 : i32
    %dma_start3A_14 = arith.constant 0 : i32
    %dma_start3A_15 = arith.constant 0 : i32
    %dma_start3A_16 = tpu.memref_slice %arg3[%add3A, %dma_start3A, %dma_start3A_13, %dma_start3A_14, %dma_start3A_15] : memref<32x17x2x8x80xi32, #tpu.memory_space<hbm>> -> memref<1x1x2x8x80xi32, #tpu.memory_space<hbm>>
    %dma_start3A_17 = tpu.memref_squeeze %dma_start3A_16 : memref<1x1x2x8x80xi32, #tpu.memory_space<hbm>> -> memref<2x8x80xi32, #tpu.memory_space<hbm>>
    %dma_start3A_18 = arith.constant 0 : i32
    %dma_start3A_19 = arith.constant 0 : i32
    %dma_start3A_20 = arith.constant 0 : i32
    %dma_start3A_21 = tpu.memref_slice %arg6[%dma_start3A_7, %dma_start3A_18, %dma_start3A_19, %dma_start3A_20] : memref<2x2x8x80xi32, #tpu.memory_space<vmem>> -> memref<1x2x8x80xi32, #tpu.memory_space<vmem>>
    %dma_start3A_22 = tpu.memref_squeeze %dma_start3A_21 : memref<1x2x8x80xi32, #tpu.memory_space<vmem>> -> memref<2x8x80xi32, #tpu.memory_space<vmem>>
    %dma_start3A_23 = arith.constant 0 : i32
    %dma_start3A_24 = arith.constant 0 : i32
    %dma_start3A_25 = arith.constant 0 : i32
    %dma_start3A_26 = tpu.memref_slice %arg3[%add3A, %dma_start3A, %dma_start3A_23, %dma_start3A_24, %dma_start3A_25] : memref<32x17x2x8x80xi32, #tpu.memory_space<hbm>> -> memref<1x1x2x8x80xi32, #tpu.memory_space<hbm>>
    %dma_start3A_27 = tpu.memref_squeeze %dma_start3A_26 : memref<1x1x2x8x80xi32, #tpu.memory_space<hbm>> -> memref<2x8x80xi32, #tpu.memory_space<hbm>>
    tpu.enqueue_dma source(%dma_start3A_27 : memref<2x8x80xi32, #tpu.memory_space<hbm>>) target(%dma_start3A_22 : memref<2x8x80xi32, #tpu.memory_space<vmem>>) target_semaphore(%arg14 : memref<!tpu.dma_semaphore, #tpu.memory_space<semaphore_mem>>)
    %dma_wait3A = arith.constant 0 : i32
    %dma_wait3A_28 = arith.constant 0 : i32
    %dma_wait3A_29 = arith.constant 0 : i32
    %dma_wait3A_30 = arith.constant 0 : i32
    %dma_wait3A_31 = arith.constant 0 : i32
    %dma_wait3A_32 = tpu.memref_slice %arg6[%dma_wait3A_28, %dma_wait3A_29, %dma_wait3A_30, %dma_wait3A_31] : memref<2x2x8x80xi32, #tpu.memory_space<vmem>> -> memref<1x2x8x80xi32, #tpu.memory_space<vmem>>
    %dma_wait3A_33 = tpu.memref_squeeze %dma_wait3A_32 : memref<1x2x8x80xi32, #tpu.memory_space<vmem>> -> memref<2x8x80xi32, #tpu.memory_space<vmem>>
    %dma_wait3A_34 = arith.constant 0 : i32
    %dma_wait3A_35 = arith.constant 0 : i32
    %dma_wait3A_36 = arith.constant 0 : i32
    %dma_wait3A_37 = tpu.memref_slice %arg3[%add3A, %dma_wait3A, %dma_wait3A_34, %dma_wait3A_35, %dma_wait3A_36] : memref<32x17x2x8x80xi32, #tpu.memory_space<hbm>> -> memref<1x1x2x8x80xi32, #tpu.memory_space<hbm>>
    %dma_wait3A_38 = tpu.memref_squeeze %dma_wait3A_37 : memref<1x1x2x8x80xi32, #tpu.memory_space<hbm>> -> memref<2x8x80xi32, #tpu.memory_space<hbm>>
    %dma_wait3A_39 = arith.constant 0 : i32
    %dma_wait3A_40 = arith.constant 0 : i32
    %dma_wait3A_41 = arith.constant 0 : i32
    %dma_wait3A_42 = tpu.memref_slice %arg6[%dma_wait3A_28, %dma_wait3A_39, %dma_wait3A_40, %dma_wait3A_41] : memref<2x2x8x80xi32, #tpu.memory_space<vmem>> -> memref<1x2x8x80xi32, #tpu.memory_space<vmem>>
    %dma_wait3A_43 = tpu.memref_squeeze %dma_wait3A_42 : memref<1x2x8x80xi32, #tpu.memory_space<vmem>> -> memref<2x8x80xi32, #tpu.memory_space<vmem>>
    %dma_wait3A_44 = arith.constant 0 : i32
    %dma_wait3A_45 = arith.constant 0 : i32
    %dma_wait3A_46 = arith.constant 0 : i32
    %dma_wait3A_47 = tpu.memref_slice %arg3[%add3A, %dma_wait3A, %dma_wait3A_44, %dma_wait3A_45, %dma_wait3A_46] : memref<32x17x2x8x80xi32, #tpu.memory_space<hbm>> -> memref<1x1x2x8x80xi32, #tpu.memory_space<hbm>>
    %dma_wait3A_48 = tpu.memref_squeeze %dma_wait3A_47 : memref<1x1x2x8x80xi32, #tpu.memory_space<hbm>> -> memref<2x8x80xi32, #tpu.memory_space<hbm>>
    tpu.wait_dma2 semaphore(%arg14 : memref<!tpu.dma_semaphore, #tpu.memory_space<semaphore_mem>>) src(%dma_wait3A_48 : memref<2x8x80xi32, #tpu.memory_space<hbm>>) dst(%dma_wait3A_43 : memref<2x8x80xi32, #tpu.memory_space<vmem>>)
    %dma_start3A_49 = arith.constant 0 : i32
    %dma_start3A_50 = arith.constant 0 : i32
    %dma_start3A_51 = arith.constant 0 : i32
    %dma_start3A_52 = arith.constant 0 : i32
    %dma_start3A_53 = tpu.memref_slice %arg6[%dma_start3A_49, %dma_start3A_50, %dma_start3A_51, %dma_start3A_52] : memref<2x2x8x80xi32, #tpu.memory_space<vmem>> -> memref<1x1x1x80xi32, #tpu.memory_space<vmem>>
    %dma_start3A_54 = tpu.memref_squeeze %dma_start3A_53 : memref<1x1x1x80xi32, #tpu.memory_space<vmem>> -> memref<80xi32, #tpu.memory_space<vmem>>
    %dma_start3A_55 = arith.constant 0 : i32
    %dma_start3A_56 = arith.constant 0 : i32
    %dma_start3A_57 = tpu.memref_slice %arg2[%dma_start3A_55, %dma_start3A_56] : memref<10240x128xf32, #tpu.memory_space<hbm>> -> memref<10240x128xf32, #tpu.memory_space<hbm>>
    tpu.enqueue_indirect_dma source(%dma_start3A_57 : memref<10240x128xf32, #tpu.memory_space<hbm>>) target(%arg7 : memref<80x128xf32, #tpu.memory_space<vmem>>) offsets(%dma_start3A_54 : memref<80xi32, #tpu.memory_space<vmem>>) semaphore(%arg12 : memref<!tpu.dma_semaphore, #tpu.memory_space<semaphore_mem>>)
    %dma_start3A_58 = arith.constant 0 : i32
    %dma_start3A_59 = arith.constant 0 : i32
    %dma_start3A_60 = arith.constant 1 : i32
    %dma_start3A_61 = arith.constant 0 : i32
    %dma_start3A_62 = tpu.memref_slice %arg6[%dma_start3A_58, %dma_start3A_59, %dma_start3A_60, %dma_start3A_61] : memref<2x2x8x80xi32, #tpu.memory_space<vmem>> -> memref<1x1x1x80xi32, #tpu.memory_space<vmem>>
    %dma_start3A_63 = tpu.memref_squeeze %dma_start3A_62 : memref<1x1x1x80xi32, #tpu.memory_space<vmem>> -> memref<80xi32, #tpu.memory_space<vmem>>
    %dma_start3A_64 = arith.constant 0 : i32
    %dma_start3A_65 = arith.constant 0 : i32
    %dma_start3A_66 = tpu.memref_slice %arg2[%dma_start3A_64, %dma_start3A_65] : memref<10240x128xf32, #tpu.memory_space<hbm>> -> memref<10240x128xf32, #tpu.memory_space<hbm>>
    tpu.enqueue_indirect_dma source(%dma_start3A_66 : memref<10240x128xf32, #tpu.memory_space<hbm>>) target(%arg8 : memref<80x128xf32, #tpu.memory_space<vmem>>) offsets(%dma_start3A_63 : memref<80xi32, #tpu.memory_space<vmem>>) semaphore(%arg12 : memref<!tpu.dma_semaphore, #tpu.memory_space<semaphore_mem>>)
    %scan3A = arith.constant 0 : i32
    %scan3A_67 = arith.constant 0 : i32
    %scan3A_68 = arith.constant 16 : i32
    %scan3A_69 = arith.addi %scan3A_67, %scan3A_68 : i32
    %scan3A_70 = arith.constant 1 : i32
    scf.for %scan3A_101 = %scan3A_67 to %scan3A_69 step %scan3A_70  : i32 {
      %jit3A = arith.constant 2 : i32
      %eq3A_102 = arith.constant 0 : i32
      %eq3A_103 = arith.cmpi eq, %jit3A, %eq3A_102 : i32
      %jit3A_104 = arith.constant 1 : i32
      %select_n3A = arith.select %eq3A_103, %jit3A_104, %jit3A : i32
      %rem3A = arith.remsi %scan3A_101, %select_n3A : i32
      %ne3A_105 = arith.constant 0 : i32
      %ne3A_106 = arith.cmpi ne, %rem3A, %ne3A_105 : i32
      %lt3A = arith.constant 0 : i32
      %lt3A_107 = arith.cmpi slt, %rem3A, %lt3A : i32
      %lt3A_108 = arith.constant 0 : i32
      %lt3A_109 = arith.cmpi slt, %select_n3A, %lt3A_108 : i32
      %ne3A_110 = arith.xori %lt3A_107, %lt3A_109 : i1
      %and3A = arith.andi %ne3A_110, %ne3A_106 : i1
      %add3A_111 = arith.addi %rem3A, %select_n3A : i32
      %select_n3A_112 = arith.select %and3A, %add3A_111, %rem3A : i32
      %add3A_113 = arith.constant 1 : i32
      %add3A_114 = arith.addi %scan3A_101, %add3A_113 : i32
      %jit3A_115 = arith.constant 2 : i32
      %eq3A_116 = arith.constant 0 : i32
      %eq3A_117 = arith.cmpi eq, %jit3A_115, %eq3A_116 : i32
      %jit3A_118 = arith.constant 1 : i32
      %select_n3A_119 = arith.select %eq3A_117, %jit3A_118, %jit3A_115 : i32
      %rem3A_120 = arith.remsi %add3A_114, %select_n3A_119 : i32
      %ne3A_121 = arith.constant 0 : i32
      %ne3A_122 = arith.cmpi ne, %rem3A_120, %ne3A_121 : i32
      %lt3A_123 = arith.constant 0 : i32
      %lt3A_124 = arith.cmpi slt, %rem3A_120, %lt3A_123 : i32
      %lt3A_125 = arith.constant 0 : i32
      %lt3A_126 = arith.cmpi slt, %select_n3A_119, %lt3A_125 : i32
      %ne3A_127 = arith.xori %lt3A_124, %lt3A_126 : i1
      %and3A_128 = arith.andi %ne3A_127, %ne3A_122 : i1
      %add3A_129 = arith.addi %rem3A_120, %select_n3A_119 : i32
      %select_n3A_130 = arith.select %and3A_128, %add3A_129, %rem3A_120 : i32
      %dma_wait3A_131 = arith.constant 0 : i32
      %dma_wait3A_132 = arith.constant 0 : i32
      %dma_wait3A_133 = tpu.memref_slice %arg2[%dma_wait3A_131, %dma_wait3A_132] : memref<10240x128xf32, #tpu.memory_space<hbm>> -> memref<80x128xf32, #tpu.memory_space<hbm>>
      %dma_wait3A_134 = arith.constant 0 : i32
      %dma_wait3A_135 = arith.constant 0 : i32
      %dma_wait3A_136 = tpu.memref_slice %arg2[%dma_wait3A_134, %dma_wait3A_135] : memref<10240x128xf32, #tpu.memory_space<hbm>> -> memref<80x128xf32, #tpu.memory_space<hbm>>
      tpu.wait_dma2 semaphore(%arg12 : memref<!tpu.dma_semaphore, #tpu.memory_space<semaphore_mem>>) src(%dma_wait3A_136 : memref<80x128xf32, #tpu.memory_space<hbm>>) dst(%arg7 : memref<80x128xf32, #tpu.memory_space<vmem>>)
      %gt3A = arith.constant 0 : i32
      %gt3A_137 = arith.cmpi sgt, %scan3A_101, %gt3A : i32
      %convert_element_type3A_138 = arith.extui %gt3A_137 : i1 to i32
      %cond3A_139 = arith.constant 0 : i32
      %cond3A_140 = arith.cmpi ne, %convert_element_type3A_138, %cond3A_139 : i32
      scf.if %cond3A_140 {
        %dma_wait3A_412 = arith.constant 0 : i32
        %dma_wait3A_413 = arith.constant 0 : i32
        %dma_wait3A_414 = tpu.memref_slice %arg4[%dma_wait3A_412, %dma_wait3A_413] : memref<10240x128xf32, #tpu.memory_space<hbm>> -> memref<80x128xf32, #tpu.memory_space<hbm>>
        %dma_wait3A_415 = arith.constant 0 : i32
        %dma_wait3A_416 = arith.constant 0 : i32
        %dma_wait3A_417 = tpu.memref_slice %arg4[%dma_wait3A_415, %dma_wait3A_416] : memref<10240x128xf32, #tpu.memory_space<hbm>> -> memref<80x128xf32, #tpu.memory_space<hbm>>
        tpu.wait_dma2 semaphore(%arg13 : memref<!tpu.dma_semaphore, #tpu.memory_space<semaphore_mem>>) src(%dma_wait3A_417 : memref<80x128xf32, #tpu.memory_space<hbm>>) dst(%arg9 : memref<80x128xf32, #tpu.memory_space<vmem>>)
      } else {
      }
      %dma_start3A_141 = arith.constant 0 : i32
      %dma_start3A_142 = arith.constant 2 : i32
      %dma_start3A_143 = arith.constant 0 : i32
      %dma_start3A_144 = tpu.memref_slice %arg6[%select_n3A_112, %dma_start3A_141, %dma_start3A_142, %dma_start3A_143] : memref<2x2x8x80xi32, #tpu.memory_space<vmem>> -> memref<1x1x1x80xi32, #tpu.memory_space<vmem>>
      %dma_start3A_145 = tpu.memref_squeeze %dma_start3A_144 : memref<1x1x1x80xi32, #tpu.memory_space<vmem>> -> memref<80xi32, #tpu.memory_space<vmem>>
      %dma_start3A_146 = arith.constant 0 : i32
      %dma_start3A_147 = arith.constant 0 : i32
      %dma_start3A_148 = tpu.memref_slice %arg2[%dma_start3A_146, %dma_start3A_147] : memref<10240x128xf32, #tpu.memory_space<hbm>> -> memref<10240x128xf32, #tpu.memory_space<hbm>>
      tpu.enqueue_indirect_dma source(%dma_start3A_148 : memref<10240x128xf32, #tpu.memory_space<hbm>>) target(%arg9 : memref<80x128xf32, #tpu.memory_space<vmem>>) offsets(%dma_start3A_145 : memref<80xi32, #tpu.memory_space<vmem>>) semaphore(%arg12 : memref<!tpu.dma_semaphore, #tpu.memory_space<semaphore_mem>>)
      %dma_start3A_149 = arith.constant 1 : i32
      %dma_start3A_150 = arith.constant 0 : i32
      %dma_start3A_151 = arith.constant 0 : i32
      %dma_start3A_152 = tpu.memref_slice %arg6[%select_n3A_112, %dma_start3A_149, %dma_start3A_150, %dma_start3A_151] : memref<2x2x8x80xi32, #tpu.memory_space<vmem>> -> memref<1x1x1x80xi32, #tpu.memory_space<vmem>>
      %dma_start3A_153 = tpu.memref_squeeze %dma_start3A_152 : memref<1x1x1x80xi32, #tpu.memory_space<vmem>> -> memref<80xi32, #tpu.memory_space<vmem>>
      %dma_start3A_154 = arith.constant 0 : i32
      %dma_start3A_155 = arith.constant 0 : i32
      %dma_start3A_156 = tpu.memref_slice %arg11[%dma_start3A_154, %dma_start3A_155] : memref<10240x128xf32, #tpu.memory_space<vmem_shared>> -> memref<10240x128xf32, #tpu.memory_space<vmem_shared>>
      tpu.enqueue_indirect_dma source(%arg7 : memref<80x128xf32, #tpu.memory_space<vmem>>) target(%dma_start3A_156 : memref<10240x128xf32, #tpu.memory_space<vmem_shared>>) offsets(%dma_start3A_153 : memref<80xi32, #tpu.memory_space<vmem>>) semaphore(%arg13 : memref<!tpu.dma_semaphore, #tpu.memory_space<semaphore_mem>>) {add = true}
      %dma_wait3A_157 = arith.constant 0 : i32
      %dma_wait3A_158 = arith.constant 0 : i32
      %dma_wait3A_159 = tpu.memref_slice %arg2[%dma_wait3A_157, %dma_wait3A_158] : memref<10240x128xf32, #tpu.memory_space<hbm>> -> memref<80x128xf32, #tpu.memory_space<hbm>>
      %dma_wait3A_160 = arith.constant 0 : i32
      %dma_wait3A_161 = arith.constant 0 : i32
      %dma_wait3A_162 = tpu.memref_slice %arg2[%dma_wait3A_160, %dma_wait3A_161] : memref<10240x128xf32, #tpu.memory_space<hbm>> -> memref<80x128xf32, #tpu.memory_space<hbm>>
      tpu.wait_dma2 semaphore(%arg12 : memref<!tpu.dma_semaphore, #tpu.memory_space<semaphore_mem>>) src(%dma_wait3A_162 : memref<80x128xf32, #tpu.memory_space<hbm>>) dst(%arg8 : memref<80x128xf32, #tpu.memory_space<vmem>>)
      %gt3A_163 = arith.constant 0 : i32
      %gt3A_164 = arith.cmpi sgt, %scan3A_101, %gt3A_163 : i32
      %convert_element_type3A_165 = arith.extui %gt3A_164 : i1 to i32
      %cond3A_166 = arith.constant 0 : i32
      %cond3A_167 = arith.cmpi ne, %convert_element_type3A_165, %cond3A_166 : i32
      scf.if %cond3A_167 {
        %dma_wait3A_412 = arith.constant 0 : i32
        %dma_wait3A_413 = arith.constant 0 : i32
        %dma_wait3A_414 = tpu.memref_slice %arg4[%dma_wait3A_412, %dma_wait3A_413] : memref<10240x128xf32, #tpu.memory_space<hbm>> -> memref<80x128xf32, #tpu.memory_space<hbm>>
        %dma_wait3A_415 = arith.constant 0 : i32
        %dma_wait3A_416 = arith.constant 0 : i32
        %dma_wait3A_417 = tpu.memref_slice %arg4[%dma_wait3A_415, %dma_wait3A_416] : memref<10240x128xf32, #tpu.memory_space<hbm>> -> memref<80x128xf32, #tpu.memory_space<hbm>>
        tpu.wait_dma2 semaphore(%arg13 : memref<!tpu.dma_semaphore, #tpu.memory_space<semaphore_mem>>) src(%dma_wait3A_417 : memref<80x128xf32, #tpu.memory_space<hbm>>) dst(%arg10 : memref<80x128xf32, #tpu.memory_space<vmem>>)
      } else {
      }
      %dma_start3A_168 = arith.constant 0 : i32
      %dma_start3A_169 = arith.constant 3 : i32
      %dma_start3A_170 = arith.constant 0 : i32
      %dma_start3A_171 = tpu.memref_slice %arg6[%select_n3A_112, %dma_start3A_168, %dma_start3A_169, %dma_start3A_170] : memref<2x2x8x80xi32, #tpu.memory_space<vmem>> -> memref<1x1x1x80xi32, #tpu.memory_space<vmem>>
      %dma_start3A_172 = tpu.memref_squeeze %dma_start3A_171 : memref<1x1x1x80xi32, #tpu.memory_space<vmem>> -> memref<80xi32, #tpu.memory_space<vmem>>
      %dma_start3A_173 = arith.constant 0 : i32
      %dma_start3A_174 = arith.constant 0 : i32
      %dma_start3A_175 = tpu.memref_slice %arg2[%dma_start3A_173, %dma_start3A_174] : memref<10240x128xf32, #tpu.memory_space<hbm>> -> memref<10240x128xf32, #tpu.memory_space<hbm>>
      tpu.enqueue_indirect_dma source(%dma_start3A_175 : memref<10240x128xf32, #tpu.memory_space<hbm>>) target(%arg10 : memref<80x128xf32, #tpu.memory_space<vmem>>) offsets(%dma_start3A_172 : memref<80xi32, #tpu.memory_space<vmem>>) semaphore(%arg12 : memref<!tpu.dma_semaphore, #tpu.memory_space<semaphore_mem>>)
      %dma_start3A_176 = arith.constant 1 : i32
      %dma_start3A_177 = arith.constant 1 : i32
      %dma_start3A_178 = arith.constant 0 : i32
      %dma_start3A_179 = tpu.memref_slice %arg6[%select_n3A_112, %dma_start3A_176, %dma_start3A_177, %dma_start3A_178] : memref<2x2x8x80xi32, #tpu.memory_space<vmem>> -> memref<1x1x1x80xi32, #tpu.memory_space<vmem>>
      %dma_start3A_180 = tpu.memref_squeeze %dma_start3A_179 : memref<1x1x1x80xi32, #tpu.memory_space<vmem>> -> memref<80xi32, #tpu.memory_space<vmem>>
      %dma_start3A_181 = arith.constant 0 : i32
      %dma_start3A_182 = arith.constant 0 : i32
      %dma_start3A_183 = tpu.memref_slice %arg11[%dma_start3A_181, %dma_start3A_182] : memref<10240x128xf32, #tpu.memory_space<vmem_shared>> -> memref<10240x128xf32, #tpu.memory_space<vmem_shared>>
      tpu.enqueue_indirect_dma source(%arg8 : memref<80x128xf32, #tpu.memory_space<vmem>>) target(%dma_start3A_183 : memref<10240x128xf32, #tpu.memory_space<vmem_shared>>) offsets(%dma_start3A_180 : memref<80xi32, #tpu.memory_space<vmem>>) semaphore(%arg13 : memref<!tpu.dma_semaphore, #tpu.memory_space<semaphore_mem>>) {add = true}
      %dma_wait3A_184 = arith.constant 0 : i32
      %dma_wait3A_185 = arith.constant 0 : i32
      %dma_wait3A_186 = tpu.memref_slice %arg2[%dma_wait3A_184, %dma_wait3A_185] : memref<10240x128xf32, #tpu.memory_space<hbm>> -> memref<80x128xf32, #tpu.memory_space<hbm>>
      %dma_wait3A_187 = arith.constant 0 : i32
      %dma_wait3A_188 = arith.constant 0 : i32
      %dma_wait3A_189 = tpu.memref_slice %arg2[%dma_wait3A_187, %dma_wait3A_188] : memref<10240x128xf32, #tpu.memory_space<hbm>> -> memref<80x128xf32, #tpu.memory_space<hbm>>
      tpu.wait_dma2 semaphore(%arg12 : memref<!tpu.dma_semaphore, #tpu.memory_space<semaphore_mem>>) src(%dma_wait3A_189 : memref<80x128xf32, #tpu.memory_space<hbm>>) dst(%arg9 : memref<80x128xf32, #tpu.memory_space<vmem>>)
      %dma_wait3A_190 = arith.constant 0 : i32
      %dma_wait3A_191 = arith.constant 0 : i32
      %dma_wait3A_192 = tpu.memref_slice %arg4[%dma_wait3A_190, %dma_wait3A_191] : memref<10240x128xf32, #tpu.memory_space<hbm>> -> memref<80x128xf32, #tpu.memory_space<hbm>>
      %dma_wait3A_193 = arith.constant 0 : i32
      %dma_wait3A_194 = arith.constant 0 : i32
      %dma_wait3A_195 = tpu.memref_slice %arg4[%dma_wait3A_193, %dma_wait3A_194] : memref<10240x128xf32, #tpu.memory_space<hbm>> -> memref<80x128xf32, #tpu.memory_space<hbm>>
      tpu.wait_dma2 semaphore(%arg13 : memref<!tpu.dma_semaphore, #tpu.memory_space<semaphore_mem>>) src(%dma_wait3A_195 : memref<80x128xf32, #tpu.memory_space<hbm>>) dst(%arg7 : memref<80x128xf32, #tpu.memory_space<vmem>>)
      %add3A_196 = arith.constant 1 : i32
      %add3A_197 = arith.addi %scan3A_101, %add3A_196 : i32
      %jit3A_198 = arith.constant 2 : i32
      %eq3A_199 = arith.constant 0 : i32
      %eq3A_200 = arith.cmpi eq, %jit3A_198, %eq3A_199 : i32
      %jit3A_201 = arith.constant 1 : i32
      %select_n3A_202 = arith.select %eq3A_200, %jit3A_201, %jit3A_198 : i32
      %rem3A_203 = arith.remsi %add3A_197, %select_n3A_202 : i32
      %ne3A_204 = arith.constant 0 : i32
      %ne3A_205 = arith.cmpi ne, %rem3A_203, %ne3A_204 : i32
      %lt3A_206 = arith.constant 0 : i32
      %lt3A_207 = arith.cmpi slt, %rem3A_203, %lt3A_206 : i32
      %lt3A_208 = arith.constant 0 : i32
      %lt3A_209 = arith.cmpi slt, %select_n3A_202, %lt3A_208 : i32
      %ne3A_210 = arith.xori %lt3A_207, %lt3A_209 : i1
      %and3A_211 = arith.andi %ne3A_210, %ne3A_205 : i1
      %add3A_212 = arith.addi %rem3A_203, %select_n3A_202 : i32
      %select_n3A_213 = arith.select %and3A_211, %add3A_212, %rem3A_203 : i32
      %dma_start3A_214 = arith.constant 0 : i32
      %dma_start3A_215 = arith.constant 0 : i32
      %dma_start3A_216 = arith.constant 0 : i32
      %dma_start3A_217 = tpu.memref_slice %arg6[%select_n3A_213, %dma_start3A_214, %dma_start3A_215, %dma_start3A_216] : memref<2x2x8x80xi32, #tpu.memory_space<vmem>> -> memref<1x2x8x80xi32, #tpu.memory_space<vmem>>
      %dma_start3A_218 = tpu.memref_squeeze %dma_start3A_217 : memref<1x2x8x80xi32, #tpu.memory_space<vmem>> -> memref<2x8x80xi32, #tpu.memory_space<vmem>>
      %dma_start3A_219 = arith.constant 0 : i32
      %dma_start3A_220 = arith.constant 0 : i32
      %dma_start3A_221 = arith.constant 0 : i32
      %dma_start3A_222 = tpu.memref_slice %arg3[%add3A, %add3A_197, %dma_start3A_219, %dma_start3A_220, %dma_start3A_221] : memref<32x17x2x8x80xi32, #tpu.memory_space<hbm>> -> memref<1x1x2x8x80xi32, #tpu.memory_space<hbm>>
      %dma_start3A_223 = tpu.memref_squeeze %dma_start3A_222 : memref<1x1x2x8x80xi32, #tpu.memory_space<hbm>> -> memref<2x8x80xi32, #tpu.memory_space<hbm>>
      %dma_start3A_224 = arith.constant 0 : i32
      %dma_start3A_225 = arith.constant 0 : i32
      %dma_start3A_226 = arith.constant 0 : i32
      %dma_start3A_227 = tpu.memref_slice %arg6[%select_n3A_213, %dma_start3A_224, %dma_start3A_225, %dma_start3A_226] : memref<2x2x8x80xi32, #tpu.memory_space<vmem>> -> memref<1x2x8x80xi32, #tpu.memory_space<vmem>>
      %dma_start3A_228 = tpu.memref_squeeze %dma_start3A_227 : memref<1x2x8x80xi32, #tpu.memory_space<vmem>> -> memref<2x8x80xi32, #tpu.memory_space<vmem>>
      %dma_start3A_229 = arith.constant 0 : i32
      %dma_start3A_230 = arith.constant 0 : i32
      %dma_start3A_231 = arith.constant 0 : i32
      %dma_start3A_232 = tpu.memref_slice %arg3[%add3A, %add3A_197, %dma_start3A_229, %dma_start3A_230, %dma_start3A_231] : memref<32x17x2x8x80xi32, #tpu.memory_space<hbm>> -> memref<1x1x2x8x80xi32, #tpu.memory_space<hbm>>
      %dma_start3A_233 = tpu.memref_squeeze %dma_start3A_232 : memref<1x1x2x8x80xi32, #tpu.memory_space<hbm>> -> memref<2x8x80xi32, #tpu.memory_space<hbm>>
      tpu.enqueue_dma source(%dma_start3A_233 : memref<2x8x80xi32, #tpu.memory_space<hbm>>) target(%dma_start3A_228 : memref<2x8x80xi32, #tpu.memory_space<vmem>>) target_semaphore(%arg14 : memref<!tpu.dma_semaphore, #tpu.memory_space<semaphore_mem>>)
      %dma_start3A_234 = arith.constant 0 : i32
      %dma_start3A_235 = arith.constant 4 : i32
      %dma_start3A_236 = arith.constant 0 : i32
      %dma_start3A_237 = tpu.memref_slice %arg6[%select_n3A_112, %dma_start3A_234, %dma_start3A_235, %dma_start3A_236] : memref<2x2x8x80xi32, #tpu.memory_space<vmem>> -> memref<1x1x1x80xi32, #tpu.memory_space<vmem>>
      %dma_start3A_238 = tpu.memref_squeeze %dma_start3A_237 : memref<1x1x1x80xi32, #tpu.memory_space<vmem>> -> memref<80xi32, #tpu.memory_space<vmem>>
      %dma_start3A_239 = arith.constant 0 : i32
      %dma_start3A_240 = arith.constant 0 : i32
      %dma_start3A_241 = tpu.memref_slice %arg2[%dma_start3A_239, %dma_start3A_240] : memref<10240x128xf32, #tpu.memory_space<hbm>> -> memref<10240x128xf32, #tpu.memory_space<hbm>>
      tpu.enqueue_indirect_dma source(%dma_start3A_241 : memref<10240x128xf32, #tpu.memory_space<hbm>>) target(%arg7 : memref<80x128xf32, #tpu.memory_space<vmem>>) offsets(%dma_start3A_238 : memref<80xi32, #tpu.memory_space<vmem>>) semaphore(%arg12 : memref<!tpu.dma_semaphore, #tpu.memory_space<semaphore_mem>>)
      %dma_start3A_242 = arith.constant 1 : i32
      %dma_start3A_243 = arith.constant 2 : i32
      %dma_start3A_244 = arith.constant 0 : i32
      %dma_start3A_245 = tpu.memref_slice %arg6[%select_n3A_112, %dma_start3A_242, %dma_start3A_243, %dma_start3A_244] : memref<2x2x8x80xi32, #tpu.memory_space<vmem>> -> memref<1x1x1x80xi32, #tpu.memory_space<vmem>>
      %dma_start3A_246 = tpu.memref_squeeze %dma_start3A_245 : memref<1x1x1x80xi32, #tpu.memory_space<vmem>> -> memref<80xi32, #tpu.memory_space<vmem>>
      %dma_start3A_247 = arith.constant 0 : i32
      %dma_start3A_248 = arith.constant 0 : i32
      %dma_start3A_249 = tpu.memref_slice %arg11[%dma_start3A_247, %dma_start3A_248] : memref<10240x128xf32, #tpu.memory_space<vmem_shared>> -> memref<10240x128xf32, #tpu.memory_space<vmem_shared>>
      tpu.enqueue_indirect_dma source(%arg9 : memref<80x128xf32, #tpu.memory_space<vmem>>) target(%dma_start3A_249 : memref<10240x128xf32, #tpu.memory_space<vmem_shared>>) offsets(%dma_start3A_246 : memref<80xi32, #tpu.memory_space<vmem>>) semaphore(%arg13 : memref<!tpu.dma_semaphore, #tpu.memory_space<semaphore_mem>>) {add = true}
      %dma_wait3A_250 = arith.constant 0 : i32
      %dma_wait3A_251 = arith.constant 0 : i32
      %dma_wait3A_252 = tpu.memref_slice %arg2[%dma_wait3A_250, %dma_wait3A_251] : memref<10240x128xf32, #tpu.memory_space<hbm>> -> memref<80x128xf32, #tpu.memory_space<hbm>>
      %dma_wait3A_253 = arith.constant 0 : i32
      %dma_wait3A_254 = arith.constant 0 : i32
      %dma_wait3A_255 = tpu.memref_slice %arg2[%dma_wait3A_253, %dma_wait3A_254] : memref<10240x128xf32, #tpu.memory_space<hbm>> -> memref<80x128xf32, #tpu.memory_space<hbm>>
      tpu.wait_dma2 semaphore(%arg12 : memref<!tpu.dma_semaphore, #tpu.memory_space<semaphore_mem>>) src(%dma_wait3A_255 : memref<80x128xf32, #tpu.memory_space<hbm>>) dst(%arg10 : memref<80x128xf32, #tpu.memory_space<vmem>>)
      %dma_wait3A_256 = arith.constant 0 : i32
      %dma_wait3A_257 = arith.constant 0 : i32
      %dma_wait3A_258 = tpu.memref_slice %arg4[%dma_wait3A_256, %dma_wait3A_257] : memref<10240x128xf32, #tpu.memory_space<hbm>> -> memref<80x128xf32, #tpu.memory_space<hbm>>
      %dma_wait3A_259 = arith.constant 0 : i32
      %dma_wait3A_260 = arith.constant 0 : i32
      %dma_wait3A_261 = tpu.memref_slice %arg4[%dma_wait3A_259, %dma_wait3A_260] : memref<10240x128xf32, #tpu.memory_space<hbm>> -> memref<80x128xf32, #tpu.memory_space<hbm>>
      tpu.wait_dma2 semaphore(%arg13 : memref<!tpu.dma_semaphore, #tpu.memory_space<semaphore_mem>>) src(%dma_wait3A_261 : memref<80x128xf32, #tpu.memory_space<hbm>>) dst(%arg8 : memref<80x128xf32, #tpu.memory_space<vmem>>)
      %dma_start3A_262 = arith.constant 0 : i32
      %dma_start3A_263 = arith.constant 5 : i32
      %dma_start3A_264 = arith.constant 0 : i32
      %dma_start3A_265 = tpu.memref_slice %arg6[%select_n3A_112, %dma_start3A_262, %dma_start3A_263, %dma_start3A_264] : memref<2x2x8x80xi32, #tpu.memory_space<vmem>> -> memref<1x1x1x80xi32, #tpu.memory_space<vmem>>
      %dma_start3A_266 = tpu.memref_squeeze %dma_start3A_265 : memref<1x1x1x80xi32, #tpu.memory_space<vmem>> -> memref<80xi32, #tpu.memory_space<vmem>>
      %dma_start3A_267 = arith.constant 0 : i32
      %dma_start3A_268 = arith.constant 0 : i32
      %dma_start3A_269 = tpu.memref_slice %arg2[%dma_start3A_267, %dma_start3A_268] : memref<10240x128xf32, #tpu.memory_space<hbm>> -> memref<10240x128xf32, #tpu.memory_space<hbm>>
      tpu.enqueue_indirect_dma source(%dma_start3A_269 : memref<10240x128xf32, #tpu.memory_space<hbm>>) target(%arg8 : memref<80x128xf32, #tpu.memory_space<vmem>>) offsets(%dma_start3A_266 : memref<80xi32, #tpu.memory_space<vmem>>) semaphore(%arg12 : memref<!tpu.dma_semaphore, #tpu.memory_space<semaphore_mem>>)
      %dma_start3A_270 = arith.constant 1 : i32
      %dma_start3A_271 = arith.constant 3 : i32
      %dma_start3A_272 = arith.constant 0 : i32
      %dma_start3A_273 = tpu.memref_slice %arg6[%select_n3A_112, %dma_start3A_270, %dma_start3A_271, %dma_start3A_272] : memref<2x2x8x80xi32, #tpu.memory_space<vmem>> -> memref<1x1x1x80xi32, #tpu.memory_space<vmem>>
      %dma_start3A_274 = tpu.memref_squeeze %dma_start3A_273 : memref<1x1x1x80xi32, #tpu.memory_space<vmem>> -> memref<80xi32, #tpu.memory_space<vmem>>
      %dma_start3A_275 = arith.constant 0 : i32
      %dma_start3A_276 = arith.constant 0 : i32
      %dma_start3A_277 = tpu.memref_slice %arg11[%dma_start3A_275, %dma_start3A_276] : memref<10240x128xf32, #tpu.memory_space<vmem_shared>> -> memref<10240x128xf32, #tpu.memory_space<vmem_shared>>
      tpu.enqueue_indirect_dma source(%arg10 : memref<80x128xf32, #tpu.memory_space<vmem>>) target(%dma_start3A_277 : memref<10240x128xf32, #tpu.memory_space<vmem_shared>>) offsets(%dma_start3A_274 : memref<80xi32, #tpu.memory_space<vmem>>) semaphore(%arg13 : memref<!tpu.dma_semaphore, #tpu.memory_space<semaphore_mem>>) {add = true}
      %dma_wait3A_278 = arith.constant 0 : i32
      %dma_wait3A_279 = arith.constant 0 : i32
      %dma_wait3A_280 = tpu.memref_slice %arg2[%dma_wait3A_278, %dma_wait3A_279] : memref<10240x128xf32, #tpu.memory_space<hbm>> -> memref<80x128xf32, #tpu.memory_space<hbm>>
      %dma_wait3A_281 = arith.constant 0 : i32
      %dma_wait3A_282 = arith.constant 0 : i32
      %dma_wait3A_283 = tpu.memref_slice %arg2[%dma_wait3A_281, %dma_wait3A_282] : memref<10240x128xf32, #tpu.memory_space<hbm>> -> memref<80x128xf32, #tpu.memory_space<hbm>>
      tpu.wait_dma2 semaphore(%arg12 : memref<!tpu.dma_semaphore, #tpu.memory_space<semaphore_mem>>) src(%dma_wait3A_283 : memref<80x128xf32, #tpu.memory_space<hbm>>) dst(%arg7 : memref<80x128xf32, #tpu.memory_space<vmem>>)
      %dma_wait3A_284 = arith.constant 0 : i32
      %dma_wait3A_285 = arith.constant 0 : i32
      %dma_wait3A_286 = tpu.memref_slice %arg4[%dma_wait3A_284, %dma_wait3A_285] : memref<10240x128xf32, #tpu.memory_space<hbm>> -> memref<80x128xf32, #tpu.memory_space<hbm>>
      %dma_wait3A_287 = arith.constant 0 : i32
      %dma_wait3A_288 = arith.constant 0 : i32
      %dma_wait3A_289 = tpu.memref_slice %arg4[%dma_wait3A_287, %dma_wait3A_288] : memref<10240x128xf32, #tpu.memory_space<hbm>> -> memref<80x128xf32, #tpu.memory_space<hbm>>
      tpu.wait_dma2 semaphore(%arg13 : memref<!tpu.dma_semaphore, #tpu.memory_space<semaphore_mem>>) src(%dma_wait3A_289 : memref<80x128xf32, #tpu.memory_space<hbm>>) dst(%arg9 : memref<80x128xf32, #tpu.memory_space<vmem>>)
      %dma_start3A_290 = arith.constant 0 : i32
      %dma_start3A_291 = arith.constant 6 : i32
      %dma_start3A_292 = arith.constant 0 : i32
      %dma_start3A_293 = tpu.memref_slice %arg6[%select_n3A_112, %dma_start3A_290, %dma_start3A_291, %dma_start3A_292] : memref<2x2x8x80xi32, #tpu.memory_space<vmem>> -> memref<1x1x1x80xi32, #tpu.memory_space<vmem>>
      %dma_start3A_294 = tpu.memref_squeeze %dma_start3A_293 : memref<1x1x1x80xi32, #tpu.memory_space<vmem>> -> memref<80xi32, #tpu.memory_space<vmem>>
      %dma_start3A_295 = arith.constant 0 : i32
      %dma_start3A_296 = arith.constant 0 : i32
      %dma_start3A_297 = tpu.memref_slice %arg2[%dma_start3A_295, %dma_start3A_296] : memref<10240x128xf32, #tpu.memory_space<hbm>> -> memref<10240x128xf32, #tpu.memory_space<hbm>>
      tpu.enqueue_indirect_dma source(%dma_start3A_297 : memref<10240x128xf32, #tpu.memory_space<hbm>>) target(%arg9 : memref<80x128xf32, #tpu.memory_space<vmem>>) offsets(%dma_start3A_294 : memref<80xi32, #tpu.memory_space<vmem>>) semaphore(%arg12 : memref<!tpu.dma_semaphore, #tpu.memory_space<semaphore_mem>>)
      %dma_start3A_298 = arith.constant 1 : i32
      %dma_start3A_299 = arith.constant 4 : i32
      %dma_start3A_300 = arith.constant 0 : i32
      %dma_start3A_301 = tpu.memref_slice %arg6[%select_n3A_112, %dma_start3A_298, %dma_start3A_299, %dma_start3A_300] : memref<2x2x8x80xi32, #tpu.memory_space<vmem>> -> memref<1x1x1x80xi32, #tpu.memory_space<vmem>>
      %dma_start3A_302 = tpu.memref_squeeze %dma_start3A_301 : memref<1x1x1x80xi32, #tpu.memory_space<vmem>> -> memref<80xi32, #tpu.memory_space<vmem>>
      %dma_start3A_303 = arith.constant 0 : i32
      %dma_start3A_304 = arith.constant 0 : i32
      %dma_start3A_305 = tpu.memref_slice %arg11[%dma_start3A_303, %dma_start3A_304] : memref<10240x128xf32, #tpu.memory_space<vmem_shared>> -> memref<10240x128xf32, #tpu.memory_space<vmem_shared>>
      tpu.enqueue_indirect_dma source(%arg7 : memref<80x128xf32, #tpu.memory_space<vmem>>) target(%dma_start3A_305 : memref<10240x128xf32, #tpu.memory_space<vmem_shared>>) offsets(%dma_start3A_302 : memref<80xi32, #tpu.memory_space<vmem>>) semaphore(%arg13 : memref<!tpu.dma_semaphore, #tpu.memory_space<semaphore_mem>>) {add = true}
      %dma_wait3A_306 = arith.constant 0 : i32
      %dma_wait3A_307 = arith.constant 0 : i32
      %dma_wait3A_308 = tpu.memref_slice %arg2[%dma_wait3A_306, %dma_wait3A_307] : memref<10240x128xf32, #tpu.memory_space<hbm>> -> memref<80x128xf32, #tpu.memory_space<hbm>>
      %dma_wait3A_309 = arith.constant 0 : i32
      %dma_wait3A_310 = arith.constant 0 : i32
      %dma_wait3A_311 = tpu.memref_slice %arg2[%dma_wait3A_309, %dma_wait3A_310] : memref<10240x128xf32, #tpu.memory_space<hbm>> -> memref<80x128xf32, #tpu.memory_space<hbm>>
      tpu.wait_dma2 semaphore(%arg12 : memref<!tpu.dma_semaphore, #tpu.memory_space<semaphore_mem>>) src(%dma_wait3A_311 : memref<80x128xf32, #tpu.memory_space<hbm>>) dst(%arg8 : memref<80x128xf32, #tpu.memory_space<vmem>>)
      %dma_wait3A_312 = arith.constant 0 : i32
      %dma_wait3A_313 = arith.constant 0 : i32
      %dma_wait3A_314 = tpu.memref_slice %arg4[%dma_wait3A_312, %dma_wait3A_313] : memref<10240x128xf32, #tpu.memory_space<hbm>> -> memref<80x128xf32, #tpu.memory_space<hbm>>
      %dma_wait3A_315 = arith.constant 0 : i32
      %dma_wait3A_316 = arith.constant 0 : i32
      %dma_wait3A_317 = tpu.memref_slice %arg4[%dma_wait3A_315, %dma_wait3A_316] : memref<10240x128xf32, #tpu.memory_space<hbm>> -> memref<80x128xf32, #tpu.memory_space<hbm>>
      tpu.wait_dma2 semaphore(%arg13 : memref<!tpu.dma_semaphore, #tpu.memory_space<semaphore_mem>>) src(%dma_wait3A_317 : memref<80x128xf32, #tpu.memory_space<hbm>>) dst(%arg10 : memref<80x128xf32, #tpu.memory_space<vmem>>)
      %dma_wait3A_318 = arith.constant 0 : i32
      %dma_wait3A_319 = arith.constant 0 : i32
      %dma_wait3A_320 = arith.constant 0 : i32
      %dma_wait3A_321 = arith.constant 0 : i32
      %dma_wait3A_322 = arith.constant 0 : i32
      %dma_wait3A_323 = tpu.memref_slice %arg6[%dma_wait3A_319, %dma_wait3A_320, %dma_wait3A_321, %dma_wait3A_322] : memref<2x2x8x80xi32, #tpu.memory_space<vmem>> -> memref<1x2x8x80xi32, #tpu.memory_space<vmem>>
      %dma_wait3A_324 = tpu.memref_squeeze %dma_wait3A_323 : memref<1x2x8x80xi32, #tpu.memory_space<vmem>> -> memref<2x8x80xi32, #tpu.memory_space<vmem>>
      %dma_wait3A_325 = arith.constant 0 : i32
      %dma_wait3A_326 = arith.constant 0 : i32
      %dma_wait3A_327 = arith.constant 0 : i32
      %dma_wait3A_328 = tpu.memref_slice %arg3[%add3A, %dma_wait3A_318, %dma_wait3A_325, %dma_wait3A_326, %dma_wait3A_327] : memref<32x17x2x8x80xi32, #tpu.memory_space<hbm>> -> memref<1x1x2x8x80xi32, #tpu.memory_space<hbm>>
      %dma_wait3A_329 = tpu.memref_squeeze %dma_wait3A_328 : memref<1x1x2x8x80xi32, #tpu.memory_space<hbm>> -> memref<2x8x80xi32, #tpu.memory_space<hbm>>
      %dma_wait3A_330 = arith.constant 0 : i32
      %dma_wait3A_331 = arith.constant 0 : i32
      %dma_wait3A_332 = arith.constant 0 : i32
      %dma_wait3A_333 = tpu.memref_slice %arg6[%dma_wait3A_319, %dma_wait3A_330, %dma_wait3A_331, %dma_wait3A_332] : memref<2x2x8x80xi32, #tpu.memory_space<vmem>> -> memref<1x2x8x80xi32, #tpu.memory_space<vmem>>
      %dma_wait3A_334 = tpu.memref_squeeze %dma_wait3A_333 : memref<1x2x8x80xi32, #tpu.memory_space<vmem>> -> memref<2x8x80xi32, #tpu.memory_space<vmem>>
      %dma_wait3A_335 = arith.constant 0 : i32
      %dma_wait3A_336 = arith.constant 0 : i32
      %dma_wait3A_337 = arith.constant 0 : i32
      %dma_wait3A_338 = tpu.memref_slice %arg3[%add3A, %dma_wait3A_318, %dma_wait3A_335, %dma_wait3A_336, %dma_wait3A_337] : memref<32x17x2x8x80xi32, #tpu.memory_space<hbm>> -> memref<1x1x2x8x80xi32, #tpu.memory_space<hbm>>
      %dma_wait3A_339 = tpu.memref_squeeze %dma_wait3A_338 : memref<1x1x2x8x80xi32, #tpu.memory_space<hbm>> -> memref<2x8x80xi32, #tpu.memory_space<hbm>>
      tpu.wait_dma2 semaphore(%arg14 : memref<!tpu.dma_semaphore, #tpu.memory_space<semaphore_mem>>) src(%dma_wait3A_339 : memref<2x8x80xi32, #tpu.memory_space<hbm>>) dst(%dma_wait3A_334 : memref<2x8x80xi32, #tpu.memory_space<vmem>>)
      %dma_start3A_340 = arith.constant 0 : i32
      %dma_start3A_341 = arith.constant 7 : i32
      %dma_start3A_342 = arith.constant 0 : i32
      %dma_start3A_343 = tpu.memref_slice %arg6[%select_n3A_112, %dma_start3A_340, %dma_start3A_341, %dma_start3A_342] : memref<2x2x8x80xi32, #tpu.memory_space<vmem>> -> memref<1x1x1x80xi32, #tpu.memory_space<vmem>>
      %dma_start3A_344 = tpu.memref_squeeze %dma_start3A_343 : memref<1x1x1x80xi32, #tpu.memory_space<vmem>> -> memref<80xi32, #tpu.memory_space<vmem>>
      %dma_start3A_345 = arith.constant 0 : i32
      %dma_start3A_346 = arith.constant 0 : i32
      %dma_start3A_347 = tpu.memref_slice %arg2[%dma_start3A_345, %dma_start3A_346] : memref<10240x128xf32, #tpu.memory_space<hbm>> -> memref<10240x128xf32, #tpu.memory_space<hbm>>
      tpu.enqueue_indirect_dma source(%dma_start3A_347 : memref<10240x128xf32, #tpu.memory_space<hbm>>) target(%arg10 : memref<80x128xf32, #tpu.memory_space<vmem>>) offsets(%dma_start3A_344 : memref<80xi32, #tpu.memory_space<vmem>>) semaphore(%arg12 : memref<!tpu.dma_semaphore, #tpu.memory_space<semaphore_mem>>)
      %dma_start3A_348 = arith.constant 1 : i32
      %dma_start3A_349 = arith.constant 5 : i32
      %dma_start3A_350 = arith.constant 0 : i32
      %dma_start3A_351 = tpu.memref_slice %arg6[%select_n3A_112, %dma_start3A_348, %dma_start3A_349, %dma_start3A_350] : memref<2x2x8x80xi32, #tpu.memory_space<vmem>> -> memref<1x1x1x80xi32, #tpu.memory_space<vmem>>
      %dma_start3A_352 = tpu.memref_squeeze %dma_start3A_351 : memref<1x1x1x80xi32, #tpu.memory_space<vmem>> -> memref<80xi32, #tpu.memory_space<vmem>>
      %dma_start3A_353 = arith.constant 0 : i32
      %dma_start3A_354 = arith.constant 0 : i32
      %dma_start3A_355 = tpu.memref_slice %arg11[%dma_start3A_353, %dma_start3A_354] : memref<10240x128xf32, #tpu.memory_space<vmem_shared>> -> memref<10240x128xf32, #tpu.memory_space<vmem_shared>>
      tpu.enqueue_indirect_dma source(%arg8 : memref<80x128xf32, #tpu.memory_space<vmem>>) target(%dma_start3A_355 : memref<10240x128xf32, #tpu.memory_space<vmem_shared>>) offsets(%dma_start3A_352 : memref<80xi32, #tpu.memory_space<vmem>>) semaphore(%arg13 : memref<!tpu.dma_semaphore, #tpu.memory_space<semaphore_mem>>) {add = true}
      %dma_wait3A_356 = arith.constant 0 : i32
      %dma_wait3A_357 = arith.constant 0 : i32
      %dma_wait3A_358 = tpu.memref_slice %arg2[%dma_wait3A_356, %dma_wait3A_357] : memref<10240x128xf32, #tpu.memory_space<hbm>> -> memref<80x128xf32, #tpu.memory_space<hbm>>
      %dma_wait3A_359 = arith.constant 0 : i32
      %dma_wait3A_360 = arith.constant 0 : i32
      %dma_wait3A_361 = tpu.memref_slice %arg2[%dma_wait3A_359, %dma_wait3A_360] : memref<10240x128xf32, #tpu.memory_space<hbm>> -> memref<80x128xf32, #tpu.memory_space<hbm>>
      tpu.wait_dma2 semaphore(%arg12 : memref<!tpu.dma_semaphore, #tpu.memory_space<semaphore_mem>>) src(%dma_wait3A_361 : memref<80x128xf32, #tpu.memory_space<hbm>>) dst(%arg9 : memref<80x128xf32, #tpu.memory_space<vmem>>)
      %dma_wait3A_362 = arith.constant 0 : i32
      %dma_wait3A_363 = arith.constant 0 : i32
      %dma_wait3A_364 = tpu.memref_slice %arg4[%dma_wait3A_362, %dma_wait3A_363] : memref<10240x128xf32, #tpu.memory_space<hbm>> -> memref<80x128xf32, #tpu.memory_space<hbm>>
      %dma_wait3A_365 = arith.constant 0 : i32
      %dma_wait3A_366 = arith.constant 0 : i32
      %dma_wait3A_367 = tpu.memref_slice %arg4[%dma_wait3A_365, %dma_wait3A_366] : memref<10240x128xf32, #tpu.memory_space<hbm>> -> memref<80x128xf32, #tpu.memory_space<hbm>>
      tpu.wait_dma2 semaphore(%arg13 : memref<!tpu.dma_semaphore, #tpu.memory_space<semaphore_mem>>) src(%dma_wait3A_367 : memref<80x128xf32, #tpu.memory_space<hbm>>) dst(%arg7 : memref<80x128xf32, #tpu.memory_space<vmem>>)
      %dma_start3A_368 = arith.constant 0 : i32
      %dma_start3A_369 = arith.constant 0 : i32
      %dma_start3A_370 = arith.constant 0 : i32
      %dma_start3A_371 = tpu.memref_slice %arg6[%select_n3A_130, %dma_start3A_368, %dma_start3A_369, %dma_start3A_370] : memref<2x2x8x80xi32, #tpu.memory_space<vmem>> -> memref<1x1x1x80xi32, #tpu.memory_space<vmem>>
      %dma_start3A_372 = tpu.memref_squeeze %dma_start3A_371 : memref<1x1x1x80xi32, #tpu.memory_space<vmem>> -> memref<80xi32, #tpu.memory_space<vmem>>
      %dma_start3A_373 = arith.constant 0 : i32
      %dma_start3A_374 = arith.constant 0 : i32
      %dma_start3A_375 = tpu.memref_slice %arg2[%dma_start3A_373, %dma_start3A_374] : memref<10240x128xf32, #tpu.memory_space<hbm>> -> memref<10240x128xf32, #tpu.memory_space<hbm>>
      tpu.enqueue_indirect_dma source(%dma_start3A_375 : memref<10240x128xf32, #tpu.memory_space<hbm>>) target(%arg7 : memref<80x128xf32, #tpu.memory_space<vmem>>) offsets(%dma_start3A_372 : memref<80xi32, #tpu.memory_space<vmem>>) semaphore(%arg12 : memref<!tpu.dma_semaphore, #tpu.memory_space<semaphore_mem>>)
      %dma_start3A_376 = arith.constant 1 : i32
      %dma_start3A_377 = arith.constant 6 : i32
      %dma_start3A_378 = arith.constant 0 : i32
      %dma_start3A_379 = tpu.memref_slice %arg6[%select_n3A_112, %dma_start3A_376, %dma_start3A_377, %dma_start3A_378] : memref<2x2x8x80xi32, #tpu.memory_space<vmem>> -> memref<1x1x1x80xi32, #tpu.memory_space<vmem>>
      %dma_start3A_380 = tpu.memref_squeeze %dma_start3A_379 : memref<1x1x1x80xi32, #tpu.memory_space<vmem>> -> memref<80xi32, #tpu.memory_space<vmem>>
      %dma_start3A_381 = arith.constant 0 : i32
      %dma_start3A_382 = arith.constant 0 : i32
      %dma_start3A_383 = tpu.memref_slice %arg11[%dma_start3A_381, %dma_start3A_382] : memref<10240x128xf32, #tpu.memory_space<vmem_shared>> -> memref<10240x128xf32, #tpu.memory_space<vmem_shared>>
      tpu.enqueue_indirect_dma source(%arg9 : memref<80x128xf32, #tpu.memory_space<vmem>>) target(%dma_start3A_383 : memref<10240x128xf32, #tpu.memory_space<vmem_shared>>) offsets(%dma_start3A_380 : memref<80xi32, #tpu.memory_space<vmem>>) semaphore(%arg13 : memref<!tpu.dma_semaphore, #tpu.memory_space<semaphore_mem>>) {add = true}
      %dma_wait3A_384 = arith.constant 0 : i32
      %dma_wait3A_385 = arith.constant 0 : i32
      %dma_wait3A_386 = tpu.memref_slice %arg2[%dma_wait3A_384, %dma_wait3A_385] : memref<10240x128xf32, #tpu.memory_space<hbm>> -> memref<80x128xf32, #tpu.memory_space<hbm>>
      %dma_wait3A_387 = arith.constant 0 : i32
      %dma_wait3A_388 = arith.constant 0 : i32
      %dma_wait3A_389 = tpu.memref_slice %arg2[%dma_wait3A_387, %dma_wait3A_388] : memref<10240x128xf32, #tpu.memory_space<hbm>> -> memref<80x128xf32, #tpu.memory_space<hbm>>
      tpu.wait_dma2 semaphore(%arg12 : memref<!tpu.dma_semaphore, #tpu.memory_space<semaphore_mem>>) src(%dma_wait3A_389 : memref<80x128xf32, #tpu.memory_space<hbm>>) dst(%arg10 : memref<80x128xf32, #tpu.memory_space<vmem>>)
      %dma_wait3A_390 = arith.constant 0 : i32
      %dma_wait3A_391 = arith.constant 0 : i32
      %dma_wait3A_392 = tpu.memref_slice %arg4[%dma_wait3A_390, %dma_wait3A_391] : memref<10240x128xf32, #tpu.memory_space<hbm>> -> memref<80x128xf32, #tpu.memory_space<hbm>>
      %dma_wait3A_393 = arith.constant 0 : i32
      %dma_wait3A_394 = arith.constant 0 : i32
      %dma_wait3A_395 = tpu.memref_slice %arg4[%dma_wait3A_393, %dma_wait3A_394] : memref<10240x128xf32, #tpu.memory_space<hbm>> -> memref<80x128xf32, #tpu.memory_space<hbm>>
      tpu.wait_dma2 semaphore(%arg13 : memref<!tpu.dma_semaphore, #tpu.memory_space<semaphore_mem>>) src(%dma_wait3A_395 : memref<80x128xf32, #tpu.memory_space<hbm>>) dst(%arg8 : memref<80x128xf32, #tpu.memory_space<vmem>>)
      %dma_start3A_396 = arith.constant 0 : i32
      %dma_start3A_397 = arith.constant 1 : i32
      %dma_start3A_398 = arith.constant 0 : i32
      %dma_start3A_399 = tpu.memref_slice %arg6[%select_n3A_130, %dma_start3A_396, %dma_start3A_397, %dma_start3A_398] : memref<2x2x8x80xi32, #tpu.memory_space<vmem>> -> memref<1x1x1x80xi32, #tpu.memory_space<vmem>>
      %dma_start3A_400 = tpu.memref_squeeze %dma_start3A_399 : memref<1x1x1x80xi32, #tpu.memory_space<vmem>> -> memref<80xi32, #tpu.memory_space<vmem>>
      %dma_start3A_401 = arith.constant 0 : i32
      %dma_start3A_402 = arith.constant 0 : i32
      %dma_start3A_403 = tpu.memref_slice %arg2[%dma_start3A_401, %dma_start3A_402] : memref<10240x128xf32, #tpu.memory_space<hbm>> -> memref<10240x128xf32, #tpu.memory_space<hbm>>
      tpu.enqueue_indirect_dma source(%dma_start3A_403 : memref<10240x128xf32, #tpu.memory_space<hbm>>) target(%arg8 : memref<80x128xf32, #tpu.memory_space<vmem>>) offsets(%dma_start3A_400 : memref<80xi32, #tpu.memory_space<vmem>>) semaphore(%arg12 : memref<!tpu.dma_semaphore, #tpu.memory_space<semaphore_mem>>)
      %dma_start3A_404 = arith.constant 1 : i32
      %dma_start3A_405 = arith.constant 7 : i32
      %dma_start3A_406 = arith.constant 0 : i32
      %dma_start3A_407 = tpu.memref_slice %arg6[%select_n3A_112, %dma_start3A_404, %dma_start3A_405, %dma_start3A_406] : memref<2x2x8x80xi32, #tpu.memory_space<vmem>> -> memref<1x1x1x80xi32, #tpu.memory_space<vmem>>
      %dma_start3A_408 = tpu.memref_squeeze %dma_start3A_407 : memref<1x1x1x80xi32, #tpu.memory_space<vmem>> -> memref<80xi32, #tpu.memory_space<vmem>>
      %dma_start3A_409 = arith.constant 0 : i32
      %dma_start3A_410 = arith.constant 0 : i32
      %dma_start3A_411 = tpu.memref_slice %arg11[%dma_start3A_409, %dma_start3A_410] : memref<10240x128xf32, #tpu.memory_space<vmem_shared>> -> memref<10240x128xf32, #tpu.memory_space<vmem_shared>>
      tpu.enqueue_indirect_dma source(%arg10 : memref<80x128xf32, #tpu.memory_space<vmem>>) target(%dma_start3A_411 : memref<10240x128xf32, #tpu.memory_space<vmem_shared>>) offsets(%dma_start3A_408 : memref<80xi32, #tpu.memory_space<vmem>>) semaphore(%arg13 : memref<!tpu.dma_semaphore, #tpu.memory_space<semaphore_mem>>) {add = true}
    }
    %scan3A_71 = arith.constant 16 : i32
    %dma_wait3A_72 = arith.constant 0 : i32
    %dma_wait3A_73 = arith.constant 0 : i32
    %dma_wait3A_74 = tpu.memref_slice %arg2[%dma_wait3A_72, %dma_wait3A_73] : memref<10240x128xf32, #tpu.memory_space<hbm>> -> memref<80x128xf32, #tpu.memory_space<hbm>>
    %dma_wait3A_75 = arith.constant 0 : i32
    %dma_wait3A_76 = arith.constant 0 : i32
    %dma_wait3A_77 = tpu.memref_slice %arg2[%dma_wait3A_75, %dma_wait3A_76] : memref<10240x128xf32, #tpu.memory_space<hbm>> -> memref<80x128xf32, #tpu.memory_space<hbm>>
    tpu.wait_dma2 semaphore(%arg12 : memref<!tpu.dma_semaphore, #tpu.memory_space<semaphore_mem>>) src(%dma_wait3A_77 : memref<80x128xf32, #tpu.memory_space<hbm>>) dst(%arg7 : memref<80x128xf32, #tpu.memory_space<vmem>>)
    %dma_wait3A_78 = arith.constant 0 : i32
    %dma_wait3A_79 = arith.constant 0 : i32
    %dma_wait3A_80 = tpu.memref_slice %arg2[%dma_wait3A_78, %dma_wait3A_79] : memref<10240x128xf32, #tpu.memory_space<hbm>> -> memref<80x128xf32, #tpu.memory_space<hbm>>
    %dma_wait3A_81 = arith.constant 0 : i32
    %dma_wait3A_82 = arith.constant 0 : i32
    %dma_wait3A_83 = tpu.memref_slice %arg2[%dma_wait3A_81, %dma_wait3A_82] : memref<10240x128xf32, #tpu.memory_space<hbm>> -> memref<80x128xf32, #tpu.memory_space<hbm>>
    tpu.wait_dma2 semaphore(%arg12 : memref<!tpu.dma_semaphore, #tpu.memory_space<semaphore_mem>>) src(%dma_wait3A_83 : memref<80x128xf32, #tpu.memory_space<hbm>>) dst(%arg8 : memref<80x128xf32, #tpu.memory_space<vmem>>)
    %dma_wait3A_84 = arith.constant 0 : i32
    %dma_wait3A_85 = arith.constant 0 : i32
    %dma_wait3A_86 = tpu.memref_slice %arg4[%dma_wait3A_84, %dma_wait3A_85] : memref<10240x128xf32, #tpu.memory_space<hbm>> -> memref<80x128xf32, #tpu.memory_space<hbm>>
    %dma_wait3A_87 = arith.constant 0 : i32
    %dma_wait3A_88 = arith.constant 0 : i32
    %dma_wait3A_89 = tpu.memref_slice %arg4[%dma_wait3A_87, %dma_wait3A_88] : memref<10240x128xf32, #tpu.memory_space<hbm>> -> memref<80x128xf32, #tpu.memory_space<hbm>>
    tpu.wait_dma2 semaphore(%arg13 : memref<!tpu.dma_semaphore, #tpu.memory_space<semaphore_mem>>) src(%dma_wait3A_89 : memref<80x128xf32, #tpu.memory_space<hbm>>) dst(%arg7 : memref<80x128xf32, #tpu.memory_space<vmem>>)
    %dma_wait3A_90 = arith.constant 0 : i32
    %dma_wait3A_91 = arith.constant 0 : i32
    %dma_wait3A_92 = tpu.memref_slice %arg4[%dma_wait3A_90, %dma_wait3A_91] : memref<10240x128xf32, #tpu.memory_space<hbm>> -> memref<80x128xf32, #tpu.memory_space<hbm>>
    %dma_wait3A_93 = arith.constant 0 : i32
    %dma_wait3A_94 = arith.constant 0 : i32
    %dma_wait3A_95 = tpu.memref_slice %arg4[%dma_wait3A_93, %dma_wait3A_94] : memref<10240x128xf32, #tpu.memory_space<hbm>> -> memref<80x128xf32, #tpu.memory_space<hbm>>
    tpu.wait_dma2 semaphore(%arg13 : memref<!tpu.dma_semaphore, #tpu.memory_space<semaphore_mem>>) src(%dma_wait3A_95 : memref<80x128xf32, #tpu.memory_space<hbm>>) dst(%arg8 : memref<80x128xf32, #tpu.memory_space<vmem>>)
    %barrier3A_96 = arith.constant 0 : index
    tpu.barrier barrier_id(%barrier3A_96)
    %mul3A_97 = arith.constant 640 : i32
    %mul3A_98 = arith.muli %arg1, %mul3A_97 : i32
    %mul3A_99 = arith.constant 640 : i32
    %mul3A_100 = arith.muli %arg1, %mul3A_99 : i32
    "tpu.region"() ({
      %run_scoped3A = tpu.sem_alloc : memref<!tpu.dma_semaphore, #tpu.memory_space<semaphore_mem>>
      %dma_start3A_101 = arith.constant 0 : i32
      %dma_start3A_102 = tpu.memref_slice %arg5[%arg0, %mul3A_100, %dma_start3A_101] : memref<2x10240x128xf32, #tpu.memory_space<hbm>> -> memref<1x640x128xf32, #tpu.memory_space<hbm>>
      %dma_start3A_103 = tpu.memref_squeeze %dma_start3A_102 : memref<1x640x128xf32, #tpu.memory_space<hbm>> -> memref<640x128xf32, #tpu.memory_space<hbm>>
      %dma_start3A_104 = arith.constant 0 : i32
      %dma_start3A_105 = tpu.memref_slice %arg11[%mul3A_98, %dma_start3A_104] : memref<10240x128xf32, #tpu.memory_space<vmem_shared>> -> memref<640x128xf32, #tpu.memory_space<vmem_shared>>
      tpu.enqueue_dma source(%dma_start3A_105 : memref<640x128xf32, #tpu.memory_space<vmem_shared>>) target(%dma_start3A_103 : memref<640x128xf32, #tpu.memory_space<hbm>>) target_semaphore(%run_scoped3A : memref<!tpu.dma_semaphore, #tpu.memory_space<semaphore_mem>>)
      %dma_wait3A_106 = arith.constant 0 : i32
      %dma_wait3A_107 = tpu.memref_slice %arg5[%arg0, %mul3A_100, %dma_wait3A_106] : memref<2x10240x128xf32, #tpu.memory_space<hbm>> -> memref<1x640x128xf32, #tpu.memory_space<hbm>>
      %dma_wait3A_108 = tpu.memref_squeeze %dma_wait3A_107 : memref<1x640x128xf32, #tpu.memory_space<hbm>> -> memref<640x128xf32, #tpu.memory_space<hbm>>
      %dma_wait3A_109 = arith.constant 0 : i32
      %dma_wait3A_110 = tpu.memref_slice %arg11[%mul3A_98, %dma_wait3A_109] : memref<10240x128xf32, #tpu.memory_space<vmem_shared>> -> memref<640x128xf32, #tpu.memory_space<vmem_shared>>
      tpu.wait_dma2 semaphore(%run_scoped3A : memref<!tpu.dma_semaphore, #tpu.memory_space<semaphore_mem>>) src(%dma_wait3A_110 : memref<640x128xf32, #tpu.memory_space<vmem_shared>>) dst(%dma_wait3A_108 : memref<640x128xf32, #tpu.memory_space<hbm>>)
      tpu.yield
    }) : () -> ()
    return
  }
}

module attributes {stable_mosaic.version = 14 : i64} {
  func.func @_tc1_body(%arg0: memref<2x10240x128xf32, #tpu.memory_space<vmem>>, %arg1: memref<10000x128xf32, #tpu.memory_space<vmem>>, %arg2: memref<128x128xf32, #tpu.memory_space<vmem>>, %arg3: memref<10240x128xf32, #tpu.memory_space<vmem>>, %arg4: memref<10240x128xf32, #tpu.memory_space<vmem>>) attributes {dimension_semantics = [], scalar_prefetch = 0 : i64, scratch_operands = 0 : i64, tpu.core_type = #tpu.core_type<tc>} {
    %get3A = arith.constant 0 : index
    %get3A_0 = arith.constant 0 : index
    %get3A_1 = arith.constant 0 : index
    %get3A_2 = vector.load %arg0[%get3A, %get3A_0, %get3A_1] : memref<2x10240x128xf32, #tpu.memory_space<vmem>>, vector<1x10240x128xf32>
    %get3A_3 = vector.shape_cast %get3A_2 : vector<1x10240x128xf32> to vector<10240x128xf32>
    %get3A_4 = arith.constant 1 : index
    %get3A_5 = arith.constant 0 : index
    %get3A_6 = arith.constant 0 : index
    %get3A_7 = vector.load %arg0[%get3A_4, %get3A_5, %get3A_6] : memref<2x10240x128xf32, #tpu.memory_space<vmem>>, vector<1x10240x128xf32>
    %get3A_8 = vector.shape_cast %get3A_7 : vector<1x10240x128xf32> to vector<10240x128xf32>
    %add3A = arith.addf %get3A_3, %get3A_8 : vector<10240x128xf32>
    %rsqrt3A = math.rsqrt %add3A : vector<10240x128xf32>
    %swap3A = arith.constant 0 : index
    %swap3A_9 = arith.constant 0 : index
    %swap3A_10 = vector.load %arg4[%swap3A, %swap3A_9] : memref<10240x128xf32, #tpu.memory_space<vmem>>, vector<10240x128xf32>
    tpu.vector_store %arg4[%swap3A, %swap3A_9], %rsqrt3A {strides = array<i32>} : memref<10240x128xf32, #tpu.memory_space<vmem>>, vector<10240x128xf32>,
    %get3A_11 = arith.constant 0 : index
    %get3A_12 = arith.constant 0 : index
    %get3A_13 = vector.load %arg1[%get3A_11, %get3A_12] : memref<10000x128xf32, #tpu.memory_space<vmem>>, vector<10000x128xf32>
    %get3A_14 = arith.constant 0 : index
    %get3A_15 = arith.constant 0 : index
    %get3A_16 = vector.load %arg2[%get3A_14, %get3A_15] : memref<128x128xf32, #tpu.memory_space<vmem>>, vector<128x128xf32>
    %dot_general3A = arith.constant dense<0.000000e+00> : vector<10000x128xf32>
    %dot_general3A_17 = tpu.matmul %get3A_13, %get3A_16, %dot_general3A {dimension_numbers = #tpu.dot_dimension_numbers<[1], [0], [0], [1], [0, 0, 1, 1], [], []>, transpose_lhs_hint = false} : vector<10000x128xf32>, vector<128x128xf32>, vector<10000x128xf32> -> vector<10000x128xf32>
    %slice3A = vector.extract_strided_slice %rsqrt3A {offsets = [0, 0], sizes = [10000, 128], strides = [1, 1]} : vector<10240x128xf32> to vector<10000x128xf32>
    %mul3A = arith.mulf %dot_general3A_17, %slice3A : vector<10000x128xf32>
    %swap3A_18 = arith.constant 0 : index
    %swap3A_19 = arith.constant 0 : index
    %swap3A_20 = vector.load %arg3[%swap3A_18, %swap3A_19] : memref<10240x128xf32, #tpu.memory_space<vmem>>, vector<10000x128xf32>
    tpu.vector_store %arg3[%swap3A_18, %swap3A_19], %mul3A {strides = array<i32>} : memref<10240x128xf32, #tpu.memory_space<vmem>>, vector<10000x128xf32>,
    return
  }
}

module attributes {stable_mosaic.version = 14 : i64} {
  func.func @_tc2_body(%arg0: memref<2x10240x128xf32, #tpu.memory_space<vmem>>, %arg1: memref<10240x128xf32, #tpu.memory_space<vmem>>, %arg2: memref<1x128xf32, #tpu.memory_space<vmem>>, %arg3: memref<1x128xf32, #tpu.memory_space<vmem>>, %arg4: memref<1x128xf32, #tpu.memory_space<vmem>>, %arg5: memref<128x128xf32, #tpu.memory_space<vmem>>, %arg6: memref<10240x128xf32, #tpu.memory_space<vmem>>) attributes {dimension_semantics = [], scalar_prefetch = 0 : i64, scratch_operands = 0 : i64, tpu.core_type = #tpu.core_type<tc>} {
    %get3A = arith.constant 0 : index
    %get3A_0 = arith.constant 0 : index
    %get3A_1 = vector.load %arg1[%get3A, %get3A_0] : memref<10240x128xf32, #tpu.memory_space<vmem>>, vector<10000x128xf32>
    %get3A_2 = arith.constant 0 : index
    %get3A_3 = arith.constant 0 : index
    %get3A_4 = arith.constant 0 : index
    %get3A_5 = vector.load %arg0[%get3A_2, %get3A_3, %get3A_4] : memref<2x10240x128xf32, #tpu.memory_space<vmem>>, vector<1x10000x128xf32>
    %get3A_6 = vector.shape_cast %get3A_5 : vector<1x10000x128xf32> to vector<10000x128xf32>
    %get3A_7 = arith.constant 1 : index
    %get3A_8 = arith.constant 0 : index
    %get3A_9 = arith.constant 0 : index
    %get3A_10 = vector.load %arg0[%get3A_7, %get3A_8, %get3A_9] : memref<2x10240x128xf32, #tpu.memory_space<vmem>>, vector<1x10000x128xf32>
    %get3A_11 = vector.shape_cast %get3A_10 : vector<1x10000x128xf32> to vector<10000x128xf32>
    %add3A = arith.addf %get3A_6, %get3A_11 : vector<10000x128xf32>
    %mul3A = arith.mulf %get3A_1, %add3A : vector<10000x128xf32>
    %get3A_12 = arith.constant 0 : index
    %get3A_13 = arith.constant 0 : index
    %get3A_14 = vector.load %arg2[%get3A_12, %get3A_13] : memref<1x128xf32, #tpu.memory_space<vmem>>, vector<1x128xf32>
    %add3A_15 = vector.broadcast %get3A_14 : vector<1x128xf32> to vector<10000x128xf32>
    %add3A_16 = arith.addf %mul3A, %add3A_15 : vector<10000x128xf32>
    %get3A_17 = arith.constant 0 : index
    %get3A_18 = arith.constant 0 : index
    %get3A_19 = vector.load %arg3[%get3A_17, %get3A_18] : memref<1x128xf32, #tpu.memory_space<vmem>>, vector<1x128xf32>
    %get3A_20 = arith.constant 0 : index
    %get3A_21 = arith.constant 0 : index
    %get3A_22 = vector.load %arg4[%get3A_20, %get3A_21] : memref<1x128xf32, #tpu.memory_space<vmem>>, vector<1x128xf32>
    %reduce_sum3A = arith.constant dense<0.000000e+00> : vector<128xf32>
    %reduce_sum3A_23 = vector.multi_reduction <add>, %add3A_16, %reduce_sum3A [0] : vector<10000x128xf32> to vector<128xf32>
    %broadcast_in_dim3A = vector.shape_cast %reduce_sum3A_23 : vector<128xf32> to vector<1x128xf32>
    %div3A = arith.constant 1.000000e+04 : f32
    %div3A_24 = vector.broadcast %div3A : f32 to vector<1x128xf32>
    %div3A_25 = arith.divf %broadcast_in_dim3A, %div3A_24 : vector<1x128xf32>
    %sub3A = vector.broadcast %div3A_25 : vector<1x128xf32> to vector<10000x128xf32>
    %sub3A_26 = arith.subf %add3A_16, %sub3A : vector<10000x128xf32>
    %sub3A_27 = vector.broadcast %div3A_25 : vector<1x128xf32> to vector<10000x128xf32>
    %sub3A_28 = arith.subf %add3A_16, %sub3A_27 : vector<10000x128xf32>
    %mul3A_29 = arith.mulf %sub3A_26, %sub3A_28 : vector<10000x128xf32>
    %reduce_sum3A_30 = arith.constant dense<0.000000e+00> : vector<128xf32>
    %reduce_sum3A_31 = vector.multi_reduction <add>, %mul3A_29, %reduce_sum3A_30 [0] : vector<10000x128xf32> to vector<128xf32>
    %broadcast_in_dim3A_32 = vector.shape_cast %reduce_sum3A_31 : vector<128xf32> to vector<1x128xf32>
    %div3A_33 = arith.constant 1.000000e+04 : f32
    %div3A_34 = vector.broadcast %div3A_33 : f32 to vector<1x128xf32>
    %div3A_35 = arith.divf %broadcast_in_dim3A_32, %div3A_34 : vector<1x128xf32>
    %sub3A_36 = vector.broadcast %div3A_25 : vector<1x128xf32> to vector<10000x128xf32>
    %sub3A_37 = arith.subf %add3A_16, %sub3A_36 : vector<10000x128xf32>
    %add3A_38 = arith.constant 9.99999974E-6 : f32
    %add3A_39 = vector.broadcast %add3A_38 : f32 to vector<1x128xf32>
    %add3A_40 = arith.addf %div3A_35, %add3A_39 : vector<1x128xf32>
    %rsqrt3A = math.rsqrt %add3A_40 : vector<1x128xf32>
    %mul3A_41 = vector.broadcast %rsqrt3A : vector<1x128xf32> to vector<10000x128xf32>
    %mul3A_42 = arith.mulf %sub3A_37, %mul3A_41 : vector<10000x128xf32>
    %mul3A_43 = vector.broadcast %get3A_19 : vector<1x128xf32> to vector<10000x128xf32>
    %mul3A_44 = arith.mulf %mul3A_42, %mul3A_43 : vector<10000x128xf32>
    %add3A_45 = vector.broadcast %get3A_22 : vector<1x128xf32> to vector<10000x128xf32>
    %add3A_46 = arith.addf %mul3A_44, %add3A_45 : vector<10000x128xf32>
    %max3A = arith.constant 0.000000e+00 : f32
    %max3A_47 = vector.broadcast %max3A : f32 to vector<10000x128xf32>
    %max3A_48 = arith.maximumf %add3A_46, %max3A_47 : vector<10000x128xf32>
    %get3A_49 = arith.constant 0 : index
    %get3A_50 = arith.constant 0 : index
    %get3A_51 = vector.load %arg5[%get3A_49, %get3A_50] : memref<128x128xf32, #tpu.memory_space<vmem>>, vector<128x128xf32>
    %dot_general3A = arith.constant dense<0.000000e+00> : vector<10000x128xf32>
    %dot_general3A_52 = tpu.matmul %max3A_48, %get3A_51, %dot_general3A {dimension_numbers = #tpu.dot_dimension_numbers<[1], [0], [0], [1], [0, 0, 1, 1], [], []>, transpose_lhs_hint = false} : vector<10000x128xf32>, vector<128x128xf32>, vector<10000x128xf32> -> vector<10000x128xf32>
    %mul3A_53 = arith.mulf %dot_general3A_52, %get3A_1 : vector<10000x128xf32>
    %swap3A = arith.constant 0 : index
    %swap3A_54 = arith.constant 0 : index
    %swap3A_55 = vector.load %arg6[%swap3A, %swap3A_54] : memref<10240x128xf32, #tpu.memory_space<vmem>>, vector<10000x128xf32>
    tpu.vector_store %arg6[%swap3A, %swap3A_54], %mul3A_53 {strides = array<i32>} : memref<10240x128xf32, #tpu.memory_space<vmem>>, vector<10000x128xf32>,
    return
  }
}

module attributes {stable_mosaic.version = 14 : i64} {
  func.func @_tc3_body(%arg0: memref<2x10240x128xf32, #tpu.memory_space<vmem>>, %arg1: memref<10240x128xf32, #tpu.memory_space<vmem>>, %arg2: memref<1x128xf32, #tpu.memory_space<vmem>>, %arg3: memref<1x128xf32, #tpu.memory_space<vmem>>, %arg4: memref<1x128xf32, #tpu.memory_space<vmem>>, %arg5: memref<10000x128xf32, #tpu.memory_space<vmem>>) attributes {dimension_semantics = [], scalar_prefetch = 0 : i64, scratch_operands = 0 : i64, tpu.core_type = #tpu.core_type<tc>} {
    %get3A = arith.constant 0 : index
    %get3A_0 = arith.constant 0 : index
    %get3A_1 = vector.load %arg1[%get3A, %get3A_0] : memref<10240x128xf32, #tpu.memory_space<vmem>>, vector<10000x128xf32>
    %get3A_2 = arith.constant 0 : index
    %get3A_3 = arith.constant 0 : index
    %get3A_4 = arith.constant 0 : index
    %get3A_5 = vector.load %arg0[%get3A_2, %get3A_3, %get3A_4] : memref<2x10240x128xf32, #tpu.memory_space<vmem>>, vector<1x10000x128xf32>
    %get3A_6 = vector.shape_cast %get3A_5 : vector<1x10000x128xf32> to vector<10000x128xf32>
    %get3A_7 = arith.constant 1 : index
    %get3A_8 = arith.constant 0 : index
    %get3A_9 = arith.constant 0 : index
    %get3A_10 = vector.load %arg0[%get3A_7, %get3A_8, %get3A_9] : memref<2x10240x128xf32, #tpu.memory_space<vmem>>, vector<1x10000x128xf32>
    %get3A_11 = vector.shape_cast %get3A_10 : vector<1x10000x128xf32> to vector<10000x128xf32>
    %add3A = arith.addf %get3A_6, %get3A_11 : vector<10000x128xf32>
    %mul3A = arith.mulf %get3A_1, %add3A : vector<10000x128xf32>
    %get3A_12 = arith.constant 0 : index
    %get3A_13 = arith.constant 0 : index
    %get3A_14 = vector.load %arg2[%get3A_12, %get3A_13] : memref<1x128xf32, #tpu.memory_space<vmem>>, vector<1x128xf32>
    %add3A_15 = vector.broadcast %get3A_14 : vector<1x128xf32> to vector<10000x128xf32>
    %add3A_16 = arith.addf %mul3A, %add3A_15 : vector<10000x128xf32>
    %get3A_17 = arith.constant 0 : index
    %get3A_18 = arith.constant 0 : index
    %get3A_19 = vector.load %arg3[%get3A_17, %get3A_18] : memref<1x128xf32, #tpu.memory_space<vmem>>, vector<1x128xf32>
    %get3A_20 = arith.constant 0 : index
    %get3A_21 = arith.constant 0 : index
    %get3A_22 = vector.load %arg4[%get3A_20, %get3A_21] : memref<1x128xf32, #tpu.memory_space<vmem>>, vector<1x128xf32>
    %reduce_sum3A = arith.constant dense<0.000000e+00> : vector<128xf32>
    %reduce_sum3A_23 = vector.multi_reduction <add>, %add3A_16, %reduce_sum3A [0] : vector<10000x128xf32> to vector<128xf32>
    %broadcast_in_dim3A = vector.shape_cast %reduce_sum3A_23 : vector<128xf32> to vector<1x128xf32>
    %div3A = arith.constant 1.000000e+04 : f32
    %div3A_24 = vector.broadcast %div3A : f32 to vector<1x128xf32>
    %div3A_25 = arith.divf %broadcast_in_dim3A, %div3A_24 : vector<1x128xf32>
    %sub3A = vector.broadcast %div3A_25 : vector<1x128xf32> to vector<10000x128xf32>
    %sub3A_26 = arith.subf %add3A_16, %sub3A : vector<10000x128xf32>
    %sub3A_27 = vector.broadcast %div3A_25 : vector<1x128xf32> to vector<10000x128xf32>
    %sub3A_28 = arith.subf %add3A_16, %sub3A_27 : vector<10000x128xf32>
    %mul3A_29 = arith.mulf %sub3A_26, %sub3A_28 : vector<10000x128xf32>
    %reduce_sum3A_30 = arith.constant dense<0.000000e+00> : vector<128xf32>
    %reduce_sum3A_31 = vector.multi_reduction <add>, %mul3A_29, %reduce_sum3A_30 [0] : vector<10000x128xf32> to vector<128xf32>
    %broadcast_in_dim3A_32 = vector.shape_cast %reduce_sum3A_31 : vector<128xf32> to vector<1x128xf32>
    %div3A_33 = arith.constant 1.000000e+04 : f32
    %div3A_34 = vector.broadcast %div3A_33 : f32 to vector<1x128xf32>
    %div3A_35 = arith.divf %broadcast_in_dim3A_32, %div3A_34 : vector<1x128xf32>
    %sub3A_36 = vector.broadcast %div3A_25 : vector<1x128xf32> to vector<10000x128xf32>
    %sub3A_37 = arith.subf %add3A_16, %sub3A_36 : vector<10000x128xf32>
    %add3A_38 = arith.constant 9.99999974E-6 : f32
    %add3A_39 = vector.broadcast %add3A_38 : f32 to vector<1x128xf32>
    %add3A_40 = arith.addf %div3A_35, %add3A_39 : vector<1x128xf32>
    %rsqrt3A = math.rsqrt %add3A_40 : vector<1x128xf32>
    %mul3A_41 = vector.broadcast %rsqrt3A : vector<1x128xf32> to vector<10000x128xf32>
    %mul3A_42 = arith.mulf %sub3A_37, %mul3A_41 : vector<10000x128xf32>
    %mul3A_43 = vector.broadcast %get3A_19 : vector<1x128xf32> to vector<10000x128xf32>
    %mul3A_44 = arith.mulf %mul3A_42, %mul3A_43 : vector<10000x128xf32>
    %add3A_45 = vector.broadcast %get3A_22 : vector<1x128xf32> to vector<10000x128xf32>
    %add3A_46 = arith.addf %mul3A_44, %add3A_45 : vector<10000x128xf32>
    %swap3A = arith.constant 0 : index
    %swap3A_47 = arith.constant 0 : index
    %swap3A_48 = vector.load %arg5[%swap3A, %swap3A_47] : memref<10000x128xf32, #tpu.memory_space<vmem>>, vector<10000x128xf32>
    tpu.vector_store %arg5[%swap3A, %swap3A_47], %add3A_46 {strides = array<i32>} : memref<10000x128xf32, #tpu.memory_space<vmem>>, vector<10000x128xf32>,
    return
  }
}

</mosaic_0001>

<sc_bundles>
// kernel: kernel.11.cloned.1.call-start
scs
__scs_entry_jumppad:
0x0: {  	(pc) =	sbr.rel $0x88, $3  }
0x1: {  	(tag) =	ssettag $0x0;
	lr =	simm.s32 $0x1  }
0x2: {  	[smem:$0x3F97] =	sst lr;
	_ =	strace $0xD0000000  }
0x3: {  	_ = 	snop  }
0x4: {  	_ = 	snop  }
0x5: {  	_ = 	snop  }
0x6: {  	_ = 	snop  }
0x7: {  	_ = 	snop  }
__scs_overlays_trampoline_lowered:
0x8: {  	[smem:$0x3FA6] =	sst s0  }
0x9: {  	[smem:$0x3FA7] =	sst s1  }
0xa: {  	[smem:$0x3FA8] =	sst s2  }
0xb: {  	[smem:$0x3FA9] =	sst s3  }
0xc: {  	[smem:$0x3FAA] =	sst s4  }
0xd: {  	[smem:$0x3FAB] =	sst s5  }
0xe: {  	[smem:$0x3FAC] =	sst s6  }
0xf: {  	[smem:$0x3FAD] =	sst s7  }
0x10: {  	[smem:$0x3FAE] =	sst s8  }
0x11: {  	[smem:$0x3FAF] =	sst s9;
	s0 =	simm.s32 @!p0 $0x0  }
0x12: {  	s1 =	sld [smem:$0x3F95];
	s0 =	simm.s32 @p0 $0x1  }
0x13: {  	[smem:$0x3FB0] =	sst s0;
	s0 =	simm.s32 @!p1 $0x0  }
0x14: {  	s2 =	sld [smem:$0x3F94];
	s0 =	simm.s32 @p1 $0x1  }
0x15: {  	[smem:$0x3FB1] =	sst s0;
	s0 =	simm.s32 @!p2 $0x0  }
0x16: {  	s3 =	sld [smem:$0x3FDB];
	s0 =	simm.s32 @p2 $0x1  }
0x17: {  	s4 =	simm.s32 $0x1BF5;
	[smem:$0x3FB3] =	sst s0  }
0x18: {  	s0 =	sld [smem:$0x3F96];
	_ =	swait.ge [sflag:s4], $0x0  }
0x19: {  	s7 =	sld [smem:$0x3F97]  }
0x1a: {  	s8 =	sadd.s32 $0xFFFFE003, lr  }
0x1b: {  	s9 =	sadd.s32 $0xFFFFFEF7, lr;
	s5 =	simm.s32 $0xFFFFFFFF;
	p2 =	slt.u32 s8, $0xFFFFF086  }
0x1c: {  	p1 =	slt.u32 s9, $0xF7A;
	s5 =	simm.s32 @!p2 $0x0  }
0x1d: {  	s5 =	simm.s32 @p1 $0x1;
	p0 =	seq.s32 s7, s2  }
0x1e: {  	s7 =	smul.u32 @!p0 $0xF7A, s2;
	p2 =	seq.s32 @!p0 s5, $0x0  }
0x1f: {  	s9 =	smul.u32 $0xF7A, s1;
	s8 =	simm.s32 @!p0 $0x1BF5;
	p2 =	por !p2, p0  }
0x20: {  	[sflag:s8] =	ssyncset.s32 @!p0 $0xFFFFF086;
	s6 =	sadd.s32 @!p0 s3, s7;
	s7 =	simm.s32 @!p0 $0x108  }
0x21: {  	s3 =	sadd.s32 s3, s9;
	s6 =	sadd.s32 @!p0 $0x88, s6;
	s7 =	simm.s32 @p2 $0x1082  }
0x22: {  	[simem:s7], [sflag:s8] =	dma.local @!p0 [hbm:s6], $0xF7A  }
0x23: {  	s9 =	sor.u32 $0xD0000000, s2;
	s6 =	simm.s32 $0x108;
	_ =	swait.ge @!p0 [sflag:s8], $0x0  }
0x24: {  	s3 =	sadd.s32 $0x88, s3;
	s6 =	simm.s32 @!p1 $0x1082;
	[sflag:s4] =	ssyncset.s32 $0xFFFFF086  }
0x25: {  	[simem:s6], [sflag:s4] =	dma.local [hbm:s3], $0xF7A  }
0x26: {  	[smem:$0x3F97] =	sst s1;
	(tag) =	ssettag s2;
	_ =	strace s9  }
0x27: {  	s1 =	sld [smem:$0x3FA7]  }
0x28: {  	s2 =	sld [smem:$0x3FA8]  }
0x29: {  	s4 =	sld [smem:$0x3FAA]  }
0x2a: {  	p0 =	seq.s32 s5, $0x0;
	s5 =	sld [smem:$0x3FAB]  }
0x2b: {  	s6 =	sld [smem:$0x3FAC]  }
0x2c: {  	s7 =	sld [smem:$0x3FAD]  }
0x2d: {  	s3 =	simm.s32 $0x108;
	s8 =	sld [smem:$0x3FAE]  }
0x2e: {  	s3 =	simm.s32 @!p0 $0x1082;
	s9 =	sld [smem:$0x3FAF]  }
0x2f: {  	lr =	sadd.s32 s0, s3;
	s0 =	sld [smem:$0x3FA6]  }
0x30: {  	s3 =	sld [smem:$0x3FA9]  }
0x31: {  	[smem:$0x3FB2] =	sst s10  }
0x32: {  	s10 =	sld [smem:$0x3FB0];
	_ =	sdelay $0x3  }
0x33: {  	p0 =	seq.s32 s10, $0x1;
	s10 =	sld [smem:$0x3FB2];
	_ =	sdelay $0x3  }
0x34: {  	[smem:$0x3FB2] =	sst s10  }
0x35: {  	s10 =	sld [smem:$0x3FB1];
	_ =	sdelay $0x3  }
0x36: {  	p1 =	seq.s32 s10, $0x1;
	s10 =	sld [smem:$0x3FB2];
	_ =	sdelay $0x3  }
0x37: {  	[smem:$0x3FB2] =	sst s10  }
0x38: {  	s10 =	sld [smem:$0x3FB3]  }
0x39: {  	_ = 	snop;
	(pc) =	sbr.ind lr, $3  }
0x3a: {  	_ = 	snop  }
0x3b: {  	_ = 	snop  }
0x3c: {  	p2 =	seq.s32 s10, $0x1;
	s10 =	sld [smem:$0x3FB2]  }
0x3d: {  	_ =	shalt  }
0x3e: {  	_ =	shalt  }
0x3f: {  	_ =	shalt  }
0x40: {  	_ =	shalt  }
0x41: {  	_ =	shalt  }
0x42: {  	_ =	shalt  }
0x43: {  	_ =	shalt  }
0x44: {  	_ =	shalt  }
0x45: {  	_ =	shalt  }
0x46: {  	_ =	shalt  }
0x47: {  	_ =	shalt  }
0x48: {  	_ =	shalt  }
0x49: {  	_ =	shalt  }
0x4a: {  	_ =	shalt  }
0x4b: {  	_ =	shalt  }
0x4c: {  	_ =	shalt  }
0x4d: {  	_ =	shalt  }
0x4e: {  	_ =	shalt  }
0x4f: {  	_ =	shalt  }
0x50: {  	_ =	shalt  }
0x51: {  	_ =	shalt  }
0x52: {  	_ =	shalt  }
0x53: {  	_ =	shalt  }
0x54: {  	_ =	shalt  }
0x55: {  	_ =	shalt  }
0x56: {  	_ =	shalt  }
0x57: {  	_ =	shalt  }
0x58: {  	_ =	shalt  }
0x59: {  	_ =	shalt  }
0x5a: {  	_ =	shalt  }
0x5b: {  	_ =	shalt  }
0x5c: {  	_ =	shalt  }
0x5d: {  	_ =	shalt  }
0x5e: {  	_ =	shalt  }
0x5f: {  	_ =	shalt  }
0x60: {  	_ =	shalt  }
0x61: {  	_ =	shalt  }
0x62: {  	_ =	shalt  }
0x63: {  	_ =	shalt  }
0x64: {  	_ =	shalt  }
0x65: {  	_ =	shalt  }
0x66: {  	_ =	shalt  }
0x67: {  	_ =	shalt  }
0x68: {  	_ =	shalt  }
0x69: {  	_ =	shalt  }
0x6a: {  	_ =	shalt  }
0x6b: {  	_ =	shalt  }
0x6c: {  	_ =	shalt  }
0x6d: {  	_ =	shalt  }
0x6e: {  	_ =	shalt  }
0x6f: {  	_ =	shalt  }
0x70: {  	_ =	shalt  }
0x71: {  	_ =	shalt  }
0x72: {  	_ =	shalt  }
0x73: {  	_ =	shalt  }
0x74: {  	_ =	shalt  }
0x75: {  	_ =	shalt  }
0x76: {  	_ =	shalt  }
0x77: {  	_ =	shalt  }
0x78: {  	_ =	shalt  }
0x79: {  	_ =	shalt  }
0x7a: {  	_ =	shalt  }
0x7b: {  	_ =	shalt  }
0x7c: {  	_ =	shalt  }
0x7d: {  	_ =	shalt  }
0x7e: {  	_ =	shalt  }
0x7f: {  	_ =	shalt  }
0x80: {  	_ =	shalt  }
0x81: {  	_ =	shalt  }
0x82: {  	_ =	shalt  }
0x83: {  	_ =	shalt  }
0x84: {  	_ =	shalt  }
0x85: {  	_ =	shalt  }
0x86: {  	_ =	shalt  }
0x87: {  	_ =	shalt  }
.Lfunc_end0:
.L_simem_size_0:
called_computation.1_lowered:
.L_overlay_start_0:
0x88: {  	s2 =	sld [smem:$0x3FD9]  }
0x89: {  	s3 =	sld [smem:$0x3FFE];
	_ =	sdelay $0x1  }
0x8a: {  	s1 =	srdreg.scid  }
0x8b: {  	s0 =	sand.u32 $0x1, s1  }
0x8c: {  	s17 =	sshll.u32 s0, $0xA;
	s2 =	sadd.s32 s3, s2  }
0x8d: {  	s2 =	sadd.s32 s2, s17  }
0x8e: {  	[smem:$0x3FBE] =	sst s2  }
0x8f: {  	_ = 	snop  }
0x90: {  	s2 =	sld [smem:$0x3FD0];
	(tm) =	ssettm $0x1  }
0x91: {  	s18 =	sld [smem:$0x3FFB];
	_ =	sdelay $0x3  }
0x92: {  	_ =	strace s18  }
0x93: {  	s3 =	sld [smem:$0x3FFC];
	_ =	sdelay $0x3  }
0x94: {  	_ =	strace s3  }
0x95: {  	s3 =	sld [smem:$0x3FFD];
	_ =	sdelay $0x3  }
0x96: {  	_ =	strace s3  }
0x97: {  	_ =	strace $0x8FFFFFFF  }
0x98: {  	s19 =	sld [smem:$0x3FDB];
	_ =	sdelay $0x1  }
0x99: {  	s4 =	simm.s32 $_scs_section_size  }
0x9a: {  	s5 =	simm.s32 $_size__tile_overlayer_lowered;
	s6 =	simm.s32 $_tile_overlayer_lowered  }
0x9b: {  	s22 =	simm.s32 $0x1BFF;
	s21 =	sshll.u32 s6, $0x1;
	s3 =	sadd.s32 s4, s19  }
0x9c: {  	s7 =	simm.s32 $0x0;
	s20 =	sshll.u32 s5, $0x1;
	s5 =	sadd.s32 s21, s3  }
0x9d: {  	[timem:s7], [sflag:s22] =	dma.local [hbm:s5], s20  }
0x9e: {  	_ =	swait.ge [sflag:s22], s20  }
0x9f: {  	s4 =	ssub.s32 $0x0, s20;
	[sflag:s22] =	ssyncset.done $0x0  }
0xa0: {  	[sflag:s22] =	ssyncadd.s32 s4;
	_ =	sdelay $0x1  }
0xa1: {  	s23 =	simm.s32 $0x1B8B  }
0xa2: {  	_ =	swait.ge [sflag:s23], $0x1  }
0xa3: {  	[sflag:s23] =	ssyncset.done $0x0  }
0xa4: {  	s25 =	simm.s32 $0x1B8E;
	s24 =	sld [smem:$0x3FFE];
	[sflag:s23] =	ssyncadd.s32 $0xFFFFFFFF  }
0xa5: {  	s26 =	simm.s32 $execute0_lowered;
	[smem:$0x3FD2] =	sst s25  }
0xa6: {  	s5 =	sshll.u32 s26, $0x1;
	_ =	strace $0x80000049;
	[dreg:$0x1] =	wrdreg $0xFFFFFFFF  }
0xa7: {  	s28 =	simm.s32 $_size_execute0_lowered;
	s3 =	sadd.s32 s3, s5;
	[dreg:$0x0] =	wrdreg $0x0  }
0xa8: {  	s5 =	sshll.u32 s28, $0x1;
	[dreg:$0x2] =	wrdreg s3  }
0xa9: {  	[dreg:$0x3] =	wrdreg s5  }
0xaa: {  	[dreg:$0x4] =	wrdreg $0xC0  }
0xab: {  	_ =	task [dreg:s7], $0x5FFFF  }
0xac: {  	[dreg:$0x1] =	wrdreg $0xFFFFFFFF  }
0xad: {  	[dreg:$0x0] =	wrdreg $0x60  }
0xae: {  	[dreg:$0x2] =	wrdreg s24  }
0xaf: {  	[dreg:$0x3] =	wrdreg s2  }
0xb0: {  	[dreg:$0x4] =	wrdreg $0xB0000  }
0xb1: {  	[dreg:$0x5] =	wrdreg $0x9  }
0xb2: {  	_ =	task.clear_ibuf [dreg:s7], $0x6FFFF;
	_ =	strace $0x90000049  }
0xb3: {  	s29 =	simm.s32 $0x9;
	_ =	strace $0x8000004B  }
0xb4: {  	_ =	swait.ge [sflag:s29], $0x1  }
0xb5: {  	[sflag:s29] =	ssyncadd.s32 $0xFFFFFFFF  }
0xb6: {  	_ =	strace $0x9000004B  }
0xb7: {  	_ =	sfence  }
0xb8: {  	s30 =	sld [smem:$0x0];
	_ =	sdelay $0x2  }
0xb9: {  	s31 =	sshll.u32 s1, $0xD;
	s1 =	sshrl.u32 s1, $0x2  }
0xba: {  	s3 =	sand.u32 $0x4000, s31;
	s1 =	sadd.s32 s1, s30  }
0xbb: {  	s0 =	sor.u32 s3, s0;
	s1 =	sshll.u32 s1, $0x11  }
0xbc: {  	s0 =	sor.u32 s1, s0  }
0xbd: {  	s0 =	sadd.s32 $0x8F2B, s0  }
0xbe: {  	[sflag:s0] =	ssyncadd.remote.s32 $0x1  }
0xbf: {  	_ =	sfence.sel $0xFFFF  }
0xc0: {  	[dreg:$0x0] =	wrdreg $0xFFFFFFFF;
	(pc) =	sbr.abs _section_cstart, $3  }
0xc1: {  	[dreg:$0x1] =	wrdreg $0xFFFFFFFF  }
0xc2: {  	_ =	task.clear_ibuf [dreg:s7], $0x2FFFF;
	_ =	strace $0x9FFFFFFF  }
0xc3: {  	(tm) =	ssettm $0x7FFFFFFF  }
tec
execute0_lowered:
.L_overlay_start_1:
0x0: {  	(tag) =	ssettag $0x1  }
0x1: {  	s6 =	rddreg [dreg:$0x0]  }
0x2: {  	s2 =	rddreg [dreg:$0x1];
	s0 =	srdreg.scid  }
0x3: {  	s3 =	rddreg [dreg:$0x2];
	s1 =	stileid.u32  }
0x4: {  	s4 =	simm.s32 $0x0;
	s15 =	simm.s32 $0x1000;
	s16 =	simm.s32 $0x80  }
0x5: {  	s17 =	simm.s32 $0x3800;
	s18 =	simm.s32 $0x1;
	s19 =	simm.s32 $0x6000  }
0x6: {  	s20 =	simm.s32 $0x8800;
	s21 =	simm.s32 $0x2;
	s9 =	smul.u32 $0x14000, s1  }
0x7: {  	s7 =	sand.u32 $0x1, s0;
	s0 =	rddreg [dreg:$0x3];
	s12 =	smul.u32 $0x50000, s1  }
0x8: {  	s22 =	simm.s32 $0x0;
	[smem:$0x7FF] =	sst s4;
	s30 =	smul.u32 $0x8800, s1  }
0x9: {  	s5 =	sadd.s32 $0x34600, s6;
	s14 =	smul.u32 $0x2800, s1;
	s31 =	sshll.u32 s1, $0x6  }
0xa: {  	s8 =	smul.u32 $0x140000, s7;
	_ =	strace $0x8000004A;
	s10 =	sshll.u32 s7, $0x4  }
0xb: {  	s11 =	ssub.s32 $0x2, s7;
	p0 =	seq.s32 s7, $0x0;
	s13 =	smul.u32 $0x88000, s7  }
0xc: {  	s10 =	sor.u32 s1, s10;
	s26 =	sshrl.u32 s11, $0x1;
	s28 =	sshrl.u32 s12, $0x2  }
0xd: {  	s8 =	sadd.s32 s9, s8;
	s9 =	sadd.s32 $0xC600, s6;
	s10 =	smul.u32 $0x8800, s10  }
0xe: {  	s11 =	ssub.s32 s11, s26;
	s12 =	sadd.s32 s28, s3;
	s8 =	sshrl.u32 s8, $0x3  }
0xf: {  	s9 =	smov.u32 @p0 s5;
	s8 =	sadd.s32 s8, s6;
	s29 =	sshrl.u32 s10, $0x3  }
0x10: {  	s10 =	sadd.s32 s30, s13;
	s9 =	sadd.s32 s9, s14;
	s14 =	simm.s32 $0x50  }
0x11: {  	s6 =	sadd.s32 s2, s29;
	s7 =	sadd.s32 $0x5C600, s8;
	s8 =	smax.u32 s11, $0x1  }
0x12: {  	s13 =	sadd.s32 $0x800, s10;
	s10 =	sor.u32 $0x1C04, s31;
	s11 =	sshrl.u32 s12, $0x3  }
0x13: {  	s12 =	simm.s32 $0x4;
	[dreg:$0x4] =	wrdreg s13;
	s13 =	simm.s32 $0x3  }
.LBB2_1:
0x14: {  	[spmem:s11], [sflag:s10] =	dma.local [hbm:s9], $0x2800  }
0x15: {  	_ =	swait.ge [sflag:s12], $0x2800  }
0x16: {  	[sflag:s12] =	ssyncset.done $0x0  }
0x17: {  	[sflag:s12] =	ssyncadd.s32 $0xFFFFD800  }
0x18: {  	[bflag:$0x0] =	sbarrier.arrive $0xFFFF  }
0x19: {  	[tilespmem:s4], [sflag:$0x3] =	stream.linear.gather [hbm4b:s6+s4], $0x800, $0x38;
	[tilespmem:$0x1F000] =	vst v63  }
0x1a: {  	_ =	swait.ge [sflag:s13], $0x800  }
0x1b: {  	[sflag:s13] =	ssyncset.done $0x0  }
0x1c: {  	[sflag:s13] =	ssyncadd.s32 $0xFFFFF800  }
0x1d: {  	[tilespmem:s15], [sflag:$0x1] =	stream.indirect.gather [hbm4b:s5+s14], $0x80, s4, s14, $0xb8;
	[tilespmem:$0x1F000] =	vst v63  }
0x1e: {  	_ = 	snop  }
0x1f: {  	[tilespmem:s17], [sflag:$0x1] =	stream.indirect.gather [hbm4b:s5+s14], $0x80, s16, s14, $0xb8;
	[tilespmem:$0x1F000] =	vst v63  }
0x20: {  	_ =	swait.ge [sflag:s18], $0x2800  }
0x21: {  	p0 =	por $0x1, $0x1;
	[sflag:s18] =	ssyncset.done $0x0  }
0x22: {  	s23 =	simm.s32 @!p0 $0x2;
	[sflag:s18] =	ssyncadd.s32 $0xFFFFD800  }
0x23: {  	_ =	swait.ge @!p0 [sflag:s23], $0x2800  }
0x24: {  	s24 =	sand.u32 $0x800, s4;
	[sflag:s23] =	ssyncset.done @!p0 $0x0  }
0x25: {  	s25 =	sor.u32 $0x100, s24;
	[sflag:s23] =	ssyncadd.s32 @!p0 $0xFFFFD800  }
0x26: {  	[tilespmem:s19], [sflag:$0x1] =	stream.indirect.gather [hbm4b:s5+s14], $0x80, s25, s14, $0xb8;
	[tilespmem:$0x1F000] =	vst v63  }
0x27: {  	s31 =	sor.u32 $0x400, s24  }
0x28: {  	[spmem:s3] =	stream.indirect.scatter.add.f32 [tilespmem:s15], [sflag:$0x2], $0x80, s31, s14, $0xb8;
	[tilespmem:$0x1F000] =	vst v63  }
0x29: {  	_ =	swait.ge [sflag:s18], $0x2800  }
0x2a: {  	[sflag:s18] =	ssyncset.done $0x0  }
0x2b: {  	[sflag:s18] =	ssyncadd.s32 $0xFFFFD800  }
0x2c: {  	_ =	swait.ge @!p0 [sflag:s23], $0x2800  }
0x2d: {  	[sflag:s23] =	ssyncset.done @!p0 $0x0  }
0x2e: {  	s25 =	sadd.s32 $0x180, s24;
	[sflag:s23] =	ssyncadd.s32 @!p0 $0xFFFFD800  }
0x2f: {  	[tilespmem:s20], [sflag:$0x1] =	stream.indirect.gather [hbm4b:s5+s14], $0x80, s25, s14, $0xb8;
	[tilespmem:$0x1F000] =	vst v63  }
0x30: {  	s26 =	sadd.s32 $0x480, s24  }
0x31: {  	[spmem:s3] =	stream.indirect.scatter.add.f32 [tilespmem:s17], [sflag:$0x2], $0x80, s26, s14, $0xb8;
	[tilespmem:$0x1F000] =	vst v63  }
0x32: {  	_ =	swait.ge [sflag:s18], $0x2800  }
0x33: {  	[sflag:s18] =	ssyncset.done $0x0  }
0x34: {  	[sflag:s18] =	ssyncadd.s32 $0xFFFFD800  }
0x35: {  	_ =	swait.ge [sflag:s21], $0x2800  }
0x36: {  	s28 =	rddreg [dreg:$0x4]  }
0x37: {  	s29 =	sadd.s32 $0x0, s28  }
0x38: {  	s23 =	simm.s32 $0x800;
	[sflag:s21] =	ssyncset.done $0x0;
	s25 =	sshrl.u32 s29, $0x3  }
0x39: {  	s26 =	sand.u32 $0x800, s23;
	[sflag:s21] =	ssyncadd.s32 $0xFFFFD800;
	s25 =	sadd.s32 s2, s25  }
0x3a: {  	[tilespmem:s26], [sflag:$0x3] =	stream.linear.gather [hbm4b:s25+s4], $0x800, $0x38;
	[tilespmem:$0x1F000] =	vst v63  }
0x3b: {  	s30 =	sadd.s32 $0x200, s24  }
0x3c: {  	[tilespmem:s15], [sflag:$0x1] =	stream.indirect.gather [hbm4b:s5+s14], $0x80, s30, s14, $0xb8;
	[tilespmem:$0x1F000] =	vst v63  }
0x3d: {  	s31 =	sadd.s32 $0x500, s24  }
0x3e: {  	[spmem:s3] =	stream.indirect.scatter.add.f32 [tilespmem:s19], [sflag:$0x2], $0x80, s31, s14, $0xb8;
	[tilespmem:$0x1F000] =	vst v63  }
0x3f: {  	_ =	swait.ge [sflag:s18], $0x2800  }
0x40: {  	[sflag:s18] =	ssyncset.done $0x0  }
0x41: {  	[sflag:s18] =	ssyncadd.s32 $0xFFFFD800  }
0x42: {  	_ =	swait.ge [sflag:s21], $0x2800  }
0x43: {  	[sflag:s21] =	ssyncset.done $0x0  }
0x44: {  	s28 =	sadd.s32 $0x280, s24;
	[sflag:s21] =	ssyncadd.s32 $0xFFFFD800  }
0x45: {  	[tilespmem:s17], [sflag:$0x1] =	stream.indirect.gather [hbm4b:s5+s14], $0x80, s28, s14, $0xb8;
	[tilespmem:$0x1F000] =	vst v63  }
0x46: {  	s29 =	sadd.s32 $0x580, s24  }
0x47: {  	[spmem:s3] =	stream.indirect.scatter.add.f32 [tilespmem:s20], [sflag:$0x2], $0x80, s29, s14, $0xb8;
	[tilespmem:$0x1F000] =	vst v63  }
0x48: {  	_ =	swait.ge [sflag:s18], $0x2800  }
0x49: {  	[sflag:s18] =	ssyncset.done $0x0  }
0x4a: {  	[sflag:s18] =	ssyncadd.s32 $0xFFFFD800  }
0x4b: {  	_ =	swait.ge [sflag:s21], $0x2800  }
0x4c: {  	[sflag:s21] =	ssyncset.done $0x0  }
0x4d: {  	s30 =	sadd.s32 $0x300, s24;
	[sflag:s21] =	ssyncadd.s32 $0xFFFFD800  }
0x4e: {  	[tilespmem:s19], [sflag:$0x1] =	stream.indirect.gather [hbm4b:s5+s14], $0x80, s30, s14, $0xb8;
	[tilespmem:$0x1F000] =	vst v63  }
0x4f: {  	s31 =	sadd.s32 $0x600, s24  }
0x50: {  	[spmem:s3] =	stream.indirect.scatter.add.f32 [tilespmem:s15], [sflag:$0x2], $0x80, s31, s14, $0xb8;
	[tilespmem:$0x1F000] =	vst v63  }
0x51: {  	_ =	swait.ge [sflag:s18], $0x2800  }
0x52: {  	[sflag:s18] =	ssyncset.done $0x0  }
0x53: {  	[sflag:s18] =	ssyncadd.s32 $0xFFFFD800  }
0x54: {  	_ =	swait.ge [sflag:s21], $0x2800  }
0x55: {  	[sflag:s21] =	ssyncset.done $0x0  }
0x56: {  	[sflag:s21] =	ssyncadd.s32 $0xFFFFD800  }
0x57: {  	_ =	swait.ge [sflag:s13], $0x800  }
0x58: {  	[sflag:s13] =	ssyncset.done $0x0  }
0x59: {  	s28 =	sadd.s32 $0x380, s24;
	[sflag:s13] =	ssyncadd.s32 $0xFFFFF800  }
0x5a: {  	[tilespmem:s20], [sflag:$0x1] =	stream.indirect.gather [hbm4b:s5+s14], $0x80, s28, s14, $0xb8;
	[tilespmem:$0x1F000] =	vst v63  }
0x5b: {  	s29 =	sadd.s32 $0x680, s24  }
0x5c: {  	[spmem:s3] =	stream.indirect.scatter.add.f32 [tilespmem:s17], [sflag:$0x2], $0x80, s29, s14, $0xb8;
	[tilespmem:$0x1F000] =	vst v63  }
0x5d: {  	_ =	swait.ge [sflag:s18], $0x2800  }
0x5e: {  	[sflag:s18] =	ssyncset.done $0x0  }
0x5f: {  	[sflag:s18] =	ssyncadd.s32 $0xFFFFD800  }
0x60: {  	_ =	swait.ge [sflag:s21], $0x2800  }
0x61: {  	[sflag:s21] =	ssyncset.done $0x0  }
0x62: {  	[sflag:s21] =	ssyncadd.s32 $0xFFFFD800  }
0x63: {  	[tilespmem:s15], [sflag:$0x1] =	stream.indirect.gather [hbm4b:s5+s14], $0x80, s26, s14, $0xb8;
	[tilespmem:$0x1F000] =	vst v63  }
0x64: {  	s30 =	sadd.s32 $0x700, s24  }
0x65: {  	[spmem:s3] =	stream.indirect.scatter.add.f32 [tilespmem:s19], [sflag:$0x2], $0x80, s30, s14, $0xb8;
	[tilespmem:$0x1F000] =	vst v63  }
0x66: {  	_ =	swait.ge [sflag:s18], $0x2800  }
0x67: {  	[sflag:s18] =	ssyncset.done $0x0  }
0x68: {  	[sflag:s18] =	ssyncadd.s32 $0xFFFFD800  }
0x69: {  	_ =	swait.ge [sflag:s21], $0x2800  }
0x6a: {  	[sflag:s21] =	ssyncset.done $0x0  }
0x6b: {  	s24 =	sadd.s32 $0x780, s24;
	s31 =	sor.u32 $0x80, s26;
	[sflag:s21] =	ssyncadd.s32 $0xFFFFD800  }
0x6c: {  	[tilespmem:s17], [sflag:$0x1] =	stream.indirect.gather [hbm4b:s5+s14], $0x80, s31, s14, $0xb8;
	[tilespmem:$0x1F000] =	vst v63  }
.LBB2_2:
0x6d: {  	[spmem:s3] =	stream.indirect.scatter.add.f32 [tilespmem:s20], [sflag:$0x2], $0x80, s24, s14, $0xb8;
	[tilespmem:$0x1F000] =	vst v63  }
0x6e: {  	s25 =	smov.u32 s23;
	_ =	swait.ge [sflag:s18], $0x2800  }
0x6f: {  	p1 =	seq.s32 s25, $0x0;
	[sflag:s18] =	ssyncset.done $0x0  }
0x70: {  	s26 =	simm.s32 @!p1 $0x2;
	[sflag:s18] =	ssyncadd.s32 $0xFFFFD800  }
0x71: {  	_ =	swait.ge @!p1 [sflag:s26], $0x2800  }
0x72: {  	s24 =	sand.u32 $0x800, s25;
	[sflag:s26] =	ssyncset.done @!p1 $0x0  }
0x73: {  	s28 =	sor.u32 $0x100, s24;
	[sflag:s26] =	ssyncadd.s32 @!p1 $0xFFFFD800  }
0x74: {  	[tilespmem:s19], [sflag:$0x1] =	stream.indirect.gather [hbm4b:s5+s14], $0x80, s28, s14, $0xb8;
	[tilespmem:$0x1F000] =	vst v63  }
0x75: {  	s31 =	sor.u32 $0x400, s24  }
0x76: {  	[spmem:s3] =	stream.indirect.scatter.add.f32 [tilespmem:s15], [sflag:$0x2], $0x80, s31, s14, $0xb8;
	[tilespmem:$0x1F000] =	vst v63  }
0x77: {  	_ =	swait.ge [sflag:s18], $0x2800  }
0x78: {  	[sflag:s18] =	ssyncset.done $0x0  }
0x79: {  	[sflag:s18] =	ssyncadd.s32 $0xFFFFD800  }
0x7a: {  	_ =	swait.ge @!p1 [sflag:s26], $0x2800  }
0x7b: {  	[sflag:s26] =	ssyncset.done @!p1 $0x0  }
0x7c: {  	s28 =	sadd.s32 $0x180, s24;
	[sflag:s26] =	ssyncadd.s32 @!p1 $0xFFFFD800  }
0x7d: {  	[tilespmem:s20], [sflag:$0x1] =	stream.indirect.gather [hbm4b:s5+s14], $0x80, s28, s14, $0xb8;
	[tilespmem:$0x1F000] =	vst v63  }
0x7e: {  	s29 =	sadd.s32 $0x480, s24  }
0x7f: {  	[spmem:s3] =	stream.indirect.scatter.add.f32 [tilespmem:s17], [sflag:$0x2], $0x80, s29, s14, $0xb8;
	[tilespmem:$0x1F000] =	vst v63  }
0x80: {  	_ =	swait.ge [sflag:s18], $0x2800  }
0x81: {  	[sflag:s18] =	ssyncset.done $0x0  }
0x82: {  	[sflag:s18] =	ssyncadd.s32 $0xFFFFD800  }
0x83: {  	_ =	swait.ge [sflag:s21], $0x2800  }
0x84: {  	s30 =	rddreg [dreg:$0x4]  }
0x85: {  	s25 =	sadd.s32 s25, s30  }
0x86: {  	s23 =	sadd.s32 $0x800, s23;
	[sflag:s21] =	ssyncset.done $0x0;
	s26 =	sshrl.u32 s25, $0x3  }
0x87: {  	[sflag:s21] =	ssyncadd.s32 $0xFFFFD800;
	s25 =	sand.u32 $0x800, s23;
	s26 =	sadd.s32 s2, s26  }
0x88: {  	[tilespmem:s25], [sflag:$0x3] =	stream.linear.gather [hbm4b:s26+s4], $0x800, $0x38;
	[tilespmem:$0x1F000] =	vst v63  }
0x89: {  	s31 =	sadd.s32 $0x200, s24  }
0x8a: {  	[tilespmem:s15], [sflag:$0x1] =	stream.indirect.gather [hbm4b:s5+s14], $0x80, s31, s14, $0xb8;
	[tilespmem:$0x1F000] =	vst v63  }
0x8b: {  	s28 =	sadd.s32 $0x500, s24  }
0x8c: {  	[spmem:s3] =	stream.indirect.scatter.add.f32 [tilespmem:s19], [sflag:$0x2], $0x80, s28, s14, $0xb8;
	[tilespmem:$0x1F000] =	vst v63  }
0x8d: {  	_ =	swait.ge [sflag:s18], $0x2800  }
0x8e: {  	[sflag:s18] =	ssyncset.done $0x0  }
0x8f: {  	[sflag:s18] =	ssyncadd.s32 $0xFFFFD800  }
0x90: {  	_ =	swait.ge [sflag:s21], $0x2800  }
0x91: {  	[sflag:s21] =	ssyncset.done $0x0  }
0x92: {  	s29 =	sadd.s32 $0x280, s24;
	[sflag:s21] =	ssyncadd.s32 $0xFFFFD800  }
0x93: {  	[tilespmem:s17], [sflag:$0x1] =	stream.indirect.gather [hbm4b:s5+s14], $0x80, s29, s14, $0xb8;
	[tilespmem:$0x1F000] =	vst v63  }
0x94: {  	s30 =	sadd.s32 $0x580, s24  }
0x95: {  	[spmem:s3] =	stream.indirect.scatter.add.f32 [tilespmem:s20], [sflag:$0x2], $0x80, s30, s14, $0xb8;
	[tilespmem:$0x1F000] =	vst v63  }
0x96: {  	_ =	swait.ge [sflag:s18], $0x2800  }
0x97: {  	[sflag:s18] =	ssyncset.done $0x0  }
0x98: {  	[sflag:s18] =	ssyncadd.s32 $0xFFFFD800  }
0x99: {  	_ =	swait.ge [sflag:s21], $0x2800  }
0x9a: {  	[sflag:s21] =	ssyncset.done $0x0  }
0x9b: {  	s31 =	sadd.s32 $0x300, s24;
	[sflag:s21] =	ssyncadd.s32 $0xFFFFD800  }
0x9c: {  	[tilespmem:s19], [sflag:$0x1] =	stream.indirect.gather [hbm4b:s5+s14], $0x80, s31, s14, $0xb8;
	[tilespmem:$0x1F000] =	vst v63  }
0x9d: {  	s28 =	sadd.s32 $0x600, s24  }
0x9e: {  	[spmem:s3] =	stream.indirect.scatter.add.f32 [tilespmem:s15], [sflag:$0x2], $0x80, s28, s14, $0xb8;
	[tilespmem:$0x1F000] =	vst v63  }
0x9f: {  	_ =	swait.ge [sflag:s18], $0x2800  }
0xa0: {  	[sflag:s18] =	ssyncset.done $0x0  }
0xa1: {  	[sflag:s18] =	ssyncadd.s32 $0xFFFFD800  }
0xa2: {  	_ =	swait.ge [sflag:s21], $0x2800  }
0xa3: {  	[sflag:s21] =	ssyncset.done $0x0  }
0xa4: {  	[sflag:s21] =	ssyncadd.s32 $0xFFFFD800  }
0xa5: {  	_ =	swait.ge [sflag:s13], $0x800  }
0xa6: {  	[sflag:s13] =	ssyncset.done $0x0  }
0xa7: {  	s29 =	sadd.s32 $0x380, s24;
	[sflag:s13] =	ssyncadd.s32 $0xFFFFF800  }
0xa8: {  	[tilespmem:s20], [sflag:$0x1] =	stream.indirect.gather [hbm4b:s5+s14], $0x80, s29, s14, $0xb8;
	[tilespmem:$0x1F000] =	vst v63  }
0xa9: {  	s30 =	sadd.s32 $0x680, s24  }
0xaa: {  	[spmem:s3] =	stream.indirect.scatter.add.f32 [tilespmem:s17], [sflag:$0x2], $0x80, s30, s14, $0xb8;
	[tilespmem:$0x1F000] =	vst v63  }
0xab: {  	_ =	swait.ge [sflag:s18], $0x2800  }
0xac: {  	[sflag:s18] =	ssyncset.done $0x0  }
0xad: {  	[sflag:s18] =	ssyncadd.s32 $0xFFFFD800  }
0xae: {  	_ =	swait.ge [sflag:s21], $0x2800  }
0xaf: {  	[sflag:s21] =	ssyncset.done $0x0  }
0xb0: {  	[sflag:s21] =	ssyncadd.s32 $0xFFFFD800  }
0xb1: {  	[tilespmem:s15], [sflag:$0x1] =	stream.indirect.gather [hbm4b:s5+s14], $0x80, s25, s14, $0xb8;
	[tilespmem:$0x1F000] =	vst v63  }
0xb2: {  	s31 =	sadd.s32 $0x700, s24  }
0xb3: {  	[spmem:s3] =	stream.indirect.scatter.add.f32 [tilespmem:s19], [sflag:$0x2], $0x80, s31, s14, $0xb8;
	[tilespmem:$0x1F000] =	vst v63  }
0xb4: {  	_ =	swait.ge [sflag:s18], $0x2800  }
0xb5: {  	p0 =	sne.s32 s23, $0x8000;
	[sflag:s18] =	ssyncset.done $0x0  }
.Ltmp0:
0xb6: {  	[sflag:s18] =	ssyncadd.s32 $0xFFFFD800;
	(pc) =	sbr.rel @p0 .LBB2_2-.Ltmp0, $4  }
0xb7: {  	_ =	swait.ge [sflag:s21], $0x2800  }
0xb8: {  	[sflag:s21] =	ssyncset.done $0x0  }
0xb9: {  	s24 =	sadd.s32 $0x780, s24;
	s25 =	sor.u32 $0x80, s25;
	[sflag:s21] =	ssyncadd.s32 $0xFFFFD800  }
0xba: {  	[tilespmem:s17], [sflag:$0x1] =	stream.indirect.gather [hbm4b:s5+s14], $0x80, s25, s14, $0xb8;
	[tilespmem:$0x1F000] =	vst v63  }
0xbb: {  	[spmem:s3] =	stream.indirect.scatter.add.f32 [tilespmem:s20], [sflag:$0x2], $0x80, s24, s14, $0xb8;
	[tilespmem:$0x1F000] =	vst v63  }
0xbc: {  	_ =	swait.ge [sflag:s18], $0x2800  }
0xbd: {  	[sflag:s18] =	ssyncset.done $0x0  }
0xbe: {  	[sflag:s18] =	ssyncadd.s32 $0xFFFFD800  }
0xbf: {  	_ =	swait.ge [sflag:s18], $0x2800  }
0xc0: {  	[sflag:s18] =	ssyncset.done $0x0  }
0xc1: {  	[sflag:s18] =	ssyncadd.s32 $0xFFFFD800  }
0xc2: {  	_ =	swait.ge [sflag:s21], $0x2800  }
0xc3: {  	[sflag:s21] =	ssyncset.done $0x0  }
0xc4: {  	[sflag:s21] =	ssyncadd.s32 $0xFFFFD800  }
0xc5: {  	_ =	swait.ge [sflag:s21], $0x2800  }
0xc6: {  	s22 =	sadd.s32 $0x1, s22;
	[sflag:s21] =	ssyncset.done $0x0  }
0xc7: {  	p0 =	sne.s32 s22, s8;
	[sflag:s21] =	ssyncadd.s32 $0xFFFFD800  }
.Ltmp1:
0xc8: {  	[bflag:$0x0] =	sbarrier.arrive $0xFFFF;
	(pc) =	sbr.rel @p0 .LBB2_1-.Ltmp1, $4  }
0xc9: {  	[hbm:s7], [sflag:s10] =	dma.local [spmem:s11], $0x2800  }
0xca: {  	_ =	swait.ge [sflag:s12], $0x2800  }
0xcb: {  	[sflag:s12] =	ssyncset.done $0x0  }
0xcc: {  	[sflag:s12] =	ssyncadd.s32 $0xFFFFD800  }
0xcd: {  	_ =	sfence.sel $0x180000  }
0xce: {  	[bflag:$0x0] =	sbarrier.arrive $0xFFFF  }
0xcf: {  	p0 =	sne.s32 s1, $0x0;
	_ =	strace $0x9000004A  }
0xd0: {  	s0 =	sadd.s32 @!p0 $0x100000, s0;
	[bflag:$0x2] =	sbarrier.arrive $0xFFFF  }
0xd1: {  	[sflag:s0] =	ssyncadd.tile.s32 @!p0 $0x1;
	_ =	shalt  }
.Lfunc_end2:
_tile_overlayer_lowered:
.L_overlay_start_2:
0xd2: {  	(tag) =	ssettag $0x2  }
0xd3: {  	s0 =	rddreg [dreg:$0x0];
	s2 =	stileid.u32  }
0xd4: {  	s1 =	rddreg [dreg:$0x1];
	p0 =	sne.s32 s2, $0x0  }
0xd5: {  	s3 =	rddreg [dreg:$0x2];
	[bflag:$0x3] =	sbarrier.arrive $0xFFFF;
	s2 =	simm.s32 @!p0 $0x1C04  }
0xd6: {  	[timem:s3], [sflag:s2] =	dma.local @!p0 [hbm:s0], s1  }
0xd7: {  	s0 =	simm.s32 @!p0 $0x4  }
0xd8: {  	_ =	swait.ge @!p0 [sflag:s0], s1  }
0xd9: {  	s1 =	ssub.s32 @!p0 $0x0, s1;
	[sflag:s0] =	ssyncset.done @!p0 $0x0  }
0xda: {  	[sflag:s0] =	ssyncadd.s32 @!p0 s1  }
0xdb: {  	[bflag:$0x3] =	sbarrier.arrive $0xFFFF  }
0xdc: {  	_ =	shalt  }

// kernel: kernel.14.cloned.1.call-start
scs
__scs_entry_jumppad:
0x0: {  	(pc) =	sbr.rel $0x88, $3  }
0x1: {  	(tag) =	ssettag $0x0;
	lr =	simm.s32 $0x1  }
0x2: {  	[smem:$0x3F97] =	sst lr;
	_ =	strace $0xD0000000  }
0x3: {  	_ = 	snop  }
0x4: {  	_ = 	snop  }
0x5: {  	_ = 	snop  }
0x6: {  	_ = 	snop  }
0x7: {  	_ = 	snop  }
__scs_overlays_trampoline_lowered:
0x8: {  	[smem:$0x3FA6] =	sst s0  }
0x9: {  	[smem:$0x3FA7] =	sst s1  }
0xa: {  	[smem:$0x3FA8] =	sst s2  }
0xb: {  	[smem:$0x3FA9] =	sst s3  }
0xc: {  	[smem:$0x3FAA] =	sst s4  }
0xd: {  	[smem:$0x3FAB] =	sst s5  }
0xe: {  	[smem:$0x3FAC] =	sst s6  }
0xf: {  	[smem:$0x3FAD] =	sst s7  }
0x10: {  	[smem:$0x3FAE] =	sst s8  }
0x11: {  	[smem:$0x3FAF] =	sst s9;
	s0 =	simm.s32 @!p0 $0x0  }
0x12: {  	s1 =	sld [smem:$0x3F95];
	s0 =	simm.s32 @p0 $0x1  }
0x13: {  	[smem:$0x3FB0] =	sst s0;
	s0 =	simm.s32 @!p1 $0x0  }
0x14: {  	s2 =	sld [smem:$0x3F94];
	s0 =	simm.s32 @p1 $0x1  }
0x15: {  	[smem:$0x3FB1] =	sst s0;
	s0 =	simm.s32 @!p2 $0x0  }
0x16: {  	s3 =	sld [smem:$0x3FDB];
	s0 =	simm.s32 @p2 $0x1  }
0x17: {  	s4 =	simm.s32 $0x1BF5;
	[smem:$0x3FB3] =	sst s0  }
0x18: {  	s0 =	sld [smem:$0x3F96];
	_ =	swait.ge [sflag:s4], $0x0  }
0x19: {  	s7 =	sld [smem:$0x3F97]  }
0x1a: {  	s8 =	sadd.s32 $0xFFFFE003, lr  }
0x1b: {  	s9 =	sadd.s32 $0xFFFFFEF7, lr;
	s5 =	simm.s32 $0xFFFFFFFF;
	p2 =	slt.u32 s8, $0xFFFFF086  }
0x1c: {  	p1 =	slt.u32 s9, $0xF7A;
	s5 =	simm.s32 @!p2 $0x0  }
0x1d: {  	s5 =	simm.s32 @p1 $0x1;
	p0 =	seq.s32 s7, s2  }
0x1e: {  	s7 =	smul.u32 @!p0 $0xF7A, s2;
	p2 =	seq.s32 @!p0 s5, $0x0  }
0x1f: {  	s9 =	smul.u32 $0xF7A, s1;
	s8 =	simm.s32 @!p0 $0x1BF5;
	p2 =	por !p2, p0  }
0x20: {  	[sflag:s8] =	ssyncset.s32 @!p0 $0xFFFFF086;
	s6 =	sadd.s32 @!p0 s3, s7;
	s7 =	simm.s32 @!p0 $0x108  }
0x21: {  	s3 =	sadd.s32 s3, s9;
	s6 =	sadd.s32 @!p0 $0x88, s6;
	s7 =	simm.s32 @p2 $0x1082  }
0x22: {  	[simem:s7], [sflag:s8] =	dma.local @!p0 [hbm:s6], $0xF7A  }
0x23: {  	s9 =	sor.u32 $0xD0000000, s2;
	s6 =	simm.s32 $0x108;
	_ =	swait.ge @!p0 [sflag:s8], $0x0  }
0x24: {  	s3 =	sadd.s32 $0x88, s3;
	s6 =	simm.s32 @!p1 $0x1082;
	[sflag:s4] =	ssyncset.s32 $0xFFFFF086  }
0x25: {  	[simem:s6], [sflag:s4] =	dma.local [hbm:s3], $0xF7A  }
0x26: {  	[smem:$0x3F97] =	sst s1;
	(tag) =	ssettag s2;
	_ =	strace s9  }
0x27: {  	s1 =	sld [smem:$0x3FA7]  }
0x28: {  	s2 =	sld [smem:$0x3FA8]  }
0x29: {  	s4 =	sld [smem:$0x3FAA]  }
0x2a: {  	p0 =	seq.s32 s5, $0x0;
	s5 =	sld [smem:$0x3FAB]  }
0x2b: {  	s6 =	sld [smem:$0x3FAC]  }
0x2c: {  	s7 =	sld [smem:$0x3FAD]  }
0x2d: {  	s3 =	simm.s32 $0x108;
	s8 =	sld [smem:$0x3FAE]  }
0x2e: {  	s3 =	simm.s32 @!p0 $0x1082;
	s9 =	sld [smem:$0x3FAF]  }
0x2f: {  	lr =	sadd.s32 s0, s3;
	s0 =	sld [smem:$0x3FA6]  }
0x30: {  	s3 =	sld [smem:$0x3FA9]  }
0x31: {  	[smem:$0x3FB2] =	sst s10  }
0x32: {  	s10 =	sld [smem:$0x3FB0];
	_ =	sdelay $0x3  }
0x33: {  	p0 =	seq.s32 s10, $0x1;
	s10 =	sld [smem:$0x3FB2];
	_ =	sdelay $0x3  }
0x34: {  	[smem:$0x3FB2] =	sst s10  }
0x35: {  	s10 =	sld [smem:$0x3FB1];
	_ =	sdelay $0x3  }
0x36: {  	p1 =	seq.s32 s10, $0x1;
	s10 =	sld [smem:$0x3FB2];
	_ =	sdelay $0x3  }
0x37: {  	[smem:$0x3FB2] =	sst s10  }
0x38: {  	s10 =	sld [smem:$0x3FB3]  }
0x39: {  	_ = 	snop;
	(pc) =	sbr.ind lr, $3  }
0x3a: {  	_ = 	snop  }
0x3b: {  	_ = 	snop  }
0x3c: {  	p2 =	seq.s32 s10, $0x1;
	s10 =	sld [smem:$0x3FB2]  }
0x3d: {  	_ =	shalt  }
0x3e: {  	_ =	shalt  }
0x3f: {  	_ =	shalt  }
0x40: {  	_ =	shalt  }
0x41: {  	_ =	shalt  }
0x42: {  	_ =	shalt  }
0x43: {  	_ =	shalt  }
0x44: {  	_ =	shalt  }
0x45: {  	_ =	shalt  }
0x46: {  	_ =	shalt  }
0x47: {  	_ =	shalt  }
0x48: {  	_ =	shalt  }
0x49: {  	_ =	shalt  }
0x4a: {  	_ =	shalt  }
0x4b: {  	_ =	shalt  }
0x4c: {  	_ =	shalt  }
0x4d: {  	_ =	shalt  }
0x4e: {  	_ =	shalt  }
0x4f: {  	_ =	shalt  }
0x50: {  	_ =	shalt  }
0x51: {  	_ =	shalt  }
0x52: {  	_ =	shalt  }
0x53: {  	_ =	shalt  }
0x54: {  	_ =	shalt  }
0x55: {  	_ =	shalt  }
0x56: {  	_ =	shalt  }
0x57: {  	_ =	shalt  }
0x58: {  	_ =	shalt  }
0x59: {  	_ =	shalt  }
0x5a: {  	_ =	shalt  }
0x5b: {  	_ =	shalt  }
0x5c: {  	_ =	shalt  }
0x5d: {  	_ =	shalt  }
0x5e: {  	_ =	shalt  }
0x5f: {  	_ =	shalt  }
0x60: {  	_ =	shalt  }
0x61: {  	_ =	shalt  }
0x62: {  	_ =	shalt  }
0x63: {  	_ =	shalt  }
0x64: {  	_ =	shalt  }
0x65: {  	_ =	shalt  }
0x66: {  	_ =	shalt  }
0x67: {  	_ =	shalt  }
0x68: {  	_ =	shalt  }
0x69: {  	_ =	shalt  }
0x6a: {  	_ =	shalt  }
0x6b: {  	_ =	shalt  }
0x6c: {  	_ =	shalt  }
0x6d: {  	_ =	shalt  }
0x6e: {  	_ =	shalt  }
0x6f: {  	_ =	shalt  }
0x70: {  	_ =	shalt  }
0x71: {  	_ =	shalt  }
0x72: {  	_ =	shalt  }
0x73: {  	_ =	shalt  }
0x74: {  	_ =	shalt  }
0x75: {  	_ =	shalt  }
0x76: {  	_ =	shalt  }
0x77: {  	_ =	shalt  }
0x78: {  	_ =	shalt  }
0x79: {  	_ =	shalt  }
0x7a: {  	_ =	shalt  }
0x7b: {  	_ =	shalt  }
0x7c: {  	_ =	shalt  }
0x7d: {  	_ =	shalt  }
0x7e: {  	_ =	shalt  }
0x7f: {  	_ =	shalt  }
0x80: {  	_ =	shalt  }
0x81: {  	_ =	shalt  }
0x82: {  	_ =	shalt  }
0x83: {  	_ =	shalt  }
0x84: {  	_ =	shalt  }
0x85: {  	_ =	shalt  }
0x86: {  	_ =	shalt  }
0x87: {  	_ =	shalt  }
.Lfunc_end0:
.L_simem_size_0:
called_computation.2_lowered:
.L_overlay_start_0:
0x88: {  	s2 =	sld [smem:$0x3FD9]  }
0x89: {  	s3 =	sld [smem:$0x3FFE];
	_ =	sdelay $0x1  }
0x8a: {  	s1 =	srdreg.scid  }
0x8b: {  	s0 =	sand.u32 $0x1, s1  }
0x8c: {  	s17 =	sshll.u32 s0, $0xA;
	s2 =	sadd.s32 s3, s2  }
0x8d: {  	s2 =	sadd.s32 s2, s17  }
0x8e: {  	[smem:$0x3FBE] =	sst s2  }
0x8f: {  	_ = 	snop  }
0x90: {  	s2 =	sld [smem:$0x3FD0];
	(tm) =	ssettm $0x1  }
0x91: {  	s18 =	sld [smem:$0x3FFB];
	_ =	sdelay $0x3  }
0x92: {  	_ =	strace s18  }
0x93: {  	s3 =	sld [smem:$0x3FFC];
	_ =	sdelay $0x3  }
0x94: {  	_ =	strace s3  }
0x95: {  	s3 =	sld [smem:$0x3FFD];
	_ =	sdelay $0x3  }
0x96: {  	_ =	strace s3  }
0x97: {  	_ =	strace $0x8FFFFFFF  }
0x98: {  	s19 =	sld [smem:$0x3FDB];
	_ =	sdelay $0x1  }
0x99: {  	s4 =	simm.s32 $_scs_section_size  }
0x9a: {  	s5 =	simm.s32 $_size__tile_overlayer_lowered;
	s6 =	simm.s32 $_tile_overlayer_lowered  }
0x9b: {  	s22 =	simm.s32 $0x1BFF;
	s21 =	sshll.u32 s6, $0x1;
	s3 =	sadd.s32 s4, s19  }
0x9c: {  	s7 =	simm.s32 $0x0;
	s20 =	sshll.u32 s5, $0x1;
	s5 =	sadd.s32 s21, s3  }
0x9d: {  	[timem:s7], [sflag:s22] =	dma.local [hbm:s5], s20  }
0x9e: {  	_ =	swait.ge [sflag:s22], s20  }
0x9f: {  	s4 =	ssub.s32 $0x0, s20;
	[sflag:s22] =	ssyncset.done $0x0  }
0xa0: {  	[sflag:s22] =	ssyncadd.s32 s4;
	_ =	sdelay $0x1  }
0xa1: {  	s23 =	simm.s32 $0x1B8B  }
0xa2: {  	_ =	swait.ge [sflag:s23], $0x1  }
0xa3: {  	[sflag:s23] =	ssyncset.done $0x0  }
0xa4: {  	s25 =	simm.s32 $0x1B8E;
	s24 =	sld [smem:$0x3FFE];
	[sflag:s23] =	ssyncadd.s32 $0xFFFFFFFF  }
0xa5: {  	s26 =	simm.s32 $execute0_lowered;
	[smem:$0x3FD2] =	sst s25  }
0xa6: {  	s5 =	sshll.u32 s26, $0x1;
	_ =	strace $0x8000004C;
	[dreg:$0x1] =	wrdreg $0xFFFFFFFF  }
0xa7: {  	s28 =	simm.s32 $_size_execute0_lowered;
	s3 =	sadd.s32 s3, s5;
	[dreg:$0x0] =	wrdreg $0x0  }
0xa8: {  	s5 =	sshll.u32 s28, $0x1;
	[dreg:$0x2] =	wrdreg s3  }
0xa9: {  	[dreg:$0x3] =	wrdreg s5  }
0xaa: {  	[dreg:$0x4] =	wrdreg $0xC0  }
0xab: {  	_ =	task [dreg:s7], $0x5FFFF  }
0xac: {  	[dreg:$0x1] =	wrdreg $0xFFFFFFFF  }
0xad: {  	[dreg:$0x0] =	wrdreg $0x60  }
0xae: {  	[dreg:$0x2] =	wrdreg s24  }
0xaf: {  	[dreg:$0x3] =	wrdreg s2  }
0xb0: {  	[dreg:$0x4] =	wrdreg $0xB0000  }
0xb1: {  	[dreg:$0x5] =	wrdreg $0x9  }
0xb2: {  	_ =	task.clear_ibuf [dreg:s7], $0x6FFFF;
	_ =	strace $0x9000004C  }
0xb3: {  	s29 =	simm.s32 $0x9;
	_ =	strace $0x8000004E  }
0xb4: {  	_ =	swait.ge [sflag:s29], $0x1  }
0xb5: {  	[sflag:s29] =	ssyncadd.s32 $0xFFFFFFFF  }
0xb6: {  	_ =	strace $0x9000004E  }
0xb7: {  	_ =	sfence  }
0xb8: {  	s30 =	sld [smem:$0x0];
	_ =	sdelay $0x2  }
0xb9: {  	s31 =	sshll.u32 s1, $0xD;
	s1 =	sshrl.u32 s1, $0x2  }
0xba: {  	s3 =	sand.u32 $0x4000, s31;
	s1 =	sadd.s32 s1, s30  }
0xbb: {  	s0 =	sor.u32 s3, s0;
	s1 =	sshll.u32 s1, $0x11  }
0xbc: {  	s0 =	sor.u32 s1, s0  }
0xbd: {  	s0 =	sadd.s32 $0x8F2B, s0  }
0xbe: {  	[sflag:s0] =	ssyncadd.remote.s32 $0x1  }
0xbf: {  	_ =	sfence.sel $0xFFFF  }
0xc0: {  	[dreg:$0x0] =	wrdreg $0xFFFFFFFF;
	(pc) =	sbr.abs _section_cstart, $3  }
0xc1: {  	[dreg:$0x1] =	wrdreg $0xFFFFFFFF  }
0xc2: {  	_ =	task.clear_ibuf [dreg:s7], $0x2FFFF;
	_ =	strace $0x9FFFFFFF  }
0xc3: {  	(tm) =	ssettm $0x7FFFFFFF  }
tec
execute0_lowered:
.L_overlay_start_1:
0x0: {  	(tag) =	ssettag $0x1  }
0x1: {  	s6 =	rddreg [dreg:$0x0]  }
0x2: {  	s2 =	rddreg [dreg:$0x1];
	s0 =	srdreg.scid  }
0x3: {  	s3 =	rddreg [dreg:$0x2];
	s1 =	stileid.u32  }
0x4: {  	s4 =	simm.s32 $0x0;
	s15 =	simm.s32 $0x1000;
	s16 =	simm.s32 $0x80  }
0x5: {  	s17 =	simm.s32 $0x3800;
	s18 =	simm.s32 $0x1;
	s19 =	simm.s32 $0x6000  }
0x6: {  	s20 =	simm.s32 $0x8800;
	s21 =	simm.s32 $0x2;
	s9 =	smul.u32 $0x14000, s1  }
0x7: {  	s7 =	sand.u32 $0x1, s0;
	s0 =	rddreg [dreg:$0x3];
	s12 =	smul.u32 $0x50000, s1  }
0x8: {  	s22 =	simm.s32 $0x0;
	[smem:$0x7FF] =	sst s4;
	s30 =	smul.u32 $0x8800, s1  }
0x9: {  	s5 =	sadd.s32 $0x34600, s6;
	s14 =	smul.u32 $0x2800, s1;
	s31 =	sshll.u32 s1, $0x6  }
0xa: {  	s8 =	smul.u32 $0x140000, s7;
	_ =	strace $0x8000004D;
	s10 =	sshll.u32 s7, $0x4  }
0xb: {  	s11 =	ssub.s32 $0x2, s7;
	p0 =	seq.s32 s7, $0x0;
	s13 =	smul.u32 $0x88000, s7  }
0xc: {  	s10 =	sor.u32 s1, s10;
	s26 =	sshrl.u32 s11, $0x1;
	s28 =	sshrl.u32 s12, $0x2  }
0xd: {  	s8 =	sadd.s32 s9, s8;
	s9 =	sadd.s32 $0xC600, s6;
	s10 =	smul.u32 $0x8800, s10  }
0xe: {  	s11 =	ssub.s32 s11, s26;
	s12 =	sadd.s32 s28, s3;
	s8 =	sshrl.u32 s8, $0x3  }
0xf: {  	s9 =	smov.u32 @p0 s5;
	s8 =	sadd.s32 s8, s6;
	s29 =	sshrl.u32 s10, $0x3  }
0x10: {  	s10 =	sadd.s32 s30, s13;
	s9 =	sadd.s32 s9, s14;
	s14 =	simm.s32 $0x50  }
0x11: {  	s6 =	sadd.s32 s2, s29;
	s7 =	sadd.s32 $0x5C600, s8;
	s8 =	smax.u32 s11, $0x1  }
0x12: {  	s13 =	sadd.s32 $0x800, s10;
	s10 =	sor.u32 $0x1C04, s31;
	s11 =	sshrl.u32 s12, $0x3  }
0x13: {  	s12 =	simm.s32 $0x4;
	[dreg:$0x4] =	wrdreg s13;
	s13 =	simm.s32 $0x3  }
.LBB2_1:
0x14: {  	[spmem:s11], [sflag:s10] =	dma.local [hbm:s9], $0x2800  }
0x15: {  	_ =	swait.ge [sflag:s12], $0x2800  }
0x16: {  	[sflag:s12] =	ssyncset.done $0x0  }
0x17: {  	[sflag:s12] =	ssyncadd.s32 $0xFFFFD800  }
0x18: {  	[bflag:$0x0] =	sbarrier.arrive $0xFFFF  }
0x19: {  	[tilespmem:s4], [sflag:$0x3] =	stream.linear.gather [hbm4b:s6+s4], $0x800, $0x38;
	[tilespmem:$0x1F000] =	vst v63  }
0x1a: {  	_ =	swait.ge [sflag:s13], $0x800  }
0x1b: {  	[sflag:s13] =	ssyncset.done $0x0  }
0x1c: {  	[sflag:s13] =	ssyncadd.s32 $0xFFFFF800  }
0x1d: {  	[tilespmem:s15], [sflag:$0x1] =	stream.indirect.gather [hbm4b:s5+s14], $0x80, s4, s14, $0xb8;
	[tilespmem:$0x1F000] =	vst v63  }
0x1e: {  	_ = 	snop  }
0x1f: {  	[tilespmem:s17], [sflag:$0x1] =	stream.indirect.gather [hbm4b:s5+s14], $0x80, s16, s14, $0xb8;
	[tilespmem:$0x1F000] =	vst v63  }
0x20: {  	_ =	swait.ge [sflag:s18], $0x2800  }
0x21: {  	p0 =	por $0x1, $0x1;
	[sflag:s18] =	ssyncset.done $0x0  }
0x22: {  	s23 =	simm.s32 @!p0 $0x2;
	[sflag:s18] =	ssyncadd.s32 $0xFFFFD800  }
0x23: {  	_ =	swait.ge @!p0 [sflag:s23], $0x2800  }
0x24: {  	s24 =	sand.u32 $0x800, s4;
	[sflag:s23] =	ssyncset.done @!p0 $0x0  }
0x25: {  	s25 =	sor.u32 $0x100, s24;
	[sflag:s23] =	ssyncadd.s32 @!p0 $0xFFFFD800  }
0x26: {  	[tilespmem:s19], [sflag:$0x1] =	stream.indirect.gather [hbm4b:s5+s14], $0x80, s25, s14, $0xb8;
	[tilespmem:$0x1F000] =	vst v63  }
0x27: {  	s31 =	sor.u32 $0x400, s24  }
0x28: {  	[spmem:s3] =	stream.indirect.scatter.add.f32 [tilespmem:s15], [sflag:$0x2], $0x80, s31, s14, $0xb8;
	[tilespmem:$0x1F000] =	vst v63  }
0x29: {  	_ =	swait.ge [sflag:s18], $0x2800  }
0x2a: {  	[sflag:s18] =	ssyncset.done $0x0  }
0x2b: {  	[sflag:s18] =	ssyncadd.s32 $0xFFFFD800  }
0x2c: {  	_ =	swait.ge @!p0 [sflag:s23], $0x2800  }
0x2d: {  	[sflag:s23] =	ssyncset.done @!p0 $0x0  }
0x2e: {  	s25 =	sadd.s32 $0x180, s24;
	[sflag:s23] =	ssyncadd.s32 @!p0 $0xFFFFD800  }
0x2f: {  	[tilespmem:s20], [sflag:$0x1] =	stream.indirect.gather [hbm4b:s5+s14], $0x80, s25, s14, $0xb8;
	[tilespmem:$0x1F000] =	vst v63  }
0x30: {  	s26 =	sadd.s32 $0x480, s24  }
0x31: {  	[spmem:s3] =	stream.indirect.scatter.add.f32 [tilespmem:s17], [sflag:$0x2], $0x80, s26, s14, $0xb8;
	[tilespmem:$0x1F000] =	vst v63  }
0x32: {  	_ =	swait.ge [sflag:s18], $0x2800  }
0x33: {  	[sflag:s18] =	ssyncset.done $0x0  }
0x34: {  	[sflag:s18] =	ssyncadd.s32 $0xFFFFD800  }
0x35: {  	_ =	swait.ge [sflag:s21], $0x2800  }
0x36: {  	s28 =	rddreg [dreg:$0x4]  }
0x37: {  	s29 =	sadd.s32 $0x0, s28  }
0x38: {  	s23 =	simm.s32 $0x800;
	[sflag:s21] =	ssyncset.done $0x0;
	s25 =	sshrl.u32 s29, $0x3  }
0x39: {  	s26 =	sand.u32 $0x800, s23;
	[sflag:s21] =	ssyncadd.s32 $0xFFFFD800;
	s25 =	sadd.s32 s2, s25  }
0x3a: {  	[tilespmem:s26], [sflag:$0x3] =	stream.linear.gather [hbm4b:s25+s4], $0x800, $0x38;
	[tilespmem:$0x1F000] =	vst v63  }
0x3b: {  	s30 =	sadd.s32 $0x200, s24  }
0x3c: {  	[tilespmem:s15], [sflag:$0x1] =	stream.indirect.gather [hbm4b:s5+s14], $0x80, s30, s14, $0xb8;
	[tilespmem:$0x1F000] =	vst v63  }
0x3d: {  	s31 =	sadd.s32 $0x500, s24  }
0x3e: {  	[spmem:s3] =	stream.indirect.scatter.add.f32 [tilespmem:s19], [sflag:$0x2], $0x80, s31, s14, $0xb8;
	[tilespmem:$0x1F000] =	vst v63  }
0x3f: {  	_ =	swait.ge [sflag:s18], $0x2800  }
0x40: {  	[sflag:s18] =	ssyncset.done $0x0  }
0x41: {  	[sflag:s18] =	ssyncadd.s32 $0xFFFFD800  }
0x42: {  	_ =	swait.ge [sflag:s21], $0x2800  }
0x43: {  	[sflag:s21] =	ssyncset.done $0x0  }
0x44: {  	s28 =	sadd.s32 $0x280, s24;
	[sflag:s21] =	ssyncadd.s32 $0xFFFFD800  }
0x45: {  	[tilespmem:s17], [sflag:$0x1] =	stream.indirect.gather [hbm4b:s5+s14], $0x80, s28, s14, $0xb8;
	[tilespmem:$0x1F000] =	vst v63  }
0x46: {  	s29 =	sadd.s32 $0x580, s24  }
0x47: {  	[spmem:s3] =	stream.indirect.scatter.add.f32 [tilespmem:s20], [sflag:$0x2], $0x80, s29, s14, $0xb8;
	[tilespmem:$0x1F000] =	vst v63  }
0x48: {  	_ =	swait.ge [sflag:s18], $0x2800  }
0x49: {  	[sflag:s18] =	ssyncset.done $0x0  }
0x4a: {  	[sflag:s18] =	ssyncadd.s32 $0xFFFFD800  }
0x4b: {  	_ =	swait.ge [sflag:s21], $0x2800  }
0x4c: {  	[sflag:s21] =	ssyncset.done $0x0  }
0x4d: {  	s30 =	sadd.s32 $0x300, s24;
	[sflag:s21] =	ssyncadd.s32 $0xFFFFD800  }
0x4e: {  	[tilespmem:s19], [sflag:$0x1] =	stream.indirect.gather [hbm4b:s5+s14], $0x80, s30, s14, $0xb8;
	[tilespmem:$0x1F000] =	vst v63  }
0x4f: {  	s31 =	sadd.s32 $0x600, s24  }
0x50: {  	[spmem:s3] =	stream.indirect.scatter.add.f32 [tilespmem:s15], [sflag:$0x2], $0x80, s31, s14, $0xb8;
	[tilespmem:$0x1F000] =	vst v63  }
0x51: {  	_ =	swait.ge [sflag:s18], $0x2800  }
0x52: {  	[sflag:s18] =	ssyncset.done $0x0  }
0x53: {  	[sflag:s18] =	ssyncadd.s32 $0xFFFFD800  }
0x54: {  	_ =	swait.ge [sflag:s21], $0x2800  }
0x55: {  	[sflag:s21] =	ssyncset.done $0x0  }
0x56: {  	[sflag:s21] =	ssyncadd.s32 $0xFFFFD800  }
0x57: {  	_ =	swait.ge [sflag:s13], $0x800  }
0x58: {  	[sflag:s13] =	ssyncset.done $0x0  }
0x59: {  	s28 =	sadd.s32 $0x380, s24;
	[sflag:s13] =	ssyncadd.s32 $0xFFFFF800  }
0x5a: {  	[tilespmem:s20], [sflag:$0x1] =	stream.indirect.gather [hbm4b:s5+s14], $0x80, s28, s14, $0xb8;
	[tilespmem:$0x1F000] =	vst v63  }
0x5b: {  	s29 =	sadd.s32 $0x680, s24  }
0x5c: {  	[spmem:s3] =	stream.indirect.scatter.add.f32 [tilespmem:s17], [sflag:$0x2], $0x80, s29, s14, $0xb8;
	[tilespmem:$0x1F000] =	vst v63  }
0x5d: {  	_ =	swait.ge [sflag:s18], $0x2800  }
0x5e: {  	[sflag:s18] =	ssyncset.done $0x0  }
0x5f: {  	[sflag:s18] =	ssyncadd.s32 $0xFFFFD800  }
0x60: {  	_ =	swait.ge [sflag:s21], $0x2800  }
0x61: {  	[sflag:s21] =	ssyncset.done $0x0  }
0x62: {  	[sflag:s21] =	ssyncadd.s32 $0xFFFFD800  }
0x63: {  	[tilespmem:s15], [sflag:$0x1] =	stream.indirect.gather [hbm4b:s5+s14], $0x80, s26, s14, $0xb8;
	[tilespmem:$0x1F000] =	vst v63  }
0x64: {  	s30 =	sadd.s32 $0x700, s24  }
0x65: {  	[spmem:s3] =	stream.indirect.scatter.add.f32 [tilespmem:s19], [sflag:$0x2], $0x80, s30, s14, $0xb8;
	[tilespmem:$0x1F000] =	vst v63  }
0x66: {  	_ =	swait.ge [sflag:s18], $0x2800  }
0x67: {  	[sflag:s18] =	ssyncset.done $0x0  }
0x68: {  	[sflag:s18] =	ssyncadd.s32 $0xFFFFD800  }
0x69: {  	_ =	swait.ge [sflag:s21], $0x2800  }
0x6a: {  	[sflag:s21] =	ssyncset.done $0x0  }
0x6b: {  	s24 =	sadd.s32 $0x780, s24;
	s31 =	sor.u32 $0x80, s26;
	[sflag:s21] =	ssyncadd.s32 $0xFFFFD800  }
0x6c: {  	[tilespmem:s17], [sflag:$0x1] =	stream.indirect.gather [hbm4b:s5+s14], $0x80, s31, s14, $0xb8;
	[tilespmem:$0x1F000] =	vst v63  }
.LBB2_2:
0x6d: {  	[spmem:s3] =	stream.indirect.scatter.add.f32 [tilespmem:s20], [sflag:$0x2], $0x80, s24, s14, $0xb8;
	[tilespmem:$0x1F000] =	vst v63  }
0x6e: {  	s25 =	smov.u32 s23;
	_ =	swait.ge [sflag:s18], $0x2800  }
0x6f: {  	p1 =	seq.s32 s25, $0x0;
	[sflag:s18] =	ssyncset.done $0x0  }
0x70: {  	s26 =	simm.s32 @!p1 $0x2;
	[sflag:s18] =	ssyncadd.s32 $0xFFFFD800  }
0x71: {  	_ =	swait.ge @!p1 [sflag:s26], $0x2800  }
0x72: {  	s24 =	sand.u32 $0x800, s25;
	[sflag:s26] =	ssyncset.done @!p1 $0x0  }
0x73: {  	s28 =	sor.u32 $0x100, s24;
	[sflag:s26] =	ssyncadd.s32 @!p1 $0xFFFFD800  }
0x74: {  	[tilespmem:s19], [sflag:$0x1] =	stream.indirect.gather [hbm4b:s5+s14], $0x80, s28, s14, $0xb8;
	[tilespmem:$0x1F000] =	vst v63  }
0x75: {  	s31 =	sor.u32 $0x400, s24  }
0x76: {  	[spmem:s3] =	stream.indirect.scatter.add.f32 [tilespmem:s15], [sflag:$0x2], $0x80, s31, s14, $0xb8;
	[tilespmem:$0x1F000] =	vst v63  }
0x77: {  	_ =	swait.ge [sflag:s18], $0x2800  }
0x78: {  	[sflag:s18] =	ssyncset.done $0x0  }
0x79: {  	[sflag:s18] =	ssyncadd.s32 $0xFFFFD800  }
0x7a: {  	_ =	swait.ge @!p1 [sflag:s26], $0x2800  }
0x7b: {  	[sflag:s26] =	ssyncset.done @!p1 $0x0  }
0x7c: {  	s28 =	sadd.s32 $0x180, s24;
	[sflag:s26] =	ssyncadd.s32 @!p1 $0xFFFFD800  }
0x7d: {  	[tilespmem:s20], [sflag:$0x1] =	stream.indirect.gather [hbm4b:s5+s14], $0x80, s28, s14, $0xb8;
	[tilespmem:$0x1F000] =	vst v63  }
0x7e: {  	s29 =	sadd.s32 $0x480, s24  }
0x7f: {  	[spmem:s3] =	stream.indirect.scatter.add.f32 [tilespmem:s17], [sflag:$0x2], $0x80, s29, s14, $0xb8;
	[tilespmem:$0x1F000] =	vst v63  }
0x80: {  	_ =	swait.ge [sflag:s18], $0x2800  }
0x81: {  	[sflag:s18] =	ssyncset.done $0x0  }
0x82: {  	[sflag:s18] =	ssyncadd.s32 $0xFFFFD800  }
0x83: {  	_ =	swait.ge [sflag:s21], $0x2800  }
0x84: {  	s30 =	rddreg [dreg:$0x4]  }
0x85: {  	s25 =	sadd.s32 s25, s30  }
0x86: {  	s23 =	sadd.s32 $0x800, s23;
	[sflag:s21] =	ssyncset.done $0x0;
	s26 =	sshrl.u32 s25, $0x3  }
0x87: {  	[sflag:s21] =	ssyncadd.s32 $0xFFFFD800;
	s25 =	sand.u32 $0x800, s23;
	s26 =	sadd.s32 s2, s26  }
0x88: {  	[tilespmem:s25], [sflag:$0x3] =	stream.linear.gather [hbm4b:s26+s4], $0x800, $0x38;
	[tilespmem:$0x1F000] =	vst v63  }
0x89: {  	s31 =	sadd.s32 $0x200, s24  }
0x8a: {  	[tilespmem:s15], [sflag:$0x1] =	stream.indirect.gather [hbm4b:s5+s14], $0x80, s31, s14, $0xb8;
	[tilespmem:$0x1F000] =	vst v63  }
0x8b: {  	s28 =	sadd.s32 $0x500, s24  }
0x8c: {  	[spmem:s3] =	stream.indirect.scatter.add.f32 [tilespmem:s19], [sflag:$0x2], $0x80, s28, s14, $0xb8;
	[tilespmem:$0x1F000] =	vst v63  }
0x8d: {  	_ =	swait.ge [sflag:s18], $0x2800  }
0x8e: {  	[sflag:s18] =	ssyncset.done $0x0  }
0x8f: {  	[sflag:s18] =	ssyncadd.s32 $0xFFFFD800  }
0x90: {  	_ =	swait.ge [sflag:s21], $0x2800  }
0x91: {  	[sflag:s21] =	ssyncset.done $0x0  }
0x92: {  	s29 =	sadd.s32 $0x280, s24;
	[sflag:s21] =	ssyncadd.s32 $0xFFFFD800  }
0x93: {  	[tilespmem:s17], [sflag:$0x1] =	stream.indirect.gather [hbm4b:s5+s14], $0x80, s29, s14, $0xb8;
	[tilespmem:$0x1F000] =	vst v63  }
0x94: {  	s30 =	sadd.s32 $0x580, s24  }
0x95: {  	[spmem:s3] =	stream.indirect.scatter.add.f32 [tilespmem:s20], [sflag:$0x2], $0x80, s30, s14, $0xb8;
	[tilespmem:$0x1F000] =	vst v63  }
0x96: {  	_ =	swait.ge [sflag:s18], $0x2800  }
0x97: {  	[sflag:s18] =	ssyncset.done $0x0  }
0x98: {  	[sflag:s18] =	ssyncadd.s32 $0xFFFFD800  }
0x99: {  	_ =	swait.ge [sflag:s21], $0x2800  }
0x9a: {  	[sflag:s21] =	ssyncset.done $0x0  }
0x9b: {  	s31 =	sadd.s32 $0x300, s24;
	[sflag:s21] =	ssyncadd.s32 $0xFFFFD800  }
0x9c: {  	[tilespmem:s19], [sflag:$0x1] =	stream.indirect.gather [hbm4b:s5+s14], $0x80, s31, s14, $0xb8;
	[tilespmem:$0x1F000] =	vst v63  }
0x9d: {  	s28 =	sadd.s32 $0x600, s24  }
0x9e: {  	[spmem:s3] =	stream.indirect.scatter.add.f32 [tilespmem:s15], [sflag:$0x2], $0x80, s28, s14, $0xb8;
	[tilespmem:$0x1F000] =	vst v63  }
0x9f: {  	_ =	swait.ge [sflag:s18], $0x2800  }
0xa0: {  	[sflag:s18] =	ssyncset.done $0x0  }
0xa1: {  	[sflag:s18] =	ssyncadd.s32 $0xFFFFD800  }
0xa2: {  	_ =	swait.ge [sflag:s21], $0x2800  }
0xa3: {  	[sflag:s21] =	ssyncset.done $0x0  }
0xa4: {  	[sflag:s21] =	ssyncadd.s32 $0xFFFFD800  }
0xa5: {  	_ =	swait.ge [sflag:s13], $0x800  }
0xa6: {  	[sflag:s13] =	ssyncset.done $0x0  }
0xa7: {  	s29 =	sadd.s32 $0x380, s24;
	[sflag:s13] =	ssyncadd.s32 $0xFFFFF800  }
0xa8: {  	[tilespmem:s20], [sflag:$0x1] =	stream.indirect.gather [hbm4b:s5+s14], $0x80, s29, s14, $0xb8;
	[tilespmem:$0x1F000] =	vst v63  }
0xa9: {  	s30 =	sadd.s32 $0x680, s24  }
0xaa: {  	[spmem:s3] =	stream.indirect.scatter.add.f32 [tilespmem:s17], [sflag:$0x2], $0x80, s30, s14, $0xb8;
	[tilespmem:$0x1F000] =	vst v63  }
0xab: {  	_ =	swait.ge [sflag:s18], $0x2800  }
0xac: {  	[sflag:s18] =	ssyncset.done $0x0  }
0xad: {  	[sflag:s18] =	ssyncadd.s32 $0xFFFFD800  }
0xae: {  	_ =	swait.ge [sflag:s21], $0x2800  }
0xaf: {  	[sflag:s21] =	ssyncset.done $0x0  }
0xb0: {  	[sflag:s21] =	ssyncadd.s32 $0xFFFFD800  }
0xb1: {  	[tilespmem:s15], [sflag:$0x1] =	stream.indirect.gather [hbm4b:s5+s14], $0x80, s25, s14, $0xb8;
	[tilespmem:$0x1F000] =	vst v63  }
0xb2: {  	s31 =	sadd.s32 $0x700, s24  }
0xb3: {  	[spmem:s3] =	stream.indirect.scatter.add.f32 [tilespmem:s19], [sflag:$0x2], $0x80, s31, s14, $0xb8;
	[tilespmem:$0x1F000] =	vst v63  }
0xb4: {  	_ =	swait.ge [sflag:s18], $0x2800  }
0xb5: {  	p0 =	sne.s32 s23, $0x8000;
	[sflag:s18] =	ssyncset.done $0x0  }
.Ltmp0:
0xb6: {  	[sflag:s18] =	ssyncadd.s32 $0xFFFFD800;
	(pc) =	sbr.rel @p0 .LBB2_2-.Ltmp0, $4  }
0xb7: {  	_ =	swait.ge [sflag:s21], $0x2800  }
0xb8: {  	[sflag:s21] =	ssyncset.done $0x0  }
0xb9: {  	s24 =	sadd.s32 $0x780, s24;
	s25 =	sor.u32 $0x80, s25;
	[sflag:s21] =	ssyncadd.s32 $0xFFFFD800  }
0xba: {  	[tilespmem:s17], [sflag:$0x1] =	stream.indirect.gather [hbm4b:s5+s14], $0x80, s25, s14, $0xb8;
	[tilespmem:$0x1F000] =	vst v63  }
0xbb: {  	[spmem:s3] =	stream.indirect.scatter.add.f32 [tilespmem:s20], [sflag:$0x2], $0x80, s24, s14, $0xb8;
	[tilespmem:$0x1F000] =	vst v63  }
0xbc: {  	_ =	swait.ge [sflag:s18], $0x2800  }
0xbd: {  	[sflag:s18] =	ssyncset.done $0x0  }
0xbe: {  	[sflag:s18] =	ssyncadd.s32 $0xFFFFD800  }
0xbf: {  	_ =	swait.ge [sflag:s18], $0x2800  }
0xc0: {  	[sflag:s18] =	ssyncset.done $0x0  }
0xc1: {  	[sflag:s18] =	ssyncadd.s32 $0xFFFFD800  }
0xc2: {  	_ =	swait.ge [sflag:s21], $0x2800  }
0xc3: {  	[sflag:s21] =	ssyncset.done $0x0  }
0xc4: {  	[sflag:s21] =	ssyncadd.s32 $0xFFFFD800  }
0xc5: {  	_ =	swait.ge [sflag:s21], $0x2800  }
0xc6: {  	s22 =	sadd.s32 $0x1, s22;
	[sflag:s21] =	ssyncset.done $0x0  }
0xc7: {  	p0 =	sne.s32 s22, s8;
	[sflag:s21] =	ssyncadd.s32 $0xFFFFD800  }
.Ltmp1:
0xc8: {  	[bflag:$0x0] =	sbarrier.arrive $0xFFFF;
	(pc) =	sbr.rel @p0 .LBB2_1-.Ltmp1, $4  }
0xc9: {  	[hbm:s7], [sflag:s10] =	dma.local [spmem:s11], $0x2800  }
0xca: {  	_ =	swait.ge [sflag:s12], $0x2800  }
0xcb: {  	[sflag:s12] =	ssyncset.done $0x0  }
0xcc: {  	[sflag:s12] =	ssyncadd.s32 $0xFFFFD800  }
0xcd: {  	_ =	sfence.sel $0x180000  }
0xce: {  	[bflag:$0x0] =	sbarrier.arrive $0xFFFF  }
0xcf: {  	p0 =	sne.s32 s1, $0x0;
	_ =	strace $0x9000004D  }
0xd0: {  	s0 =	sadd.s32 @!p0 $0x100000, s0;
	[bflag:$0x2] =	sbarrier.arrive $0xFFFF  }
0xd1: {  	[sflag:s0] =	ssyncadd.tile.s32 @!p0 $0x1;
	_ =	shalt  }
.Lfunc_end2:
_tile_overlayer_lowered:
.L_overlay_start_2:
0xd2: {  	(tag) =	ssettag $0x2  }
0xd3: {  	s0 =	rddreg [dreg:$0x0];
	s2 =	stileid.u32  }
0xd4: {  	s1 =	rddreg [dreg:$0x1];
	p0 =	sne.s32 s2, $0x0  }
0xd5: {  	s3 =	rddreg [dreg:$0x2];
	[bflag:$0x3] =	sbarrier.arrive $0xFFFF;
	s2 =	simm.s32 @!p0 $0x1C04  }
0xd6: {  	[timem:s3], [sflag:s2] =	dma.local @!p0 [hbm:s0], s1  }
0xd7: {  	s0 =	simm.s32 @!p0 $0x4  }
0xd8: {  	_ =	swait.ge @!p0 [sflag:s0], s1  }
0xd9: {  	s1 =	ssub.s32 @!p0 $0x0, s1;
	[sflag:s0] =	ssyncset.done @!p0 $0x0  }
0xda: {  	[sflag:s0] =	ssyncadd.s32 @!p0 s1  }
0xdb: {  	[bflag:$0x3] =	sbarrier.arrive $0xFFFF  }
0xdc: {  	_ =	shalt  }

// kernel: kernel.8.cloned.1.call-start
scs
__scs_entry_jumppad:
0x0: {  	(pc) =	sbr.rel $0x88, $3  }
0x1: {  	(tag) =	ssettag $0x0;
	lr =	simm.s32 $0x1  }
0x2: {  	[smem:$0x3F97] =	sst lr;
	_ =	strace $0xD0000000  }
0x3: {  	_ = 	snop  }
0x4: {  	_ = 	snop  }
0x5: {  	_ = 	snop  }
0x6: {  	_ = 	snop  }
0x7: {  	_ = 	snop  }
__scs_overlays_trampoline_lowered:
0x8: {  	[smem:$0x3FA6] =	sst s0  }
0x9: {  	[smem:$0x3FA7] =	sst s1  }
0xa: {  	[smem:$0x3FA8] =	sst s2  }
0xb: {  	[smem:$0x3FA9] =	sst s3  }
0xc: {  	[smem:$0x3FAA] =	sst s4  }
0xd: {  	[smem:$0x3FAB] =	sst s5  }
0xe: {  	[smem:$0x3FAC] =	sst s6  }
0xf: {  	[smem:$0x3FAD] =	sst s7  }
0x10: {  	[smem:$0x3FAE] =	sst s8  }
0x11: {  	[smem:$0x3FAF] =	sst s9;
	s0 =	simm.s32 @!p0 $0x0  }
0x12: {  	s1 =	sld [smem:$0x3F95];
	s0 =	simm.s32 @p0 $0x1  }
0x13: {  	[smem:$0x3FB0] =	sst s0;
	s0 =	simm.s32 @!p1 $0x0  }
0x14: {  	s2 =	sld [smem:$0x3F94];
	s0 =	simm.s32 @p1 $0x1  }
0x15: {  	[smem:$0x3FB1] =	sst s0;
	s0 =	simm.s32 @!p2 $0x0  }
0x16: {  	s3 =	sld [smem:$0x3FDB];
	s0 =	simm.s32 @p2 $0x1  }
0x17: {  	s4 =	simm.s32 $0x1BF5;
	[smem:$0x3FB3] =	sst s0  }
0x18: {  	s0 =	sld [smem:$0x3F96];
	_ =	swait.ge [sflag:s4], $0x0  }
0x19: {  	s7 =	sld [smem:$0x3F97]  }
0x1a: {  	s8 =	sadd.s32 $0xFFFFE003, lr  }
0x1b: {  	s9 =	sadd.s32 $0xFFFFFEF7, lr;
	s5 =	simm.s32 $0xFFFFFFFF;
	p2 =	slt.u32 s8, $0xFFFFF086  }
0x1c: {  	p1 =	slt.u32 s9, $0xF7A;
	s5 =	simm.s32 @!p2 $0x0  }
0x1d: {  	s5 =	simm.s32 @p1 $0x1;
	p0 =	seq.s32 s7, s2  }
0x1e: {  	s7 =	smul.u32 @!p0 $0xF7A, s2;
	p2 =	seq.s32 @!p0 s5, $0x0  }
0x1f: {  	s9 =	smul.u32 $0xF7A, s1;
	s8 =	simm.s32 @!p0 $0x1BF5;
	p2 =	por !p2, p0  }
0x20: {  	[sflag:s8] =	ssyncset.s32 @!p0 $0xFFFFF086;
	s6 =	sadd.s32 @!p0 s3, s7;
	s7 =	simm.s32 @!p0 $0x108  }
0x21: {  	s3 =	sadd.s32 s3, s9;
	s6 =	sadd.s32 @!p0 $0x88, s6;
	s7 =	simm.s32 @p2 $0x1082  }
0x22: {  	[simem:s7], [sflag:s8] =	dma.local @!p0 [hbm:s6], $0xF7A  }
0x23: {  	s9 =	sor.u32 $0xD0000000, s2;
	s6 =	simm.s32 $0x108;
	_ =	swait.ge @!p0 [sflag:s8], $0x0  }
0x24: {  	s3 =	sadd.s32 $0x88, s3;
	s6 =	simm.s32 @!p1 $0x1082;
	[sflag:s4] =	ssyncset.s32 $0xFFFFF086  }
0x25: {  	[simem:s6], [sflag:s4] =	dma.local [hbm:s3], $0xF7A  }
0x26: {  	[smem:$0x3F97] =	sst s1;
	(tag) =	ssettag s2;
	_ =	strace s9  }
0x27: {  	s1 =	sld [smem:$0x3FA7]  }
0x28: {  	s2 =	sld [smem:$0x3FA8]  }
0x29: {  	s4 =	sld [smem:$0x3FAA]  }
0x2a: {  	p0 =	seq.s32 s5, $0x0;
	s5 =	sld [smem:$0x3FAB]  }
0x2b: {  	s6 =	sld [smem:$0x3FAC]  }
0x2c: {  	s7 =	sld [smem:$0x3FAD]  }
0x2d: {  	s3 =	simm.s32 $0x108;
	s8 =	sld [smem:$0x3FAE]  }
0x2e: {  	s3 =	simm.s32 @!p0 $0x1082;
	s9 =	sld [smem:$0x3FAF]  }
0x2f: {  	lr =	sadd.s32 s0, s3;
	s0 =	sld [smem:$0x3FA6]  }
0x30: {  	s3 =	sld [smem:$0x3FA9]  }
0x31: {  	[smem:$0x3FB2] =	sst s10  }
0x32: {  	s10 =	sld [smem:$0x3FB0];
	_ =	sdelay $0x3  }
0x33: {  	p0 =	seq.s32 s10, $0x1;
	s10 =	sld [smem:$0x3FB2];
	_ =	sdelay $0x3  }
0x34: {  	[smem:$0x3FB2] =	sst s10  }
0x35: {  	s10 =	sld [smem:$0x3FB1];
	_ =	sdelay $0x3  }
0x36: {  	p1 =	seq.s32 s10, $0x1;
	s10 =	sld [smem:$0x3FB2];
	_ =	sdelay $0x3  }
0x37: {  	[smem:$0x3FB2] =	sst s10  }
0x38: {  	s10 =	sld [smem:$0x3FB3]  }
0x39: {  	_ = 	snop;
	(pc) =	sbr.ind lr, $3  }
0x3a: {  	_ = 	snop  }
0x3b: {  	_ = 	snop  }
0x3c: {  	p2 =	seq.s32 s10, $0x1;
	s10 =	sld [smem:$0x3FB2]  }
0x3d: {  	_ =	shalt  }
0x3e: {  	_ =	shalt  }
0x3f: {  	_ =	shalt  }
0x40: {  	_ =	shalt  }
0x41: {  	_ =	shalt  }
0x42: {  	_ =	shalt  }
0x43: {  	_ =	shalt  }
0x44: {  	_ =	shalt  }
0x45: {  	_ =	shalt  }
0x46: {  	_ =	shalt  }
0x47: {  	_ =	shalt  }
0x48: {  	_ =	shalt  }
0x49: {  	_ =	shalt  }
0x4a: {  	_ =	shalt  }
0x4b: {  	_ =	shalt  }
0x4c: {  	_ =	shalt  }
0x4d: {  	_ =	shalt  }
0x4e: {  	_ =	shalt  }
0x4f: {  	_ =	shalt  }
0x50: {  	_ =	shalt  }
0x51: {  	_ =	shalt  }
0x52: {  	_ =	shalt  }
0x53: {  	_ =	shalt  }
0x54: {  	_ =	shalt  }
0x55: {  	_ =	shalt  }
0x56: {  	_ =	shalt  }
0x57: {  	_ =	shalt  }
0x58: {  	_ =	shalt  }
0x59: {  	_ =	shalt  }
0x5a: {  	_ =	shalt  }
0x5b: {  	_ =	shalt  }
0x5c: {  	_ =	shalt  }
0x5d: {  	_ =	shalt  }
0x5e: {  	_ =	shalt  }
0x5f: {  	_ =	shalt  }
0x60: {  	_ =	shalt  }
0x61: {  	_ =	shalt  }
0x62: {  	_ =	shalt  }
0x63: {  	_ =	shalt  }
0x64: {  	_ =	shalt  }
0x65: {  	_ =	shalt  }
0x66: {  	_ =	shalt  }
0x67: {  	_ =	shalt  }
0x68: {  	_ =	shalt  }
0x69: {  	_ =	shalt  }
0x6a: {  	_ =	shalt  }
0x6b: {  	_ =	shalt  }
0x6c: {  	_ =	shalt  }
0x6d: {  	_ =	shalt  }
0x6e: {  	_ =	shalt  }
0x6f: {  	_ =	shalt  }
0x70: {  	_ =	shalt  }
0x71: {  	_ =	shalt  }
0x72: {  	_ =	shalt  }
0x73: {  	_ =	shalt  }
0x74: {  	_ =	shalt  }
0x75: {  	_ =	shalt  }
0x76: {  	_ =	shalt  }
0x77: {  	_ =	shalt  }
0x78: {  	_ =	shalt  }
0x79: {  	_ =	shalt  }
0x7a: {  	_ =	shalt  }
0x7b: {  	_ =	shalt  }
0x7c: {  	_ =	shalt  }
0x7d: {  	_ =	shalt  }
0x7e: {  	_ =	shalt  }
0x7f: {  	_ =	shalt  }
0x80: {  	_ =	shalt  }
0x81: {  	_ =	shalt  }
0x82: {  	_ =	shalt  }
0x83: {  	_ =	shalt  }
0x84: {  	_ =	shalt  }
0x85: {  	_ =	shalt  }
0x86: {  	_ =	shalt  }
0x87: {  	_ =	shalt  }
.Lfunc_end0:
.L_simem_size_0:
called_computation_lowered:
.L_overlay_start_0:
0x88: {  	s2 =	sld [smem:$0x3FD9]  }
0x89: {  	s3 =	sld [smem:$0x3FFE];
	_ =	sdelay $0x1  }
0x8a: {  	s1 =	srdreg.scid  }
0x8b: {  	s0 =	sand.u32 $0x1, s1  }
0x8c: {  	s16 =	sshll.u32 s0, $0xA;
	s2 =	sadd.s32 s3, s2  }
0x8d: {  	s2 =	sadd.s32 s2, s16  }
0x8e: {  	[smem:$0x3FBE] =	sst s2  }
0x8f: {  	_ = 	snop  }
0x90: {  	(tm) =	ssettm $0x1  }
0x91: {  	s17 =	sld [smem:$0x3FFB];
	_ =	sdelay $0x3  }
0x92: {  	_ =	strace s17  }
0x93: {  	s2 =	sld [smem:$0x3FFC];
	_ =	sdelay $0x3  }
0x94: {  	_ =	strace s2  }
0x95: {  	s2 =	sld [smem:$0x3FFD];
	_ =	sdelay $0x3  }
0x96: {  	_ =	strace s2  }
0x97: {  	_ =	strace $0x8FFFFFFF  }
0x98: {  	s18 =	sld [smem:$0x3FDB];
	_ =	sdelay $0x1  }
0x99: {  	s19 =	simm.s32 $_scs_section_size  }
0x9a: {  	s4 =	simm.s32 $_size__tile_overlayer_lowered;
	s5 =	simm.s32 $_tile_overlayer_lowered  }
0x9b: {  	s22 =	simm.s32 $0x1BFF;
	s21 =	sshll.u32 s5, $0x1;
	s2 =	sadd.s32 s19, s18  }
0x9c: {  	s6 =	simm.s32 $0x0;
	s20 =	sshll.u32 s4, $0x1;
	s4 =	sadd.s32 s21, s2  }
0x9d: {  	[timem:s6], [sflag:s22] =	dma.local [hbm:s4], s20  }
0x9e: {  	_ =	swait.ge [sflag:s22], s20  }
0x9f: {  	s3 =	ssub.s32 $0x0, s20;
	[sflag:s22] =	ssyncset.done $0x0  }
0xa0: {  	[sflag:s22] =	ssyncadd.s32 s3;
	_ =	sdelay $0x1  }
0xa1: {  	s23 =	simm.s32 $0x1B8B  }
0xa2: {  	_ =	swait.ge [sflag:s23], $0x1  }
0xa3: {  	[sflag:s23] =	ssyncset.done $0x0  }
0xa4: {  	s25 =	simm.s32 $0x1B8E;
	s24 =	sld [smem:$0x3FFE];
	[sflag:s23] =	ssyncadd.s32 $0xFFFFFFFF  }
0xa5: {  	s26 =	simm.s32 $execute0_lowered;
	[smem:$0x3FD2] =	sst s25  }
0xa6: {  	s4 =	sshll.u32 s26, $0x1;
	_ =	strace $0x80000046;
	[dreg:$0x1] =	wrdreg $0xFFFFFFFF  }
0xa7: {  	s28 =	simm.s32 $_size_execute0_lowered;
	s2 =	sadd.s32 s2, s4;
	[dreg:$0x0] =	wrdreg $0x0  }
0xa8: {  	s4 =	sshll.u32 s28, $0x1;
	[dreg:$0x2] =	wrdreg s2  }
0xa9: {  	[dreg:$0x3] =	wrdreg s4  }
0xaa: {  	[dreg:$0x4] =	wrdreg $0xC0  }
0xab: {  	_ =	task [dreg:s6], $0x5FFFF  }
0xac: {  	[dreg:$0x1] =	wrdreg $0xFFFFFFFF  }
0xad: {  	[dreg:$0x0] =	wrdreg $0x60  }
0xae: {  	[dreg:$0x2] =	wrdreg s24  }
0xaf: {  	[dreg:$0x3] =	wrdreg $0x54000  }
0xb0: {  	[dreg:$0x4] =	wrdreg $0x9  }
0xb1: {  	_ =	task.clear_ibuf [dreg:s6], $0x5FFFF;
	_ =	strace $0x90000046  }
0xb2: {  	s29 =	simm.s32 $0x9;
	_ =	strace $0x80000048  }
0xb3: {  	_ =	swait.ge [sflag:s29], $0x1  }
0xb4: {  	[sflag:s29] =	ssyncadd.s32 $0xFFFFFFFF  }
0xb5: {  	_ =	strace $0x90000048  }
0xb6: {  	_ =	sfence  }
0xb7: {  	s30 =	sld [smem:$0x0];
	_ =	sdelay $0x2  }
0xb8: {  	s31 =	sshll.u32 s1, $0xD;
	s1 =	sshrl.u32 s1, $0x2  }
0xb9: {  	s3 =	sand.u32 $0x4000, s31;
	s1 =	sadd.s32 s1, s30  }
0xba: {  	s0 =	sor.u32 s3, s0;
	s1 =	sshll.u32 s1, $0x11  }
0xbb: {  	s0 =	sor.u32 s1, s0  }
0xbc: {  	s0 =	sadd.s32 $0x8F2B, s0  }
0xbd: {  	[sflag:s0] =	ssyncadd.remote.s32 $0x1  }
0xbe: {  	_ =	sfence.sel $0xFFFF  }
0xbf: {  	[dreg:$0x0] =	wrdreg $0xFFFFFFFF;
	(pc) =	sbr.abs _section_cstart, $3  }
0xc0: {  	[dreg:$0x1] =	wrdreg $0xFFFFFFFF  }
0xc1: {  	_ =	task.clear_ibuf [dreg:s6], $0x2FFFF;
	_ =	strace $0x9FFFFFFF  }
0xc2: {  	(tm) =	ssettm $0x7FFFFFFF  }
0xc3: {  	_ =	shalt  }
tec
execute0_lowered:
.L_overlay_start_1:
0x0: {  	(tag) =	ssettag $0x1  }
0x1: {  	s6 =	rddreg [dreg:$0x0]  }
0x2: {  	s0 =	srdreg.scid;
	s2 =	rddreg [dreg:$0x1]  }
0x3: {  	s3 =	simm.s32 $0x0;
	s13 =	simm.s32 $0x1400;
	s14 =	simm.s32 $0x80  }
0x4: {  	s15 =	simm.s32 $0x100;
	s16 =	simm.s32 $0x180;
	s5 =	sand.u32 $0x1, s0  }
0x5: {  	s17 =	simm.s32 $0x1;
	s0 =	stileid.u32;
	s7 =	smul.u32 $0x140000, s5  }
0x6: {  	s18 =	simm.s32 $0x0;
	[smem:$0x7FF] =	sst s3;
	s8 =	smul.u32 $0x14000, s0  }
0x7: {  	s11 =	sadd.s32 $0xC600, s6;
	s1 =	sshll.u32 s5, $0x4;
	s10 =	smul.u32 $0x50000, s0  }
0x8: {  	s26 =	ssub.s32 $0x2, s5;
	p0 =	seq.s32 s5, $0x0;
	s30 =	smul.u32 $0x2800, s0  }
0x9: {  	s31 =	sshll.u32 s0, $0x6;
	s1 =	sor.u32 s0, s1;
	s28 =	sshrl.u32 s26, $0x1  }
0xa: {  	s4 =	smul.u32 $0x2800, s1;
	s1 =	rddreg [dreg:$0x2];
	_ =	strace $0x80000047  }
0xb: {  	s7 =	sadd.s32 s8, s7;
	s29 =	sshrl.u32 s10, $0x2;
	s10 =	sor.u32 $0x1C02, s31  }
0xc: {  	s7 =	sshrl.u32 s7, $0x3;
	s12 =	sadd.s32 s29, s2;
	s9 =	sshrl.u32 s4, $0x3  }
0xd: {  	s4 =	sadd.s32 $0x34600, s6;
	s9 =	sadd.s32 s9, s6;
	s6 =	sadd.s32 s7, s6  }
0xe: {  	s7 =	ssub.s32 s26, s28;
	s11 =	smov.u32 @p0 s4;
	s5 =	sadd.s32 $0x5C600, s6  }
0xf: {  	s6 =	smax.u32 s7, $0x1;
	s7 =	sadd.s32 $0x2600, s9;
	s8 =	sadd.s32 $0x2880, s9  }
0x10: {  	s9 =	sadd.s32 s11, s30;
	s11 =	sshrl.u32 s12, $0x3;
	s12 =	simm.s32 $0x2  }
.LBB2_1:
0x11: {  	[spmem:s11], [sflag:s10] =	dma.local [hbm:s9], $0x2800  }
0x12: {  	_ =	swait.ge [sflag:s12], $0x2800  }
0x13: {  	[sflag:s12] =	ssyncset.done $0x0  }
0x14: {  	[sflag:s12] =	ssyncadd.s32 $0xFFFFD800  }
0x15: {  	[tilespmem:s13], [sflag:$0x2] =	stream.linear.gather [hbm4b:s4+s3], $0x4000, $0x38;
	[tilespmem:$0x19400] =	vst v63  }
0x16: {  	_ =	swait.ge [sflag:s12], $0x4000  }
0x17: {  	[sflag:s12] =	ssyncset.done $0x0  }
0x18: {  	[sflag:s12] =	ssyncadd.s32 $0xFFFFC000  }
0x19: {  	[bflag:$0x0] =	sbarrier.arrive $0xFFFF  }
0x1a: {  	[tilespmem:s3], [sflag:$0x2] =	stream.linear.gather [hbm4b:s7+s3], $0x1400, $0x38;
	[tilespmem:$0x19400] =	vst v63  }
0x1b: {  	_ =	swait.ge [sflag:s12], $0x1400  }
0x1c: {  	[sflag:s12] =	ssyncset.done $0x0  }
0x1d: {  	[sflag:s12] =	ssyncadd.s32 $0xFFFFEC00  }
0x1e: {  	[spmem:s2] =	stream.indirect.scatter.add.f32 [tilespmem:s13], [sflag:$0x1], $0x80, s3, s14, $0xb8;
	[tilespmem:$0x19400] =	vst v63  }
0x1f: {  	_ = 	snop  }
0x20: {  	[spmem:s2] =	stream.indirect.scatter.add.f32 [tilespmem:s13], [sflag:$0x1], $0x80, s14, s14, $0xb8;
	[tilespmem:$0x19400] =	vst v63  }
0x21: {  	_ = 	snop  }
0x22: {  	[spmem:s2] =	stream.indirect.scatter.add.f32 [tilespmem:s13], [sflag:$0x1], $0x80, s15, s14, $0xb8;
	[tilespmem:$0x19400] =	vst v63  }
0x23: {  	_ = 	snop  }
0x24: {  	[spmem:s2] =	stream.indirect.scatter.add.f32 [tilespmem:s13], [sflag:$0x1], $0x80, s16, s14, $0xb8;
	[tilespmem:$0x19400] =	vst v63  }
0x25: {  	s19 =	simm.s32 $0x200  }
0x26: {  	[spmem:s2] =	stream.indirect.scatter.add.f32 [tilespmem:s13], [sflag:$0x1], $0x80, s19, s14, $0xb8;
	[tilespmem:$0x19400] =	vst v63  }
0x27: {  	_ =	swait.ge [sflag:s17], $0x4000  }
0x28: {  	s19 =	simm.s32 $0xA00;
	[sflag:s17] =	ssyncset.done $0x0  }
.LBB2_2:
0x29: {  	s20 =	sshra.s32 s19, $0x2;
	[sflag:s17] =	ssyncadd.s32 $0xFFFFC000;
	p0 =	sne.s32 s19, $0x4E00  }
0x2a: {  	[spmem:s2] =	stream.indirect.scatter.add.f32 [tilespmem:s13], [sflag:$0x1], $0x80, s20, s14, $0xb8;
	[tilespmem:$0x19400] =	vst v63  }
.Ltmp0:
0x2b: {  	_ = 	snop;
	(pc) =	sbr.rel @p0 .LBB2_2-.Ltmp0, $4  }
0x2c: {  	_ = 	snop  }
0x2d: {  	s19 =	sadd.s32 $0x200, s19  }
0x2e: {  	_ =	swait.ge [sflag:s17], $0x4000  }
0x2f: {  	[sflag:s17] =	ssyncset.done $0x0  }
0x30: {  	[sflag:s17] =	ssyncadd.s32 $0xFFFFC000  }
0x31: {  	_ =	swait.ge [sflag:s17], $0x4000  }
0x32: {  	[sflag:s17] =	ssyncset.done $0x0  }
0x33: {  	[sflag:s17] =	ssyncadd.s32 $0xFFFFC000  }
0x34: {  	_ =	swait.ge [sflag:s17], $0x4000  }
0x35: {  	[sflag:s17] =	ssyncset.done $0x0  }
0x36: {  	[sflag:s17] =	ssyncadd.s32 $0xFFFFC000  }
0x37: {  	_ =	swait.ge [sflag:s17], $0x4000  }
0x38: {  	[sflag:s17] =	ssyncset.done $0x0  }
0x39: {  	[sflag:s17] =	ssyncadd.s32 $0xFFFFC000  }
0x3a: {  	_ =	swait.ge [sflag:s17], $0x4000  }
0x3b: {  	[sflag:s17] =	ssyncset.done $0x0  }
0x3c: {  	[sflag:s17] =	ssyncadd.s32 $0xFFFFC000  }
0x3d: {  	[tilespmem:s3], [sflag:$0x2] =	stream.linear.gather [hbm4b:s8+s3], $0x1400, $0x38;
	[tilespmem:$0x19400] =	vst v63  }
0x3e: {  	_ =	swait.ge [sflag:s12], $0x1400  }
0x3f: {  	[sflag:s12] =	ssyncset.done $0x0  }
0x40: {  	[sflag:s12] =	ssyncadd.s32 $0xFFFFEC00  }
0x41: {  	[spmem:s2] =	stream.indirect.scatter.add.f32 [tilespmem:s13], [sflag:$0x1], $0x80, s3, s14, $0xb8;
	[tilespmem:$0x19400] =	vst v63  }
0x42: {  	_ = 	snop  }
0x43: {  	[spmem:s2] =	stream.indirect.scatter.add.f32 [tilespmem:s13], [sflag:$0x1], $0x80, s14, s14, $0xb8;
	[tilespmem:$0x19400] =	vst v63  }
0x44: {  	_ = 	snop  }
0x45: {  	[spmem:s2] =	stream.indirect.scatter.add.f32 [tilespmem:s13], [sflag:$0x1], $0x80, s15, s14, $0xb8;
	[tilespmem:$0x19400] =	vst v63  }
0x46: {  	_ = 	snop  }
0x47: {  	[spmem:s2] =	stream.indirect.scatter.add.f32 [tilespmem:s13], [sflag:$0x1], $0x80, s16, s14, $0xb8;
	[tilespmem:$0x19400] =	vst v63  }
0x48: {  	s19 =	simm.s32 $0x200  }
0x49: {  	[spmem:s2] =	stream.indirect.scatter.add.f32 [tilespmem:s13], [sflag:$0x1], $0x80, s19, s14, $0xb8;
	[tilespmem:$0x19400] =	vst v63  }
0x4a: {  	_ =	swait.ge [sflag:s17], $0x4000  }
0x4b: {  	s19 =	simm.s32 $0xA00;
	[sflag:s17] =	ssyncset.done $0x0  }
.LBB2_4:
0x4c: {  	s20 =	sshra.s32 s19, $0x2;
	[sflag:s17] =	ssyncadd.s32 $0xFFFFC000;
	p0 =	sne.s32 s19, $0x4E00  }
0x4d: {  	[spmem:s2] =	stream.indirect.scatter.add.f32 [tilespmem:s13], [sflag:$0x1], $0x80, s20, s14, $0xb8;
	[tilespmem:$0x19400] =	vst v63  }
.Ltmp1:
0x4e: {  	_ = 	snop;
	(pc) =	sbr.rel @p0 .LBB2_4-.Ltmp1, $4  }
0x4f: {  	_ = 	snop  }
0x50: {  	s19 =	sadd.s32 $0x200, s19  }
0x51: {  	_ =	swait.ge [sflag:s17], $0x4000  }
0x52: {  	[sflag:s17] =	ssyncset.done $0x0  }
0x53: {  	[sflag:s17] =	ssyncadd.s32 $0xFFFFC000  }
0x54: {  	_ =	swait.ge [sflag:s17], $0x4000  }
0x55: {  	[sflag:s17] =	ssyncset.done $0x0  }
0x56: {  	[sflag:s17] =	ssyncadd.s32 $0xFFFFC000  }
0x57: {  	_ =	swait.ge [sflag:s17], $0x4000  }
0x58: {  	[sflag:s17] =	ssyncset.done $0x0  }
0x59: {  	[sflag:s17] =	ssyncadd.s32 $0xFFFFC000  }
0x5a: {  	_ =	swait.ge [sflag:s17], $0x4000  }
0x5b: {  	[sflag:s17] =	ssyncset.done $0x0  }
0x5c: {  	[sflag:s17] =	ssyncadd.s32 $0xFFFFC000  }
0x5d: {  	_ =	swait.ge [sflag:s17], $0x4000  }
0x5e: {  	s18 =	sadd.s32 $0x1, s18;
	[sflag:s17] =	ssyncset.done $0x0  }
0x5f: {  	p0 =	sne.s32 s18, s6;
	[sflag:s17] =	ssyncadd.s32 $0xFFFFC000  }
.Ltmp2:
0x60: {  	[bflag:$0x0] =	sbarrier.arrive $0xFFFF;
	(pc) =	sbr.rel @p0 .LBB2_1-.Ltmp2, $4  }
0x61: {  	[hbm:s5], [sflag:s10] =	dma.local [spmem:s11], $0x2800  }
0x62: {  	_ =	swait.ge [sflag:s12], $0x2800  }
0x63: {  	[sflag:s12] =	ssyncset.done $0x0  }
0x64: {  	[sflag:s12] =	ssyncadd.s32 $0xFFFFD800  }
0x65: {  	_ =	sfence.sel $0x180000  }
0x66: {  	[bflag:$0x0] =	sbarrier.arrive $0xFFFF  }
0x67: {  	p0 =	sne.s32 s0, $0x0;
	_ =	strace $0x90000047  }
0x68: {  	s0 =	sadd.s32 @!p0 $0x100000, s1;
	[bflag:$0x2] =	sbarrier.arrive $0xFFFF  }
0x69: {  	[sflag:s0] =	ssyncadd.tile.s32 @!p0 $0x1;
	_ =	shalt  }
.Lfunc_end2:
_tile_overlayer_lowered:
.L_overlay_start_2:
0x6a: {  	(tag) =	ssettag $0x2  }
0x6b: {  	s0 =	rddreg [dreg:$0x0];
	s2 =	stileid.u32  }
0x6c: {  	s1 =	rddreg [dreg:$0x1];
	p0 =	sne.s32 s2, $0x0  }
0x6d: {  	s3 =	rddreg [dreg:$0x2];
	[bflag:$0x3] =	sbarrier.arrive $0xFFFF;
	s2 =	simm.s32 @!p0 $0x1C02  }
0x6e: {  	[timem:s3], [sflag:s2] =	dma.local @!p0 [hbm:s0], s1  }
0x6f: {  	s0 =	simm.s32 @!p0 $0x2  }
0x70: {  	_ =	swait.ge @!p0 [sflag:s0], s1  }
0x71: {  	s1 =	ssub.s32 @!p0 $0x0, s1;
	[sflag:s0] =	ssyncset.done @!p0 $0x0  }
0x72: {  	[sflag:s0] =	ssyncadd.s32 @!p0 s1  }
0x73: {  	[bflag:$0x3] =	sbarrier.arrive $0xFFFF  }
0x74: {  	_ =	shalt  }

</sc_bundles>
